<compile_context>
chip_gen: v7x
topology: tpu7x:2x2x1
jax: 0.10.2.dev20260603
libtpu: 0.0.44.dev20260713+nightly
codegen_flags: <defaults>
</compile_context>

<pallas_src>
import functools

import jax
import jax.numpy as jnp
from jax import lax
from jax.experimental import pallas as pl
from jax.experimental.pallas import tpu as pltpu
from jax.experimental.pallas import tpu_sc as plsc

T = 2048
IN_F = 1024
OUT_F = 1024
E = 8
TT = 512
NT = T // TT
K = NT + E - 1
_ROWS = 16
_COLS = 128

_SC_CORES = 2
_SC_SUBCORES = 16
_SC_WORKERS = _SC_CORES * _SC_SUBCORES


def _shift_lanes(x, sh, axis):
    rolled = pltpu.roll(x, sh, axis)
    pos = lax.broadcasted_iota(jnp.int32, x.shape, axis)
    return jnp.where(pos >= sh, rolled, 0)


def _router_body(idx_ref, pos_ref, meta_ref):
    idx2d = idx_ref[...]

    pos = jnp.zeros((_ROWS, _COLS), jnp.int32)
    start = jnp.zeros((1, 1), jnp.int32)
    starts = []
    for e in range(E):
        m = (idx2d == e).astype(jnp.int32)
        s = m
        for sh in (1, 2, 4, 8, 16, 32, 64):
            s = s + _shift_lanes(s, sh, 1)
        tot = s[:, _COLS - 1:_COLS]
        c = tot
        for sh in (1, 2, 4, 8):
            c = c + _shift_lanes(c, sh, 0)
        rank = (s - m) + (c - tot)
        pos = pos + m * (start + rank)
        starts.append(start)
        start = start + c[_ROWS - 1:_ROWS, :]
    starts.append(start)
    pos_ref[...] = pos

    kv = lax.broadcasted_iota(jnp.int32, (1, _COLS), 1)
    c_run = jnp.zeros((1, 1), jnp.int32)
    e_of_k = jnp.zeros((1, _COLS), jnp.int32)
    tile_k = jnp.zeros((1, _COLS), jnp.int32)
    lo_src = jnp.zeros((1, _COLS), jnp.int32)
    hi_src = jnp.zeros((1, _COLS), jnp.int32)
    c_list = []
    for e in range(E):
        se, ee = starts[e], starts[e + 1]
        count = ee - se
        tlo = se // TT
        thi = (jnp.maximum(ee, 1) - 1) // TT
        ntiles = jnp.where(count > 0, thi - tlo + 1, 0)
        c_list.append((c_run, se, ee, tlo))
        c_run = c_run + ntiles
    total = c_run
    for e in range(E):
        ce, se, ee, tlo = c_list[e]
        sel = (kv >= ce) & (kv < (c_list[e + 1][0] if e + 1 < E else total))
        e_of_k = jnp.where(sel, e, e_of_k)
        tile_k = jnp.where(sel, tlo + kv - ce, tile_k)
        lo_src = jnp.where(sel, se, lo_src)
        hi_src = jnp.where(sel, ee, hi_src)
    real = kv < total
    tile_k = jnp.where(real, tile_k, NT - 1)
    lo_k = jnp.where(real, jnp.maximum(lo_src - tile_k * TT, 0), 0)
    hi_k = jnp.where(real, jnp.minimum(hi_src - tile_k * TT, TT), 0)
    exp_k = jnp.where(real, e_of_k, E - 1)
    prev = _shift_lanes(tile_k + 1, 1, 1) - 1
    flag = (real & (tile_k != prev)).astype(jnp.int32)
    prev_e = _shift_lanes(exp_k + 1, 1, 1) - 1
    wnew = (exp_k != prev_e).astype(jnp.int32)

    meta_ref[0:1, :] = tile_k
    meta_ref[1:2, :] = exp_k
    meta_ref[2:3, :] = lo_k
    meta_ref[3:4, :] = hi_k
    meta_ref[4:5, :] = flag
    meta_ref[5:6, :] = wnew
    meta_ref[6:8, :] = jnp.zeros((2, _COLS), jnp.int32)


def _router(idx2d):
    return pl.pallas_call(
        _router_body,
        out_shape=(
            jax.ShapeDtypeStruct((_ROWS, _COLS), jnp.int32),
            jax.ShapeDtypeStruct((8, _COLS), jnp.int32),
        ),
    )(idx2d)


def _sc_scatter(rows, pos):
    B, D = rows.shape
    b_per_w = B // _SC_WORKERS
    mesh = plsc.VectorSubcoreMesh(core_axis_name="c", subcore_axis_name="s")

    @functools.partial(
        pl.kernel,
        mesh=mesh,
        out_type=jax.ShapeDtypeStruct((B, D), rows.dtype),
        scratch_types=[
            pltpu.VMEM((b_per_w,), jnp.int32),
            pltpu.VMEM((b_per_w, D), rows.dtype),
            pltpu.SemaphoreType.DMA,
        ],
    )
    def scatter_kernel(rows_hbm, pos_hbm, out_hbm, idx_v, rows_v, sem):
        wid = lax.axis_index("s") * _SC_CORES + lax.axis_index("c")
        base = wid * b_per_w
        pltpu.sync_copy(pos_hbm.at[pl.ds(base, b_per_w)], idx_v)
        pltpu.sync_copy(rows_hbm.at[pl.ds(base, b_per_w)], rows_v)
        pltpu.async_copy(rows_v, out_hbm.at[idx_v], sem).wait()

    return scatter_kernel(rows, pos)


def _sc_gather(table, idx):
    B = idx.shape[0]
    D = table.shape[1]
    b_per_w = B // _SC_WORKERS
    mesh = plsc.VectorSubcoreMesh(core_axis_name="c", subcore_axis_name="s")

    @functools.partial(
        pl.kernel,
        mesh=mesh,
        out_type=jax.ShapeDtypeStruct((B, D), table.dtype),
        scratch_types=[
            pltpu.VMEM((b_per_w,), jnp.int32),
            pltpu.VMEM((b_per_w, D), table.dtype),
            pltpu.SemaphoreType.DMA,
        ],
    )
    def gather_kernel(table_hbm, idx_hbm, out_hbm, idx_v, rows_v, sem):
        wid = lax.axis_index("s") * _SC_CORES + lax.axis_index("c")
        base = wid * b_per_w
        pltpu.sync_copy(idx_hbm.at[pl.ds(base, b_per_w)], idx_v)
        pltpu.async_copy(table_hbm.at[idx_v], rows_v, sem).wait()
        pltpu.sync_copy(rows_v, out_hbm.at[pl.ds(base, b_per_w)])

    return gather_kernel(table, idx)


def _group_body(meta_ref, x_ref, w_ref, o_ref, wbf_ref, xbf_ref):
    k = pl.program_id(0)
    lo = meta_ref[2, k]
    hi = meta_ref[3, k]

    @pl.when(meta_ref[5, k] == 1)
    def _():
        wbf_ref[...] = w_ref[0].astype(jnp.bfloat16)

    @pl.when(meta_ref[4, k] == 1)
    def _():
        xbf_ref[...] = x_ref[...].astype(jnp.bfloat16)

    rows = lax.broadcasted_iota(jnp.int32, (TT, 1), 0)
    xm = jnp.where((rows >= lo) & (rows < hi), xbf_ref[...], jnp.bfloat16(0))
    y = lax.dot_general(
        xm, wbf_ref[...], (((1,), (1,)), ((), ())),
        preferred_element_type=jnp.float32,
    )

    @pl.when(meta_ref[4, k] == 1)
    def _():
        o_ref[...] = y

    @pl.when(meta_ref[4, k] == 0)
    def _():
        o_ref[...] += y


def _grouped_matmul(meta, x_sorted, w):
    grid_spec = pltpu.PrefetchScalarGridSpec(
        num_scalar_prefetch=1,
        grid=(K,),
        in_specs=[
            pl.BlockSpec((TT, IN_F), lambda k, mr: (mr[0, k], 0)),
            pl.BlockSpec((1, OUT_F, IN_F), lambda k, mr: (mr[1, k], 0, 0)),
        ],
        out_specs=pl.BlockSpec((TT, OUT_F), lambda k, mr: (mr[0, k], 0)),
        scratch_shapes=[
            pltpu.VMEM((OUT_F, IN_F), jnp.bfloat16),
            pltpu.VMEM((TT, IN_F), jnp.bfloat16),
        ],
    )
    return pl.pallas_call(
        _group_body,
        grid_spec=grid_spec,
        out_shape=jax.ShapeDtypeStruct((T, OUT_F), jnp.float32),
    )(meta, x_sorted, w)


def kernel(input_, weight_stacked, indices):
    idx2d = indices.astype(jnp.int32).reshape(_ROWS, _COLS)
    pos2d, meta = _router(idx2d)
    pos = pos2d.reshape(T)

    x_sorted = _sc_scatter(input_, pos)
    y_sorted = _grouped_matmul(meta, x_sorted, weight_stacked)
    return _sc_gather(y_sorted, pos)

# --- scband reference (transcript-rebuilt; emitter-appended) ---
"""Pipeline reference for scband-row-parallel-linear-with-packed-28973849379120 (READ-ONLY COPY).

The authoritative reference and input builder live on the scoring server;
editing this copy changes nothing except your own understanding.
"""

import jax, jax.numpy as jnp
import numpy as np

T = 2048
IN_F = 1024
OUT_F = 1024
MAX_PACKED = 8

def setup_inputs(seed: int = 0) -> dict:
    key = jax.random.key(seed)
    k1, k2, k3 = jax.random.split(key, 3)
    input_ = jax.random.normal(k1, (T, IN_F), dtype=jnp.float32)
    # packed per-adapter/per-model weights, one [out, in] matrix per pack slot
    weight_stacked = jax.random.normal(k2, (MAX_PACKED, OUT_F, IN_F), dtype=jnp.float32) * 0.02
    # per-token pack index (which packed model each token belongs to)
    indices = jax.random.randint(k3, (T,), 0, MAX_PACKED, dtype=jnp.int64)
    return {"input_": input_, "weight_stacked": weight_stacked, "indices": indices}

def reference(input_, weight_stacked, indices):
    # RowParallelLinearWithPacked.forward with tp_size == 1, input_is_parallel=True:
    #   input_parallel = input_
    #   outputs[t] = input_[t] @ weight_stacked[indices[t]].T   (apply_swap / bgmv)
    #   no all-reduce (tp_size == 1), bias is None
    E, out_f, in_f = weight_stacked.shape
    outputs = jnp.zeros((input_.shape[0], out_f), dtype=input_.dtype)
    for e in range(E):
        mask = (indices == e).astype(input_.dtype)[:, None]
        y_e = input_ @ weight_stacked[e].T
        outputs = outputs + mask * y_e
    # forward returns (output, output_bias=None); return the output tensor
    return outputs

if False:  # reference __main__ guard neutralized (emitter)
    out = reference(**setup_inputs())
    print(out.shape, out.dtype)

if __name__ == "__main__":
    import jax
    _d = setup_inputs()
    print(jax.jit(kernel)(*tuple(_d.values())))

</pallas_src>

<mosaic_0001>
#map = affine_map<(d0, d1) -> (0, 0)>
#map1 = affine_map<(d0, d1) -> (0)>
module attributes {stable_mosaic.version = 14 : i64} {
  func.func @gather_kernel(%arg0: i32, %arg1: i32, %arg2: memref<2048x1024xf32, #tpu.memory_space<hbm>>, %arg3: memref<2048xi32, #tpu.memory_space<hbm>>, %arg4: memref<2048x1024xf32, #tpu.memory_space<hbm>>, %arg5: memref<64xi32, #tpu.memory_space<vmem>>, %arg6: memref<64x1024xf32, #tpu.memory_space<vmem>>, %arg7: memref<!tpu.dma_semaphore, #tpu.memory_space<semaphore_mem>>) attributes {dimension_semantics = [#tpu.dimension_semantics<core_parallel>, #tpu.dimension_semantics<subcore_parallel>], iteration_bounds = array<i64: 2, 16>, scalar_prefetch = 0 : i64, scratch_operands = 3 : i64, tpu.core_type = #tpu.core_type<sc_vector_subcore>, window_params = [{transform_indices = #map}, {transform_indices = #map1}, {transform_indices = #map}]} {
    %mul3A = arith.constant 2 : i32
    %mul3A_0 = arith.muli %arg1, %mul3A : i32
    %add3A = arith.addi %mul3A_0, %arg0 : i32
    %mul3A_1 = arith.constant 64 : i32
    %mul3A_2 = arith.muli %add3A, %mul3A_1 : i32
    "tpu.region"() ({
      %run_scoped3A = tpu.sem_alloc : memref<!tpu.dma_semaphore, #tpu.memory_space<semaphore_mem>>
      %dma_start3A_7 = tpu.memref_slice %arg3[%mul3A_2] : memref<2048xi32, #tpu.memory_space<hbm>> -> memref<64xi32, #tpu.memory_space<hbm>>
      %dma_start3A_8 = tpu.memref_slice %arg3[%mul3A_2] : memref<2048xi32, #tpu.memory_space<hbm>> -> memref<64xi32, #tpu.memory_space<hbm>>
      tpu.enqueue_dma source(%dma_start3A_8 : memref<64xi32, #tpu.memory_space<hbm>>) target(%arg5 : memref<64xi32, #tpu.memory_space<vmem>>) target_semaphore(%run_scoped3A : memref<!tpu.dma_semaphore, #tpu.memory_space<semaphore_mem>>)
      %dma_wait3A_9 = tpu.memref_slice %arg3[%mul3A_2] : memref<2048xi32, #tpu.memory_space<hbm>> -> memref<64xi32, #tpu.memory_space<hbm>>
      %dma_wait3A_10 = tpu.memref_slice %arg3[%mul3A_2] : memref<2048xi32, #tpu.memory_space<hbm>> -> memref<64xi32, #tpu.memory_space<hbm>>
      tpu.wait_dma2 semaphore(%run_scoped3A : memref<!tpu.dma_semaphore, #tpu.memory_space<semaphore_mem>>) src(%dma_wait3A_10 : memref<64xi32, #tpu.memory_space<hbm>>) dst(%arg5 : memref<64xi32, #tpu.memory_space<vmem>>)
      tpu.yield
    }) : () -> ()
    %dma_start3A = arith.constant 0 : i32
    %dma_start3A_3 = arith.constant 0 : i32
    %dma_start3A_4 = tpu.memref_slice %arg2[%dma_start3A, %dma_start3A_3] : memref<2048x1024xf32, #tpu.memory_space<hbm>> -> memref<2048x1024xf32, #tpu.memory_space<hbm>>
    tpu.enqueue_indirect_dma source(%dma_start3A_4 : memref<2048x1024xf32, #tpu.memory_space<hbm>>) target(%arg6 : memref<64x1024xf32, #tpu.memory_space<vmem>>) offsets(%arg5 : memref<64xi32, #tpu.memory_space<vmem>>) semaphore(%arg7 : memref<!tpu.dma_semaphore, #tpu.memory_space<semaphore_mem>>)
    %dma_wait3A = arith.constant 0 : i32
    %dma_wait3A_5 = arith.constant 0 : i32
    %dma_wait3A_6 = tpu.memref_slice %arg2[%dma_wait3A, %dma_wait3A_5] : memref<2048x1024xf32, #tpu.memory_space<hbm>> -> memref<2048x1024xf32, #tpu.memory_space<hbm>>
    tpu.wait_indirect_dma semaphore(%arg7 : memref<!tpu.dma_semaphore, #tpu.memory_space<semaphore_mem>>) src(%dma_wait3A_6 : memref<2048x1024xf32, #tpu.memory_space<hbm>>) dst(%arg6 : memref<64x1024xf32, #tpu.memory_space<vmem>>)
    "tpu.region"() ({
      %run_scoped3A = tpu.sem_alloc : memref<!tpu.dma_semaphore, #tpu.memory_space<semaphore_mem>>
      %dma_start3A_7 = arith.constant 0 : i32
      %dma_start3A_8 = tpu.memref_slice %arg4[%mul3A_2, %dma_start3A_7] : memref<2048x1024xf32, #tpu.memory_space<hbm>> -> memref<64x1024xf32, #tpu.memory_space<hbm>>
      %dma_start3A_9 = arith.constant 0 : i32
      %dma_start3A_10 = tpu.memref_slice %arg4[%mul3A_2, %dma_start3A_9] : memref<2048x1024xf32, #tpu.memory_space<hbm>> -> memref<64x1024xf32, #tpu.memory_space<hbm>>
      tpu.enqueue_dma source(%arg6 : memref<64x1024xf32, #tpu.memory_space<vmem>>) target(%dma_start3A_10 : memref<64x1024xf32, #tpu.memory_space<hbm>>) target_semaphore(%run_scoped3A : memref<!tpu.dma_semaphore, #tpu.memory_space<semaphore_mem>>)
      %dma_wait3A_11 = arith.constant 0 : i32
      %dma_wait3A_12 = tpu.memref_slice %arg4[%mul3A_2, %dma_wait3A_11] : memref<2048x1024xf32, #tpu.memory_space<hbm>> -> memref<64x1024xf32, #tpu.memory_space<hbm>>
      %dma_wait3A_13 = arith.constant 0 : i32
      %dma_wait3A_14 = tpu.memref_slice %arg4[%mul3A_2, %dma_wait3A_13] : memref<2048x1024xf32, #tpu.memory_space<hbm>> -> memref<64x1024xf32, #tpu.memory_space<hbm>>
      tpu.wait_dma2 semaphore(%run_scoped3A : memref<!tpu.dma_semaphore, #tpu.memory_space<semaphore_mem>>) src(%arg6 : memref<64x1024xf32, #tpu.memory_space<vmem>>) dst(%dma_wait3A_14 : memref<64x1024xf32, #tpu.memory_space<hbm>>)
      tpu.yield
    }) : () -> ()
    return
  }
}

#map = affine_map<(d0, d1) -> (0, 0)>
#map1 = affine_map<(d0, d1) -> (0)>
module attributes {stable_mosaic.version = 14 : i64} {
  func.func @scatter_kernel(%arg0: i32, %arg1: i32, %arg2: memref<2048x1024xf32, #tpu.memory_space<hbm>>, %arg3: memref<2048xi32, #tpu.memory_space<hbm>>, %arg4: memref<2048x1024xf32, #tpu.memory_space<hbm>>, %arg5: memref<64xi32, #tpu.memory_space<vmem>>, %arg6: memref<64x1024xf32, #tpu.memory_space<vmem>>, %arg7: memref<!tpu.dma_semaphore, #tpu.memory_space<semaphore_mem>>) attributes {dimension_semantics = [#tpu.dimension_semantics<core_parallel>, #tpu.dimension_semantics<subcore_parallel>], iteration_bounds = array<i64: 2, 16>, scalar_prefetch = 0 : i64, scratch_operands = 3 : i64, tpu.core_type = #tpu.core_type<sc_vector_subcore>, window_params = [{transform_indices = #map}, {transform_indices = #map1}, {transform_indices = #map}]} {
    %mul3A = arith.constant 2 : i32
    %mul3A_0 = arith.muli %arg1, %mul3A : i32
    %add3A = arith.addi %mul3A_0, %arg0 : i32
    %mul3A_1 = arith.constant 64 : i32
    %mul3A_2 = arith.muli %add3A, %mul3A_1 : i32
    "tpu.region"() ({
      %run_scoped3A = tpu.sem_alloc : memref<!tpu.dma_semaphore, #tpu.memory_space<semaphore_mem>>
      %dma_start3A_7 = tpu.memref_slice %arg3[%mul3A_2] : memref<2048xi32, #tpu.memory_space<hbm>> -> memref<64xi32, #tpu.memory_space<hbm>>
      %dma_start3A_8 = tpu.memref_slice %arg3[%mul3A_2] : memref<2048xi32, #tpu.memory_space<hbm>> -> memref<64xi32, #tpu.memory_space<hbm>>
      tpu.enqueue_dma source(%dma_start3A_8 : memref<64xi32, #tpu.memory_space<hbm>>) target(%arg5 : memref<64xi32, #tpu.memory_space<vmem>>) target_semaphore(%run_scoped3A : memref<!tpu.dma_semaphore, #tpu.memory_space<semaphore_mem>>)
      %dma_wait3A_9 = tpu.memref_slice %arg3[%mul3A_2] : memref<2048xi32, #tpu.memory_space<hbm>> -> memref<64xi32, #tpu.memory_space<hbm>>
      %dma_wait3A_10 = tpu.memref_slice %arg3[%mul3A_2] : memref<2048xi32, #tpu.memory_space<hbm>> -> memref<64xi32, #tpu.memory_space<hbm>>
      tpu.wait_dma2 semaphore(%run_scoped3A : memref<!tpu.dma_semaphore, #tpu.memory_space<semaphore_mem>>) src(%dma_wait3A_10 : memref<64xi32, #tpu.memory_space<hbm>>) dst(%arg5 : memref<64xi32, #tpu.memory_space<vmem>>)
      tpu.yield
    }) : () -> ()
    "tpu.region"() ({
      %run_scoped3A = tpu.sem_alloc : memref<!tpu.dma_semaphore, #tpu.memory_space<semaphore_mem>>
      %dma_start3A_7 = arith.constant 0 : i32
      %dma_start3A_8 = tpu.memref_slice %arg2[%mul3A_2, %dma_start3A_7] : memref<2048x1024xf32, #tpu.memory_space<hbm>> -> memref<64x1024xf32, #tpu.memory_space<hbm>>
      %dma_start3A_9 = arith.constant 0 : i32
      %dma_start3A_10 = tpu.memref_slice %arg2[%mul3A_2, %dma_start3A_9] : memref<2048x1024xf32, #tpu.memory_space<hbm>> -> memref<64x1024xf32, #tpu.memory_space<hbm>>
      tpu.enqueue_dma source(%dma_start3A_10 : memref<64x1024xf32, #tpu.memory_space<hbm>>) target(%arg6 : memref<64x1024xf32, #tpu.memory_space<vmem>>) target_semaphore(%run_scoped3A : memref<!tpu.dma_semaphore, #tpu.memory_space<semaphore_mem>>)
      %dma_wait3A_11 = arith.constant 0 : i32
      %dma_wait3A_12 = tpu.memref_slice %arg2[%mul3A_2, %dma_wait3A_11] : memref<2048x1024xf32, #tpu.memory_space<hbm>> -> memref<64x1024xf32, #tpu.memory_space<hbm>>
      %dma_wait3A_13 = arith.constant 0 : i32
      %dma_wait3A_14 = tpu.memref_slice %arg2[%mul3A_2, %dma_wait3A_13] : memref<2048x1024xf32, #tpu.memory_space<hbm>> -> memref<64x1024xf32, #tpu.memory_space<hbm>>
      tpu.wait_dma2 semaphore(%run_scoped3A : memref<!tpu.dma_semaphore, #tpu.memory_space<semaphore_mem>>) src(%dma_wait3A_14 : memref<64x1024xf32, #tpu.memory_space<hbm>>) dst(%arg6 : memref<64x1024xf32, #tpu.memory_space<vmem>>)
      tpu.yield
    }) : () -> ()
    %dma_start3A = arith.constant 0 : i32
    %dma_start3A_3 = arith.constant 0 : i32
    %dma_start3A_4 = tpu.memref_slice %arg4[%dma_start3A, %dma_start3A_3] : memref<2048x1024xf32, #tpu.memory_space<hbm>> -> memref<2048x1024xf32, #tpu.memory_space<hbm>>
    tpu.enqueue_indirect_dma source(%arg6 : memref<64x1024xf32, #tpu.memory_space<vmem>>) target(%dma_start3A_4 : memref<2048x1024xf32, #tpu.memory_space<hbm>>) offsets(%arg5 : memref<64xi32, #tpu.memory_space<vmem>>) semaphore(%arg7 : memref<!tpu.dma_semaphore, #tpu.memory_space<semaphore_mem>>)
    %dma_wait3A = arith.constant 0 : i32
    %dma_wait3A_5 = arith.constant 0 : i32
    %dma_wait3A_6 = tpu.memref_slice %arg4[%dma_wait3A, %dma_wait3A_5] : memref<2048x1024xf32, #tpu.memory_space<hbm>> -> memref<2048x1024xf32, #tpu.memory_space<hbm>>
    tpu.wait_indirect_dma semaphore(%arg7 : memref<!tpu.dma_semaphore, #tpu.memory_space<semaphore_mem>>) src(%arg6 : memref<64x1024xf32, #tpu.memory_space<vmem>>) dst(%dma_wait3A_6 : memref<2048x1024xf32, #tpu.memory_space<hbm>>)
    return
  }
}

module attributes {stable_mosaic.version = 14 : i64} {
  func.func @_router_body(%arg0: memref<16x128xi32, #tpu.memory_space<vmem>>, %arg1: memref<16x128xi32, #tpu.memory_space<vmem>>, %arg2: memref<8x128xi32, #tpu.memory_space<vmem>>) attributes {dimension_semantics = [], scalar_prefetch = 0 : i64, scratch_operands = 0 : i64, tpu.core_type = #tpu.core_type<tc>} {
    %get3A = arith.constant 0 : index
    %get3A_0 = arith.constant 0 : index
    %get3A_1 = vector.load %arg0[%get3A, %get3A_0] : memref<16x128xi32, #tpu.memory_space<vmem>>, vector<16x128xi32>
    %broadcast_in_dim3A = arith.constant 0 : i32
    %broadcast_in_dim3A_2 = vector.broadcast %broadcast_in_dim3A : i32 to vector<16x128xi32>
    %broadcast_in_dim3A_3 = arith.constant 0 : i32
    %broadcast_in_dim3A_4 = vector.broadcast %broadcast_in_dim3A_3 : i32 to vector<1x1xi32>
    %eq3A = arith.constant 0 : i32
    %eq3A_5 = vector.broadcast %eq3A : i32 to vector<16x128xi32>
    %eq3A_6 = arith.cmpi eq, %get3A_1, %eq3A_5 : vector<16x128xi32>
    %convert_element_type3A = arith.extui %eq3A_6 : vector<16x128xi1> to vector<16x128xi32>
    %roll3A = arith.constant 1 : i32
    %roll3A_7 = tpu.dynamic_rotate %convert_element_type3A by %roll3A dim 1 : vector<16x128xi32>, i32 -> vector<16x128xi32>
    %iota3A = tpu.iota {dimensions = array<i32: 1>} : vector<16x128xi32>
    %ge3A = arith.constant 1 : i32
    %ge3A_8 = vector.broadcast %ge3A : i32 to vector<16x128xi32>
    %ge3A_9 = arith.cmpi sge, %iota3A, %ge3A_8 : vector<16x128xi32>
    %jit3A = arith.constant 0 : i32
    %broadcast_in_dim3A_10 = vector.broadcast %jit3A : i32 to vector<16x128xi32>
    %select_n3A = arith.select %ge3A_9, %roll3A_7, %broadcast_in_dim3A_10 : vector<16x128xi1>, vector<16x128xi32>
    %add3A = arith.addi %convert_element_type3A, %select_n3A : vector<16x128xi32>
    %roll3A_11 = arith.constant 2 : i32
    %roll3A_12 = tpu.dynamic_rotate %add3A by %roll3A_11 dim 1 : vector<16x128xi32>, i32 -> vector<16x128xi32>
    %iota3A_13 = tpu.iota {dimensions = array<i32: 1>} : vector<16x128xi32>
    %ge3A_14 = arith.constant 2 : i32
    %ge3A_15 = vector.broadcast %ge3A_14 : i32 to vector<16x128xi32>
    %ge3A_16 = arith.cmpi sge, %iota3A_13, %ge3A_15 : vector<16x128xi32>
    %jit3A_17 = arith.constant 0 : i32
    %broadcast_in_dim3A_18 = vector.broadcast %jit3A_17 : i32 to vector<16x128xi32>
    %select_n3A_19 = arith.select %ge3A_16, %roll3A_12, %broadcast_in_dim3A_18 : vector<16x128xi1>, vector<16x128xi32>
    %add3A_20 = arith.addi %add3A, %select_n3A_19 : vector<16x128xi32>
    %roll3A_21 = arith.constant 4 : i32
    %roll3A_22 = tpu.dynamic_rotate %add3A_20 by %roll3A_21 dim 1 : vector<16x128xi32>, i32 -> vector<16x128xi32>
    %iota3A_23 = tpu.iota {dimensions = array<i32: 1>} : vector<16x128xi32>
    %ge3A_24 = arith.constant 4 : i32
    %ge3A_25 = vector.broadcast %ge3A_24 : i32 to vector<16x128xi32>
    %ge3A_26 = arith.cmpi sge, %iota3A_23, %ge3A_25 : vector<16x128xi32>
    %jit3A_27 = arith.constant 0 : i32
    %broadcast_in_dim3A_28 = vector.broadcast %jit3A_27 : i32 to vector<16x128xi32>
    %select_n3A_29 = arith.select %ge3A_26, %roll3A_22, %broadcast_in_dim3A_28 : vector<16x128xi1>, vector<16x128xi32>
    %add3A_30 = arith.addi %add3A_20, %select_n3A_29 : vector<16x128xi32>
    %roll3A_31 = arith.constant 8 : i32
    %roll3A_32 = tpu.dynamic_rotate %add3A_30 by %roll3A_31 dim 1 : vector<16x128xi32>, i32 -> vector<16x128xi32>
    %iota3A_33 = tpu.iota {dimensions = array<i32: 1>} : vector<16x128xi32>
    %ge3A_34 = arith.constant 8 : i32
    %ge3A_35 = vector.broadcast %ge3A_34 : i32 to vector<16x128xi32>
    %ge3A_36 = arith.cmpi sge, %iota3A_33, %ge3A_35 : vector<16x128xi32>
    %jit3A_37 = arith.constant 0 : i32
    %broadcast_in_dim3A_38 = vector.broadcast %jit3A_37 : i32 to vector<16x128xi32>
    %select_n3A_39 = arith.select %ge3A_36, %roll3A_32, %broadcast_in_dim3A_38 : vector<16x128xi1>, vector<16x128xi32>
    %add3A_40 = arith.addi %add3A_30, %select_n3A_39 : vector<16x128xi32>
    %roll3A_41 = arith.constant 16 : i32
    %roll3A_42 = tpu.dynamic_rotate %add3A_40 by %roll3A_41 dim 1 : vector<16x128xi32>, i32 -> vector<16x128xi32>
    %iota3A_43 = tpu.iota {dimensions = array<i32: 1>} : vector<16x128xi32>
    %ge3A_44 = arith.constant 16 : i32
    %ge3A_45 = vector.broadcast %ge3A_44 : i32 to vector<16x128xi32>
    %ge3A_46 = arith.cmpi sge, %iota3A_43, %ge3A_45 : vector<16x128xi32>
    %jit3A_47 = arith.constant 0 : i32
    %broadcast_in_dim3A_48 = vector.broadcast %jit3A_47 : i32 to vector<16x128xi32>
    %select_n3A_49 = arith.select %ge3A_46, %roll3A_42, %broadcast_in_dim3A_48 : vector<16x128xi1>, vector<16x128xi32>
    %add3A_50 = arith.addi %add3A_40, %select_n3A_49 : vector<16x128xi32>
    %roll3A_51 = arith.constant 32 : i32
    %roll3A_52 = tpu.dynamic_rotate %add3A_50 by %roll3A_51 dim 1 : vector<16x128xi32>, i32 -> vector<16x128xi32>
    %iota3A_53 = tpu.iota {dimensions = array<i32: 1>} : vector<16x128xi32>
    %ge3A_54 = arith.constant 32 : i32
    %ge3A_55 = vector.broadcast %ge3A_54 : i32 to vector<16x128xi32>
    %ge3A_56 = arith.cmpi sge, %iota3A_53, %ge3A_55 : vector<16x128xi32>
    %jit3A_57 = arith.constant 0 : i32
    %broadcast_in_dim3A_58 = vector.broadcast %jit3A_57 : i32 to vector<16x128xi32>
    %select_n3A_59 = arith.select %ge3A_56, %roll3A_52, %broadcast_in_dim3A_58 : vector<16x128xi1>, vector<16x128xi32>
    %add3A_60 = arith.addi %add3A_50, %select_n3A_59 : vector<16x128xi32>
    %roll3A_61 = arith.constant 64 : i32
    %roll3A_62 = tpu.dynamic_rotate %add3A_60 by %roll3A_61 dim 1 : vector<16x128xi32>, i32 -> vector<16x128xi32>
    %iota3A_63 = tpu.iota {dimensions = array<i32: 1>} : vector<16x128xi32>
    %ge3A_64 = arith.constant 64 : i32
    %ge3A_65 = vector.broadcast %ge3A_64 : i32 to vector<16x128xi32>
    %ge3A_66 = arith.cmpi sge, %iota3A_63, %ge3A_65 : vector<16x128xi32>
    %jit3A_67 = arith.constant 0 : i32
    %broadcast_in_dim3A_68 = vector.broadcast %jit3A_67 : i32 to vector<16x128xi32>
    %select_n3A_69 = arith.select %ge3A_66, %roll3A_62, %broadcast_in_dim3A_68 : vector<16x128xi1>, vector<16x128xi32>
    %add3A_70 = arith.addi %add3A_60, %select_n3A_69 : vector<16x128xi32>
    %slice3A = vector.extract_strided_slice %add3A_70 {offsets = [0, 127], sizes = [16, 1], strides = [1, 1]} : vector<16x128xi32> to vector<16x1xi32>
    %roll3A_71 = arith.constant 1 : i32
    %roll3A_72 = tpu.dynamic_rotate %slice3A by %roll3A_71 dim 0 : vector<16x1xi32>, i32 -> vector<16x1xi32>
    %iota3A_73 = tpu.iota {dimensions = array<i32: 0>} : vector<16x1xi32>
    %ge3A_74 = arith.constant 1 : i32
    %ge3A_75 = vector.broadcast %ge3A_74 : i32 to vector<16x1xi32>
    %ge3A_76 = arith.cmpi sge, %iota3A_73, %ge3A_75 : vector<16x1xi32>
    %jit3A_77 = arith.constant 0 : i32
    %broadcast_in_dim3A_78 = vector.broadcast %jit3A_77 : i32 to vector<16x1xi32>
    %select_n3A_79 = arith.select %ge3A_76, %roll3A_72, %broadcast_in_dim3A_78 : vector<16x1xi1>, vector<16x1xi32>
    %add3A_80 = arith.addi %slice3A, %select_n3A_79 : vector<16x1xi32>
    %roll3A_81 = arith.constant 2 : i32
    %roll3A_82 = tpu.dynamic_rotate %add3A_80 by %roll3A_81 dim 0 : vector<16x1xi32>, i32 -> vector<16x1xi32>
    %iota3A_83 = tpu.iota {dimensions = array<i32: 0>} : vector<16x1xi32>
    %ge3A_84 = arith.constant 2 : i32
    %ge3A_85 = vector.broadcast %ge3A_84 : i32 to vector<16x1xi32>
    %ge3A_86 = arith.cmpi sge, %iota3A_83, %ge3A_85 : vector<16x1xi32>
    %jit3A_87 = arith.constant 0 : i32
    %broadcast_in_dim3A_88 = vector.broadcast %jit3A_87 : i32 to vector<16x1xi32>
    %select_n3A_89 = arith.select %ge3A_86, %roll3A_82, %broadcast_in_dim3A_88 : vector<16x1xi1>, vector<16x1xi32>
    %add3A_90 = arith.addi %add3A_80, %select_n3A_89 : vector<16x1xi32>
    %roll3A_91 = arith.constant 4 : i32
    %roll3A_92 = tpu.dynamic_rotate %add3A_90 by %roll3A_91 dim 0 : vector<16x1xi32>, i32 -> vector<16x1xi32>
    %iota3A_93 = tpu.iota {dimensions = array<i32: 0>} : vector<16x1xi32>
    %ge3A_94 = arith.constant 4 : i32
    %ge3A_95 = vector.broadcast %ge3A_94 : i32 to vector<16x1xi32>
    %ge3A_96 = arith.cmpi sge, %iota3A_93, %ge3A_95 : vector<16x1xi32>
    %jit3A_97 = arith.constant 0 : i32
    %broadcast_in_dim3A_98 = vector.broadcast %jit3A_97 : i32 to vector<16x1xi32>
    %select_n3A_99 = arith.select %ge3A_96, %roll3A_92, %broadcast_in_dim3A_98 : vector<16x1xi1>, vector<16x1xi32>
    %add3A_100 = arith.addi %add3A_90, %select_n3A_99 : vector<16x1xi32>
    %roll3A_101 = arith.constant 8 : i32
    %roll3A_102 = tpu.dynamic_rotate %add3A_100 by %roll3A_101 dim 0 : vector<16x1xi32>, i32 -> vector<16x1xi32>
    %iota3A_103 = tpu.iota {dimensions = array<i32: 0>} : vector<16x1xi32>
    %ge3A_104 = arith.constant 8 : i32
    %ge3A_105 = vector.broadcast %ge3A_104 : i32 to vector<16x1xi32>
    %ge3A_106 = arith.cmpi sge, %iota3A_103, %ge3A_105 : vector<16x1xi32>
    %jit3A_107 = arith.constant 0 : i32
    %broadcast_in_dim3A_108 = vector.broadcast %jit3A_107 : i32 to vector<16x1xi32>
    %select_n3A_109 = arith.select %ge3A_106, %roll3A_102, %broadcast_in_dim3A_108 : vector<16x1xi1>, vector<16x1xi32>
    %add3A_110 = arith.addi %add3A_100, %select_n3A_109 : vector<16x1xi32>
    %sub3A = arith.subi %add3A_70, %convert_element_type3A : vector<16x128xi32>
    %sub3A_111 = arith.subi %add3A_110, %slice3A : vector<16x1xi32>
    %add3A_112 = vector.broadcast %sub3A_111 : vector<16x1xi32> to vector<16x128xi32>
    %add3A_113 = arith.addi %sub3A, %add3A_112 : vector<16x128xi32>
    %add3A_114 = vector.broadcast %broadcast_in_dim3A_4 : vector<1x1xi32> to vector<16x128xi32>
    %add3A_115 = arith.addi %add3A_114, %add3A_113 : vector<16x128xi32>
    %mul3A = arith.muli %convert_element_type3A, %add3A_115 : vector<16x128xi32>
    %add3A_116 = arith.addi %broadcast_in_dim3A_2, %mul3A : vector<16x128xi32>
    %slice3A_117 = vector.extract_strided_slice %add3A_110 {offsets = [15, 0], sizes = [1, 1], strides = [1, 1]} : vector<16x1xi32> to vector<1x1xi32>
    %add3A_118 = arith.addi %broadcast_in_dim3A_4, %slice3A_117 : vector<1x1xi32>
    %eq3A_119 = arith.constant 1 : i32
    %eq3A_120 = vector.broadcast %eq3A_119 : i32 to vector<16x128xi32>
    %eq3A_121 = arith.cmpi eq, %get3A_1, %eq3A_120 : vector<16x128xi32>
    %convert_element_type3A_122 = arith.extui %eq3A_121 : vector<16x128xi1> to vector<16x128xi32>
    %roll3A_123 = arith.constant 1 : i32
    %roll3A_124 = tpu.dynamic_rotate %convert_element_type3A_122 by %roll3A_123 dim 1 : vector<16x128xi32>, i32 -> vector<16x128xi32>
    %iota3A_125 = tpu.iota {dimensions = array<i32: 1>} : vector<16x128xi32>
    %ge3A_126 = arith.constant 1 : i32
    %ge3A_127 = vector.broadcast %ge3A_126 : i32 to vector<16x128xi32>
    %ge3A_128 = arith.cmpi sge, %iota3A_125, %ge3A_127 : vector<16x128xi32>
    %jit3A_129 = arith.constant 0 : i32
    %broadcast_in_dim3A_130 = vector.broadcast %jit3A_129 : i32 to vector<16x128xi32>
    %select_n3A_131 = arith.select %ge3A_128, %roll3A_124, %broadcast_in_dim3A_130 : vector<16x128xi1>, vector<16x128xi32>
    %add3A_132 = arith.addi %convert_element_type3A_122, %select_n3A_131 : vector<16x128xi32>
    %roll3A_133 = arith.constant 2 : i32
    %roll3A_134 = tpu.dynamic_rotate %add3A_132 by %roll3A_133 dim 1 : vector<16x128xi32>, i32 -> vector<16x128xi32>
    %iota3A_135 = tpu.iota {dimensions = array<i32: 1>} : vector<16x128xi32>
    %ge3A_136 = arith.constant 2 : i32
    %ge3A_137 = vector.broadcast %ge3A_136 : i32 to vector<16x128xi32>
    %ge3A_138 = arith.cmpi sge, %iota3A_135, %ge3A_137 : vector<16x128xi32>
    %jit3A_139 = arith.constant 0 : i32
    %broadcast_in_dim3A_140 = vector.broadcast %jit3A_139 : i32 to vector<16x128xi32>
    %select_n3A_141 = arith.select %ge3A_138, %roll3A_134, %broadcast_in_dim3A_140 : vector<16x128xi1>, vector<16x128xi32>
    %add3A_142 = arith.addi %add3A_132, %select_n3A_141 : vector<16x128xi32>
    %roll3A_143 = arith.constant 4 : i32
    %roll3A_144 = tpu.dynamic_rotate %add3A_142 by %roll3A_143 dim 1 : vector<16x128xi32>, i32 -> vector<16x128xi32>
    %iota3A_145 = tpu.iota {dimensions = array<i32: 1>} : vector<16x128xi32>
    %ge3A_146 = arith.constant 4 : i32
    %ge3A_147 = vector.broadcast %ge3A_146 : i32 to vector<16x128xi32>
    %ge3A_148 = arith.cmpi sge, %iota3A_145, %ge3A_147 : vector<16x128xi32>
    %jit3A_149 = arith.constant 0 : i32
    %broadcast_in_dim3A_150 = vector.broadcast %jit3A_149 : i32 to vector<16x128xi32>
    %select_n3A_151 = arith.select %ge3A_148, %roll3A_144, %broadcast_in_dim3A_150 : vector<16x128xi1>, vector<16x128xi32>
    %add3A_152 = arith.addi %add3A_142, %select_n3A_151 : vector<16x128xi32>
    %roll3A_153 = arith.constant 8 : i32
    %roll3A_154 = tpu.dynamic_rotate %add3A_152 by %roll3A_153 dim 1 : vector<16x128xi32>, i32 -> vector<16x128xi32>
    %iota3A_155 = tpu.iota {dimensions = array<i32: 1>} : vector<16x128xi32>
    %ge3A_156 = arith.constant 8 : i32
    %ge3A_157 = vector.broadcast %ge3A_156 : i32 to vector<16x128xi32>
    %ge3A_158 = arith.cmpi sge, %iota3A_155, %ge3A_157 : vector<16x128xi32>
    %jit3A_159 = arith.constant 0 : i32
    %broadcast_in_dim3A_160 = vector.broadcast %jit3A_159 : i32 to vector<16x128xi32>
    %select_n3A_161 = arith.select %ge3A_158, %roll3A_154, %broadcast_in_dim3A_160 : vector<16x128xi1>, vector<16x128xi32>
    %add3A_162 = arith.addi %add3A_152, %select_n3A_161 : vector<16x128xi32>
    %roll3A_163 = arith.constant 16 : i32
    %roll3A_164 = tpu.dynamic_rotate %add3A_162 by %roll3A_163 dim 1 : vector<16x128xi32>, i32 -> vector<16x128xi32>
    %iota3A_165 = tpu.iota {dimensions = array<i32: 1>} : vector<16x128xi32>
    %ge3A_166 = arith.constant 16 : i32
    %ge3A_167 = vector.broadcast %ge3A_166 : i32 to vector<16x128xi32>
    %ge3A_168 = arith.cmpi sge, %iota3A_165, %ge3A_167 : vector<16x128xi32>
    %jit3A_169 = arith.constant 0 : i32
    %broadcast_in_dim3A_170 = vector.broadcast %jit3A_169 : i32 to vector<16x128xi32>
    %select_n3A_171 = arith.select %ge3A_168, %roll3A_164, %broadcast_in_dim3A_170 : vector<16x128xi1>, vector<16x128xi32>
    %add3A_172 = arith.addi %add3A_162, %select_n3A_171 : vector<16x128xi32>
    %roll3A_173 = arith.constant 32 : i32
    %roll3A_174 = tpu.dynamic_rotate %add3A_172 by %roll3A_173 dim 1 : vector<16x128xi32>, i32 -> vector<16x128xi32>
    %iota3A_175 = tpu.iota {dimensions = array<i32: 1>} : vector<16x128xi32>
    %ge3A_176 = arith.constant 32 : i32
    %ge3A_177 = vector.broadcast %ge3A_176 : i32 to vector<16x128xi32>
    %ge3A_178 = arith.cmpi sge, %iota3A_175, %ge3A_177 : vector<16x128xi32>
    %jit3A_179 = arith.constant 0 : i32
    %broadcast_in_dim3A_180 = vector.broadcast %jit3A_179 : i32 to vector<16x128xi32>
    %select_n3A_181 = arith.select %ge3A_178, %roll3A_174, %broadcast_in_dim3A_180 : vector<16x128xi1>, vector<16x128xi32>
    %add3A_182 = arith.addi %add3A_172, %select_n3A_181 : vector<16x128xi32>
    %roll3A_183 = arith.constant 64 : i32
    %roll3A_184 = tpu.dynamic_rotate %add3A_182 by %roll3A_183 dim 1 : vector<16x128xi32>, i32 -> vector<16x128xi32>
    %iota3A_185 = tpu.iota {dimensions = array<i32: 1>} : vector<16x128xi32>
    %ge3A_186 = arith.constant 64 : i32
    %ge3A_187 = vector.broadcast %ge3A_186 : i32 to vector<16x128xi32>
    %ge3A_188 = arith.cmpi sge, %iota3A_185, %ge3A_187 : vector<16x128xi32>
    %jit3A_189 = arith.constant 0 : i32
    %broadcast_in_dim3A_190 = vector.broadcast %jit3A_189 : i32 to vector<16x128xi32>
    %select_n3A_191 = arith.select %ge3A_188, %roll3A_184, %broadcast_in_dim3A_190 : vector<16x128xi1>, vector<16x128xi32>
    %add3A_192 = arith.addi %add3A_182, %select_n3A_191 : vector<16x128xi32>
    %slice3A_193 = vector.extract_strided_slice %add3A_192 {offsets = [0, 127], sizes = [16, 1], strides = [1, 1]} : vector<16x128xi32> to vector<16x1xi32>
    %roll3A_194 = arith.constant 1 : i32
    %roll3A_195 = tpu.dynamic_rotate %slice3A_193 by %roll3A_194 dim 0 : vector<16x1xi32>, i32 -> vector<16x1xi32>
    %iota3A_196 = tpu.iota {dimensions = array<i32: 0>} : vector<16x1xi32>
    %ge3A_197 = arith.constant 1 : i32
    %ge3A_198 = vector.broadcast %ge3A_197 : i32 to vector<16x1xi32>
    %ge3A_199 = arith.cmpi sge, %iota3A_196, %ge3A_198 : vector<16x1xi32>
    %jit3A_200 = arith.constant 0 : i32
    %broadcast_in_dim3A_201 = vector.broadcast %jit3A_200 : i32 to vector<16x1xi32>
    %select_n3A_202 = arith.select %ge3A_199, %roll3A_195, %broadcast_in_dim3A_201 : vector<16x1xi1>, vector<16x1xi32>
    %add3A_203 = arith.addi %slice3A_193, %select_n3A_202 : vector<16x1xi32>
    %roll3A_204 = arith.constant 2 : i32
    %roll3A_205 = tpu.dynamic_rotate %add3A_203 by %roll3A_204 dim 0 : vector<16x1xi32>, i32 -> vector<16x1xi32>
    %iota3A_206 = tpu.iota {dimensions = array<i32: 0>} : vector<16x1xi32>
    %ge3A_207 = arith.constant 2 : i32
    %ge3A_208 = vector.broadcast %ge3A_207 : i32 to vector<16x1xi32>
    %ge3A_209 = arith.cmpi sge, %iota3A_206, %ge3A_208 : vector<16x1xi32>
    %jit3A_210 = arith.constant 0 : i32
    %broadcast_in_dim3A_211 = vector.broadcast %jit3A_210 : i32 to vector<16x1xi32>
    %select_n3A_212 = arith.select %ge3A_209, %roll3A_205, %broadcast_in_dim3A_211 : vector<16x1xi1>, vector<16x1xi32>
    %add3A_213 = arith.addi %add3A_203, %select_n3A_212 : vector<16x1xi32>
    %roll3A_214 = arith.constant 4 : i32
    %roll3A_215 = tpu.dynamic_rotate %add3A_213 by %roll3A_214 dim 0 : vector<16x1xi32>, i32 -> vector<16x1xi32>
    %iota3A_216 = tpu.iota {dimensions = array<i32: 0>} : vector<16x1xi32>
    %ge3A_217 = arith.constant 4 : i32
    %ge3A_218 = vector.broadcast %ge3A_217 : i32 to vector<16x1xi32>
    %ge3A_219 = arith.cmpi sge, %iota3A_216, %ge3A_218 : vector<16x1xi32>
    %jit3A_220 = arith.constant 0 : i32
    %broadcast_in_dim3A_221 = vector.broadcast %jit3A_220 : i32 to vector<16x1xi32>
    %select_n3A_222 = arith.select %ge3A_219, %roll3A_215, %broadcast_in_dim3A_221 : vector<16x1xi1>, vector<16x1xi32>
    %add3A_223 = arith.addi %add3A_213, %select_n3A_222 : vector<16x1xi32>
    %roll3A_224 = arith.constant 8 : i32
    %roll3A_225 = tpu.dynamic_rotate %add3A_223 by %roll3A_224 dim 0 : vector<16x1xi32>, i32 -> vector<16x1xi32>
    %iota3A_226 = tpu.iota {dimensions = array<i32: 0>} : vector<16x1xi32>
    %ge3A_227 = arith.constant 8 : i32
    %ge3A_228 = vector.broadcast %ge3A_227 : i32 to vector<16x1xi32>
    %ge3A_229 = arith.cmpi sge, %iota3A_226, %ge3A_228 : vector<16x1xi32>
    %jit3A_230 = arith.constant 0 : i32
    %broadcast_in_dim3A_231 = vector.broadcast %jit3A_230 : i32 to vector<16x1xi32>
    %select_n3A_232 = arith.select %ge3A_229, %roll3A_225, %broadcast_in_dim3A_231 : vector<16x1xi1>, vector<16x1xi32>
    %add3A_233 = arith.addi %add3A_223, %select_n3A_232 : vector<16x1xi32>
    %sub3A_234 = arith.subi %add3A_192, %convert_element_type3A_122 : vector<16x128xi32>
    %sub3A_235 = arith.subi %add3A_233, %slice3A_193 : vector<16x1xi32>
    %add3A_236 = vector.broadcast %sub3A_235 : vector<16x1xi32> to vector<16x128xi32>
    %add3A_237 = arith.addi %sub3A_234, %add3A_236 : vector<16x128xi32>
    %add3A_238 = vector.broadcast %add3A_118 : vector<1x1xi32> to vector<16x128xi32>
    %add3A_239 = arith.addi %add3A_238, %add3A_237 : vector<16x128xi32>
    %mul3A_240 = arith.muli %convert_element_type3A_122, %add3A_239 : vector<16x128xi32>
    %add3A_241 = arith.addi %add3A_116, %mul3A_240 : vector<16x128xi32>
    %slice3A_242 = vector.extract_strided_slice %add3A_233 {offsets = [15, 0], sizes = [1, 1], strides = [1, 1]} : vector<16x1xi32> to vector<1x1xi32>
    %add3A_243 = arith.addi %add3A_118, %slice3A_242 : vector<1x1xi32>
    %eq3A_244 = arith.constant 2 : i32
    %eq3A_245 = vector.broadcast %eq3A_244 : i32 to vector<16x128xi32>
    %eq3A_246 = arith.cmpi eq, %get3A_1, %eq3A_245 : vector<16x128xi32>
    %convert_element_type3A_247 = arith.extui %eq3A_246 : vector<16x128xi1> to vector<16x128xi32>
    %roll3A_248 = arith.constant 1 : i32
    %roll3A_249 = tpu.dynamic_rotate %convert_element_type3A_247 by %roll3A_248 dim 1 : vector<16x128xi32>, i32 -> vector<16x128xi32>
    %iota3A_250 = tpu.iota {dimensions = array<i32: 1>} : vector<16x128xi32>
    %ge3A_251 = arith.constant 1 : i32
    %ge3A_252 = vector.broadcast %ge3A_251 : i32 to vector<16x128xi32>
    %ge3A_253 = arith.cmpi sge, %iota3A_250, %ge3A_252 : vector<16x128xi32>
    %jit3A_254 = arith.constant 0 : i32
    %broadcast_in_dim3A_255 = vector.broadcast %jit3A_254 : i32 to vector<16x128xi32>
    %select_n3A_256 = arith.select %ge3A_253, %roll3A_249, %broadcast_in_dim3A_255 : vector<16x128xi1>, vector<16x128xi32>
    %add3A_257 = arith.addi %convert_element_type3A_247, %select_n3A_256 : vector<16x128xi32>
    %roll3A_258 = arith.constant 2 : i32
    %roll3A_259 = tpu.dynamic_rotate %add3A_257 by %roll3A_258 dim 1 : vector<16x128xi32>, i32 -> vector<16x128xi32>
    %iota3A_260 = tpu.iota {dimensions = array<i32: 1>} : vector<16x128xi32>
    %ge3A_261 = arith.constant 2 : i32
    %ge3A_262 = vector.broadcast %ge3A_261 : i32 to vector<16x128xi32>
    %ge3A_263 = arith.cmpi sge, %iota3A_260, %ge3A_262 : vector<16x128xi32>
    %jit3A_264 = arith.constant 0 : i32
    %broadcast_in_dim3A_265 = vector.broadcast %jit3A_264 : i32 to vector<16x128xi32>
    %select_n3A_266 = arith.select %ge3A_263, %roll3A_259, %broadcast_in_dim3A_265 : vector<16x128xi1>, vector<16x128xi32>
    %add3A_267 = arith.addi %add3A_257, %select_n3A_266 : vector<16x128xi32>
    %roll3A_268 = arith.constant 4 : i32
    %roll3A_269 = tpu.dynamic_rotate %add3A_267 by %roll3A_268 dim 1 : vector<16x128xi32>, i32 -> vector<16x128xi32>
    %iota3A_270 = tpu.iota {dimensions = array<i32: 1>} : vector<16x128xi32>
    %ge3A_271 = arith.constant 4 : i32
    %ge3A_272 = vector.broadcast %ge3A_271 : i32 to vector<16x128xi32>
    %ge3A_273 = arith.cmpi sge, %iota3A_270, %ge3A_272 : vector<16x128xi32>
    %jit3A_274 = arith.constant 0 : i32
    %broadcast_in_dim3A_275 = vector.broadcast %jit3A_274 : i32 to vector<16x128xi32>
    %select_n3A_276 = arith.select %ge3A_273, %roll3A_269, %broadcast_in_dim3A_275 : vector<16x128xi1>, vector<16x128xi32>
    %add3A_277 = arith.addi %add3A_267, %select_n3A_276 : vector<16x128xi32>
    %roll3A_278 = arith.constant 8 : i32
    %roll3A_279 = tpu.dynamic_rotate %add3A_277 by %roll3A_278 dim 1 : vector<16x128xi32>, i32 -> vector<16x128xi32>
    %iota3A_280 = tpu.iota {dimensions = array<i32: 1>} : vector<16x128xi32>
    %ge3A_281 = arith.constant 8 : i32
    %ge3A_282 = vector.broadcast %ge3A_281 : i32 to vector<16x128xi32>
    %ge3A_283 = arith.cmpi sge, %iota3A_280, %ge3A_282 : vector<16x128xi32>
    %jit3A_284 = arith.constant 0 : i32
    %broadcast_in_dim3A_285 = vector.broadcast %jit3A_284 : i32 to vector<16x128xi32>
    %select_n3A_286 = arith.select %ge3A_283, %roll3A_279, %broadcast_in_dim3A_285 : vector<16x128xi1>, vector<16x128xi32>
    %add3A_287 = arith.addi %add3A_277, %select_n3A_286 : vector<16x128xi32>
    %roll3A_288 = arith.constant 16 : i32
    %roll3A_289 = tpu.dynamic_rotate %add3A_287 by %roll3A_288 dim 1 : vector<16x128xi32>, i32 -> vector<16x128xi32>
    %iota3A_290 = tpu.iota {dimensions = array<i32: 1>} : vector<16x128xi32>
    %ge3A_291 = arith.constant 16 : i32
    %ge3A_292 = vector.broadcast %ge3A_291 : i32 to vector<16x128xi32>
    %ge3A_293 = arith.cmpi sge, %iota3A_290, %ge3A_292 : vector<16x128xi32>
    %jit3A_294 = arith.constant 0 : i32
    %broadcast_in_dim3A_295 = vector.broadcast %jit3A_294 : i32 to vector<16x128xi32>
    %select_n3A_296 = arith.select %ge3A_293, %roll3A_289, %broadcast_in_dim3A_295 : vector<16x128xi1>, vector<16x128xi32>
    %add3A_297 = arith.addi %add3A_287, %select_n3A_296 : vector<16x128xi32>
    %roll3A_298 = arith.constant 32 : i32
    %roll3A_299 = tpu.dynamic_rotate %add3A_297 by %roll3A_298 dim 1 : vector<16x128xi32>, i32 -> vector<16x128xi32>
    %iota3A_300 = tpu.iota {dimensions = array<i32: 1>} : vector<16x128xi32>
    %ge3A_301 = arith.constant 32 : i32
    %ge3A_302 = vector.broadcast %ge3A_301 : i32 to vector<16x128xi32>
    %ge3A_303 = arith.cmpi sge, %iota3A_300, %ge3A_302 : vector<16x128xi32>
    %jit3A_304 = arith.constant 0 : i32
    %broadcast_in_dim3A_305 = vector.broadcast %jit3A_304 : i32 to vector<16x128xi32>
    %select_n3A_306 = arith.select %ge3A_303, %roll3A_299, %broadcast_in_dim3A_305 : vector<16x128xi1>, vector<16x128xi32>
    %add3A_307 = arith.addi %add3A_297, %select_n3A_306 : vector<16x128xi32>
    %roll3A_308 = arith.constant 64 : i32
    %roll3A_309 = tpu.dynamic_rotate %add3A_307 by %roll3A_308 dim 1 : vector<16x128xi32>, i32 -> vector<16x128xi32>
    %iota3A_310 = tpu.iota {dimensions = array<i32: 1>} : vector<16x128xi32>
    %ge3A_311 = arith.constant 64 : i32
    %ge3A_312 = vector.broadcast %ge3A_311 : i32 to vector<16x128xi32>
    %ge3A_313 = arith.cmpi sge, %iota3A_310, %ge3A_312 : vector<16x128xi32>
    %jit3A_314 = arith.constant 0 : i32
    %broadcast_in_dim3A_315 = vector.broadcast %jit3A_314 : i32 to vector<16x128xi32>
    %select_n3A_316 = arith.select %ge3A_313, %roll3A_309, %broadcast_in_dim3A_315 : vector<16x128xi1>, vector<16x128xi32>
    %add3A_317 = arith.addi %add3A_307, %select_n3A_316 : vector<16x128xi32>
    %slice3A_318 = vector.extract_strided_slice %add3A_317 {offsets = [0, 127], sizes = [16, 1], strides = [1, 1]} : vector<16x128xi32> to vector<16x1xi32>
    %roll3A_319 = arith.constant 1 : i32
    %roll3A_320 = tpu.dynamic_rotate %slice3A_318 by %roll3A_319 dim 0 : vector<16x1xi32>, i32 -> vector<16x1xi32>
    %iota3A_321 = tpu.iota {dimensions = array<i32: 0>} : vector<16x1xi32>
    %ge3A_322 = arith.constant 1 : i32
    %ge3A_323 = vector.broadcast %ge3A_322 : i32 to vector<16x1xi32>
    %ge3A_324 = arith.cmpi sge, %iota3A_321, %ge3A_323 : vector<16x1xi32>
    %jit3A_325 = arith.constant 0 : i32
    %broadcast_in_dim3A_326 = vector.broadcast %jit3A_325 : i32 to vector<16x1xi32>
    %select_n3A_327 = arith.select %ge3A_324, %roll3A_320, %broadcast_in_dim3A_326 : vector<16x1xi1>, vector<16x1xi32>
    %add3A_328 = arith.addi %slice3A_318, %select_n3A_327 : vector<16x1xi32>
    %roll3A_329 = arith.constant 2 : i32
    %roll3A_330 = tpu.dynamic_rotate %add3A_328 by %roll3A_329 dim 0 : vector<16x1xi32>, i32 -> vector<16x1xi32>
    %iota3A_331 = tpu.iota {dimensions = array<i32: 0>} : vector<16x1xi32>
    %ge3A_332 = arith.constant 2 : i32
    %ge3A_333 = vector.broadcast %ge3A_332 : i32 to vector<16x1xi32>
    %ge3A_334 = arith.cmpi sge, %iota3A_331, %ge3A_333 : vector<16x1xi32>
    %jit3A_335 = arith.constant 0 : i32
    %broadcast_in_dim3A_336 = vector.broadcast %jit3A_335 : i32 to vector<16x1xi32>
    %select_n3A_337 = arith.select %ge3A_334, %roll3A_330, %broadcast_in_dim3A_336 : vector<16x1xi1>, vector<16x1xi32>
    %add3A_338 = arith.addi %add3A_328, %select_n3A_337 : vector<16x1xi32>
    %roll3A_339 = arith.constant 4 : i32
    %roll3A_340 = tpu.dynamic_rotate %add3A_338 by %roll3A_339 dim 0 : vector<16x1xi32>, i32 -> vector<16x1xi32>
    %iota3A_341 = tpu.iota {dimensions = array<i32: 0>} : vector<16x1xi32>
    %ge3A_342 = arith.constant 4 : i32
    %ge3A_343 = vector.broadcast %ge3A_342 : i32 to vector<16x1xi32>
    %ge3A_344 = arith.cmpi sge, %iota3A_341, %ge3A_343 : vector<16x1xi32>
    %jit3A_345 = arith.constant 0 : i32
    %broadcast_in_dim3A_346 = vector.broadcast %jit3A_345 : i32 to vector<16x1xi32>
    %select_n3A_347 = arith.select %ge3A_344, %roll3A_340, %broadcast_in_dim3A_346 : vector<16x1xi1>, vector<16x1xi32>
    %add3A_348 = arith.addi %add3A_338, %select_n3A_347 : vector<16x1xi32>
    %roll3A_349 = arith.constant 8 : i32
    %roll3A_350 = tpu.dynamic_rotate %add3A_348 by %roll3A_349 dim 0 : vector<16x1xi32>, i32 -> vector<16x1xi32>
    %iota3A_351 = tpu.iota {dimensions = array<i32: 0>} : vector<16x1xi32>
    %ge3A_352 = arith.constant 8 : i32
    %ge3A_353 = vector.broadcast %ge3A_352 : i32 to vector<16x1xi32>
    %ge3A_354 = arith.cmpi sge, %iota3A_351, %ge3A_353 : vector<16x1xi32>
    %jit3A_355 = arith.constant 0 : i32
    %broadcast_in_dim3A_356 = vector.broadcast %jit3A_355 : i32 to vector<16x1xi32>
    %select_n3A_357 = arith.select %ge3A_354, %roll3A_350, %broadcast_in_dim3A_356 : vector<16x1xi1>, vector<16x1xi32>
    %add3A_358 = arith.addi %add3A_348, %select_n3A_357 : vector<16x1xi32>
    %sub3A_359 = arith.subi %add3A_317, %convert_element_type3A_247 : vector<16x128xi32>
    %sub3A_360 = arith.subi %add3A_358, %slice3A_318 : vector<16x1xi32>
    %add3A_361 = vector.broadcast %sub3A_360 : vector<16x1xi32> to vector<16x128xi32>
    %add3A_362 = arith.addi %sub3A_359, %add3A_361 : vector<16x128xi32>
    %add3A_363 = vector.broadcast %add3A_243 : vector<1x1xi32> to vector<16x128xi32>
    %add3A_364 = arith.addi %add3A_363, %add3A_362 : vector<16x128xi32>
    %mul3A_365 = arith.muli %convert_element_type3A_247, %add3A_364 : vector<16x128xi32>
    %add3A_366 = arith.addi %add3A_241, %mul3A_365 : vector<16x128xi32>
    %slice3A_367 = vector.extract_strided_slice %add3A_358 {offsets = [15, 0], sizes = [1, 1], strides = [1, 1]} : vector<16x1xi32> to vector<1x1xi32>
    %add3A_368 = arith.addi %add3A_243, %slice3A_367 : vector<1x1xi32>
    %eq3A_369 = arith.constant 3 : i32
    %eq3A_370 = vector.broadcast %eq3A_369 : i32 to vector<16x128xi32>
    %eq3A_371 = arith.cmpi eq, %get3A_1, %eq3A_370 : vector<16x128xi32>
    %convert_element_type3A_372 = arith.extui %eq3A_371 : vector<16x128xi1> to vector<16x128xi32>
    %roll3A_373 = arith.constant 1 : i32
    %roll3A_374 = tpu.dynamic_rotate %convert_element_type3A_372 by %roll3A_373 dim 1 : vector<16x128xi32>, i32 -> vector<16x128xi32>
    %iota3A_375 = tpu.iota {dimensions = array<i32: 1>} : vector<16x128xi32>
    %ge3A_376 = arith.constant 1 : i32
    %ge3A_377 = vector.broadcast %ge3A_376 : i32 to vector<16x128xi32>
    %ge3A_378 = arith.cmpi sge, %iota3A_375, %ge3A_377 : vector<16x128xi32>
    %jit3A_379 = arith.constant 0 : i32
    %broadcast_in_dim3A_380 = vector.broadcast %jit3A_379 : i32 to vector<16x128xi32>
    %select_n3A_381 = arith.select %ge3A_378, %roll3A_374, %broadcast_in_dim3A_380 : vector<16x128xi1>, vector<16x128xi32>
    %add3A_382 = arith.addi %convert_element_type3A_372, %select_n3A_381 : vector<16x128xi32>
    %roll3A_383 = arith.constant 2 : i32
    %roll3A_384 = tpu.dynamic_rotate %add3A_382 by %roll3A_383 dim 1 : vector<16x128xi32>, i32 -> vector<16x128xi32>
    %iota3A_385 = tpu.iota {dimensions = array<i32: 1>} : vector<16x128xi32>
    %ge3A_386 = arith.constant 2 : i32
    %ge3A_387 = vector.broadcast %ge3A_386 : i32 to vector<16x128xi32>
    %ge3A_388 = arith.cmpi sge, %iota3A_385, %ge3A_387 : vector<16x128xi32>
    %jit3A_389 = arith.constant 0 : i32
    %broadcast_in_dim3A_390 = vector.broadcast %jit3A_389 : i32 to vector<16x128xi32>
    %select_n3A_391 = arith.select %ge3A_388, %roll3A_384, %broadcast_in_dim3A_390 : vector<16x128xi1>, vector<16x128xi32>
    %add3A_392 = arith.addi %add3A_382, %select_n3A_391 : vector<16x128xi32>
    %roll3A_393 = arith.constant 4 : i32
    %roll3A_394 = tpu.dynamic_rotate %add3A_392 by %roll3A_393 dim 1 : vector<16x128xi32>, i32 -> vector<16x128xi32>
    %iota3A_395 = tpu.iota {dimensions = array<i32: 1>} : vector<16x128xi32>
    %ge3A_396 = arith.constant 4 : i32
    %ge3A_397 = vector.broadcast %ge3A_396 : i32 to vector<16x128xi32>
    %ge3A_398 = arith.cmpi sge, %iota3A_395, %ge3A_397 : vector<16x128xi32>
    %jit3A_399 = arith.constant 0 : i32
    %broadcast_in_dim3A_400 = vector.broadcast %jit3A_399 : i32 to vector<16x128xi32>
    %select_n3A_401 = arith.select %ge3A_398, %roll3A_394, %broadcast_in_dim3A_400 : vector<16x128xi1>, vector<16x128xi32>
    %add3A_402 = arith.addi %add3A_392, %select_n3A_401 : vector<16x128xi32>
    %roll3A_403 = arith.constant 8 : i32
    %roll3A_404 = tpu.dynamic_rotate %add3A_402 by %roll3A_403 dim 1 : vector<16x128xi32>, i32 -> vector<16x128xi32>
    %iota3A_405 = tpu.iota {dimensions = array<i32: 1>} : vector<16x128xi32>
    %ge3A_406 = arith.constant 8 : i32
    %ge3A_407 = vector.broadcast %ge3A_406 : i32 to vector<16x128xi32>
    %ge3A_408 = arith.cmpi sge, %iota3A_405, %ge3A_407 : vector<16x128xi32>
    %jit3A_409 = arith.constant 0 : i32
    %broadcast_in_dim3A_410 = vector.broadcast %jit3A_409 : i32 to vector<16x128xi32>
    %select_n3A_411 = arith.select %ge3A_408, %roll3A_404, %broadcast_in_dim3A_410 : vector<16x128xi1>, vector<16x128xi32>
    %add3A_412 = arith.addi %add3A_402, %select_n3A_411 : vector<16x128xi32>
    %roll3A_413 = arith.constant 16 : i32
    %roll3A_414 = tpu.dynamic_rotate %add3A_412 by %roll3A_413 dim 1 : vector<16x128xi32>, i32 -> vector<16x128xi32>
    %iota3A_415 = tpu.iota {dimensions = array<i32: 1>} : vector<16x128xi32>
    %ge3A_416 = arith.constant 16 : i32
    %ge3A_417 = vector.broadcast %ge3A_416 : i32 to vector<16x128xi32>
    %ge3A_418 = arith.cmpi sge, %iota3A_415, %ge3A_417 : vector<16x128xi32>
    %jit3A_419 = arith.constant 0 : i32
    %broadcast_in_dim3A_420 = vector.broadcast %jit3A_419 : i32 to vector<16x128xi32>
    %select_n3A_421 = arith.select %ge3A_418, %roll3A_414, %broadcast_in_dim3A_420 : vector<16x128xi1>, vector<16x128xi32>
    %add3A_422 = arith.addi %add3A_412, %select_n3A_421 : vector<16x128xi32>
    %roll3A_423 = arith.constant 32 : i32
    %roll3A_424 = tpu.dynamic_rotate %add3A_422 by %roll3A_423 dim 1 : vector<16x128xi32>, i32 -> vector<16x128xi32>
    %iota3A_425 = tpu.iota {dimensions = array<i32: 1>} : vector<16x128xi32>
    %ge3A_426 = arith.constant 32 : i32
    %ge3A_427 = vector.broadcast %ge3A_426 : i32 to vector<16x128xi32>
    %ge3A_428 = arith.cmpi sge, %iota3A_425, %ge3A_427 : vector<16x128xi32>
    %jit3A_429 = arith.constant 0 : i32
    %broadcast_in_dim3A_430 = vector.broadcast %jit3A_429 : i32 to vector<16x128xi32>
    %select_n3A_431 = arith.select %ge3A_428, %roll3A_424, %broadcast_in_dim3A_430 : vector<16x128xi1>, vector<16x128xi32>
    %add3A_432 = arith.addi %add3A_422, %select_n3A_431 : vector<16x128xi32>
    %roll3A_433 = arith.constant 64 : i32
    %roll3A_434 = tpu.dynamic_rotate %add3A_432 by %roll3A_433 dim 1 : vector<16x128xi32>, i32 -> vector<16x128xi32>
    %iota3A_435 = tpu.iota {dimensions = array<i32: 1>} : vector<16x128xi32>
    %ge3A_436 = arith.constant 64 : i32
    %ge3A_437 = vector.broadcast %ge3A_436 : i32 to vector<16x128xi32>
    %ge3A_438 = arith.cmpi sge, %iota3A_435, %ge3A_437 : vector<16x128xi32>
    %jit3A_439 = arith.constant 0 : i32
    %broadcast_in_dim3A_440 = vector.broadcast %jit3A_439 : i32 to vector<16x128xi32>
    %select_n3A_441 = arith.select %ge3A_438, %roll3A_434, %broadcast_in_dim3A_440 : vector<16x128xi1>, vector<16x128xi32>
    %add3A_442 = arith.addi %add3A_432, %select_n3A_441 : vector<16x128xi32>
    %slice3A_443 = vector.extract_strided_slice %add3A_442 {offsets = [0, 127], sizes = [16, 1], strides = [1, 1]} : vector<16x128xi32> to vector<16x1xi32>
    %roll3A_444 = arith.constant 1 : i32
    %roll3A_445 = tpu.dynamic_rotate %slice3A_443 by %roll3A_444 dim 0 : vector<16x1xi32>, i32 -> vector<16x1xi32>
    %iota3A_446 = tpu.iota {dimensions = array<i32: 0>} : vector<16x1xi32>
    %ge3A_447 = arith.constant 1 : i32
    %ge3A_448 = vector.broadcast %ge3A_447 : i32 to vector<16x1xi32>
    %ge3A_449 = arith.cmpi sge, %iota3A_446, %ge3A_448 : vector<16x1xi32>
    %jit3A_450 = arith.constant 0 : i32
    %broadcast_in_dim3A_451 = vector.broadcast %jit3A_450 : i32 to vector<16x1xi32>
    %select_n3A_452 = arith.select %ge3A_449, %roll3A_445, %broadcast_in_dim3A_451 : vector<16x1xi1>, vector<16x1xi32>
    %add3A_453 = arith.addi %slice3A_443, %select_n3A_452 : vector<16x1xi32>
    %roll3A_454 = arith.constant 2 : i32
    %roll3A_455 = tpu.dynamic_rotate %add3A_453 by %roll3A_454 dim 0 : vector<16x1xi32>, i32 -> vector<16x1xi32>
    %iota3A_456 = tpu.iota {dimensions = array<i32: 0>} : vector<16x1xi32>
    %ge3A_457 = arith.constant 2 : i32
    %ge3A_458 = vector.broadcast %ge3A_457 : i32 to vector<16x1xi32>
    %ge3A_459 = arith.cmpi sge, %iota3A_456, %ge3A_458 : vector<16x1xi32>
    %jit3A_460 = arith.constant 0 : i32
    %broadcast_in_dim3A_461 = vector.broadcast %jit3A_460 : i32 to vector<16x1xi32>
    %select_n3A_462 = arith.select %ge3A_459, %roll3A_455, %broadcast_in_dim3A_461 : vector<16x1xi1>, vector<16x1xi32>
    %add3A_463 = arith.addi %add3A_453, %select_n3A_462 : vector<16x1xi32>
    %roll3A_464 = arith.constant 4 : i32
    %roll3A_465 = tpu.dynamic_rotate %add3A_463 by %roll3A_464 dim 0 : vector<16x1xi32>, i32 -> vector<16x1xi32>
    %iota3A_466 = tpu.iota {dimensions = array<i32: 0>} : vector<16x1xi32>
    %ge3A_467 = arith.constant 4 : i32
    %ge3A_468 = vector.broadcast %ge3A_467 : i32 to vector<16x1xi32>
    %ge3A_469 = arith.cmpi sge, %iota3A_466, %ge3A_468 : vector<16x1xi32>
    %jit3A_470 = arith.constant 0 : i32
    %broadcast_in_dim3A_471 = vector.broadcast %jit3A_470 : i32 to vector<16x1xi32>
    %select_n3A_472 = arith.select %ge3A_469, %roll3A_465, %broadcast_in_dim3A_471 : vector<16x1xi1>, vector<16x1xi32>
    %add3A_473 = arith.addi %add3A_463, %select_n3A_472 : vector<16x1xi32>
    %roll3A_474 = arith.constant 8 : i32
    %roll3A_475 = tpu.dynamic_rotate %add3A_473 by %roll3A_474 dim 0 : vector<16x1xi32>, i32 -> vector<16x1xi32>
    %iota3A_476 = tpu.iota {dimensions = array<i32: 0>} : vector<16x1xi32>
    %ge3A_477 = arith.constant 8 : i32
    %ge3A_478 = vector.broadcast %ge3A_477 : i32 to vector<16x1xi32>
    %ge3A_479 = arith.cmpi sge, %iota3A_476, %ge3A_478 : vector<16x1xi32>
    %jit3A_480 = arith.constant 0 : i32
    %broadcast_in_dim3A_481 = vector.broadcast %jit3A_480 : i32 to vector<16x1xi32>
    %select_n3A_482 = arith.select %ge3A_479, %roll3A_475, %broadcast_in_dim3A_481 : vector<16x1xi1>, vector<16x1xi32>
    %add3A_483 = arith.addi %add3A_473, %select_n3A_482 : vector<16x1xi32>
    %sub3A_484 = arith.subi %add3A_442, %convert_element_type3A_372 : vector<16x128xi32>
    %sub3A_485 = arith.subi %add3A_483, %slice3A_443 : vector<16x1xi32>
    %add3A_486 = vector.broadcast %sub3A_485 : vector<16x1xi32> to vector<16x128xi32>
    %add3A_487 = arith.addi %sub3A_484, %add3A_486 : vector<16x128xi32>
    %add3A_488 = vector.broadcast %add3A_368 : vector<1x1xi32> to vector<16x128xi32>
    %add3A_489 = arith.addi %add3A_488, %add3A_487 : vector<16x128xi32>
    %mul3A_490 = arith.muli %convert_element_type3A_372, %add3A_489 : vector<16x128xi32>
    %add3A_491 = arith.addi %add3A_366, %mul3A_490 : vector<16x128xi32>
    %slice3A_492 = vector.extract_strided_slice %add3A_483 {offsets = [15, 0], sizes = [1, 1], strides = [1, 1]} : vector<16x1xi32> to vector<1x1xi32>
    %add3A_493 = arith.addi %add3A_368, %slice3A_492 : vector<1x1xi32>
    %eq3A_494 = arith.constant 4 : i32
    %eq3A_495 = vector.broadcast %eq3A_494 : i32 to vector<16x128xi32>
    %eq3A_496 = arith.cmpi eq, %get3A_1, %eq3A_495 : vector<16x128xi32>
    %convert_element_type3A_497 = arith.extui %eq3A_496 : vector<16x128xi1> to vector<16x128xi32>
    %roll3A_498 = arith.constant 1 : i32
    %roll3A_499 = tpu.dynamic_rotate %convert_element_type3A_497 by %roll3A_498 dim 1 : vector<16x128xi32>, i32 -> vector<16x128xi32>
    %iota3A_500 = tpu.iota {dimensions = array<i32: 1>} : vector<16x128xi32>
    %ge3A_501 = arith.constant 1 : i32
    %ge3A_502 = vector.broadcast %ge3A_501 : i32 to vector<16x128xi32>
    %ge3A_503 = arith.cmpi sge, %iota3A_500, %ge3A_502 : vector<16x128xi32>
    %jit3A_504 = arith.constant 0 : i32
    %broadcast_in_dim3A_505 = vector.broadcast %jit3A_504 : i32 to vector<16x128xi32>
    %select_n3A_506 = arith.select %ge3A_503, %roll3A_499, %broadcast_in_dim3A_505 : vector<16x128xi1>, vector<16x128xi32>
    %add3A_507 = arith.addi %convert_element_type3A_497, %select_n3A_506 : vector<16x128xi32>
    %roll3A_508 = arith.constant 2 : i32
    %roll3A_509 = tpu.dynamic_rotate %add3A_507 by %roll3A_508 dim 1 : vector<16x128xi32>, i32 -> vector<16x128xi32>
    %iota3A_510 = tpu.iota {dimensions = array<i32: 1>} : vector<16x128xi32>
    %ge3A_511 = arith.constant 2 : i32
    %ge3A_512 = vector.broadcast %ge3A_511 : i32 to vector<16x128xi32>
    %ge3A_513 = arith.cmpi sge, %iota3A_510, %ge3A_512 : vector<16x128xi32>
    %jit3A_514 = arith.constant 0 : i32
    %broadcast_in_dim3A_515 = vector.broadcast %jit3A_514 : i32 to vector<16x128xi32>
    %select_n3A_516 = arith.select %ge3A_513, %roll3A_509, %broadcast_in_dim3A_515 : vector<16x128xi1>, vector<16x128xi32>
    %add3A_517 = arith.addi %add3A_507, %select_n3A_516 : vector<16x128xi32>
    %roll3A_518 = arith.constant 4 : i32
    %roll3A_519 = tpu.dynamic_rotate %add3A_517 by %roll3A_518 dim 1 : vector<16x128xi32>, i32 -> vector<16x128xi32>
    %iota3A_520 = tpu.iota {dimensions = array<i32: 1>} : vector<16x128xi32>
    %ge3A_521 = arith.constant 4 : i32
    %ge3A_522 = vector.broadcast %ge3A_521 : i32 to vector<16x128xi32>
    %ge3A_523 = arith.cmpi sge, %iota3A_520, %ge3A_522 : vector<16x128xi32>
    %jit3A_524 = arith.constant 0 : i32
    %broadcast_in_dim3A_525 = vector.broadcast %jit3A_524 : i32 to vector<16x128xi32>
    %select_n3A_526 = arith.select %ge3A_523, %roll3A_519, %broadcast_in_dim3A_525 : vector<16x128xi1>, vector<16x128xi32>
    %add3A_527 = arith.addi %add3A_517, %select_n3A_526 : vector<16x128xi32>
    %roll3A_528 = arith.constant 8 : i32
    %roll3A_529 = tpu.dynamic_rotate %add3A_527 by %roll3A_528 dim 1 : vector<16x128xi32>, i32 -> vector<16x128xi32>
    %iota3A_530 = tpu.iota {dimensions = array<i32: 1>} : vector<16x128xi32>
    %ge3A_531 = arith.constant 8 : i32
    %ge3A_532 = vector.broadcast %ge3A_531 : i32 to vector<16x128xi32>
    %ge3A_533 = arith.cmpi sge, %iota3A_530, %ge3A_532 : vector<16x128xi32>
    %jit3A_534 = arith.constant 0 : i32
    %broadcast_in_dim3A_535 = vector.broadcast %jit3A_534 : i32 to vector<16x128xi32>
    %select_n3A_536 = arith.select %ge3A_533, %roll3A_529, %broadcast_in_dim3A_535 : vector<16x128xi1>, vector<16x128xi32>
    %add3A_537 = arith.addi %add3A_527, %select_n3A_536 : vector<16x128xi32>
    %roll3A_538 = arith.constant 16 : i32
    %roll3A_539 = tpu.dynamic_rotate %add3A_537 by %roll3A_538 dim 1 : vector<16x128xi32>, i32 -> vector<16x128xi32>
    %iota3A_540 = tpu.iota {dimensions = array<i32: 1>} : vector<16x128xi32>
    %ge3A_541 = arith.constant 16 : i32
    %ge3A_542 = vector.broadcast %ge3A_541 : i32 to vector<16x128xi32>
    %ge3A_543 = arith.cmpi sge, %iota3A_540, %ge3A_542 : vector<16x128xi32>
    %jit3A_544 = arith.constant 0 : i32
    %broadcast_in_dim3A_545 = vector.broadcast %jit3A_544 : i32 to vector<16x128xi32>
    %select_n3A_546 = arith.select %ge3A_543, %roll3A_539, %broadcast_in_dim3A_545 : vector<16x128xi1>, vector<16x128xi32>
    %add3A_547 = arith.addi %add3A_537, %select_n3A_546 : vector<16x128xi32>
    %roll3A_548 = arith.constant 32 : i32
    %roll3A_549 = tpu.dynamic_rotate %add3A_547 by %roll3A_548 dim 1 : vector<16x128xi32>, i32 -> vector<16x128xi32>
    %iota3A_550 = tpu.iota {dimensions = array<i32: 1>} : vector<16x128xi32>
    %ge3A_551 = arith.constant 32 : i32
    %ge3A_552 = vector.broadcast %ge3A_551 : i32 to vector<16x128xi32>
    %ge3A_553 = arith.cmpi sge, %iota3A_550, %ge3A_552 : vector<16x128xi32>
    %jit3A_554 = arith.constant 0 : i32
    %broadcast_in_dim3A_555 = vector.broadcast %jit3A_554 : i32 to vector<16x128xi32>
    %select_n3A_556 = arith.select %ge3A_553, %roll3A_549, %broadcast_in_dim3A_555 : vector<16x128xi1>, vector<16x128xi32>
    %add3A_557 = arith.addi %add3A_547, %select_n3A_556 : vector<16x128xi32>
    %roll3A_558 = arith.constant 64 : i32
    %roll3A_559 = tpu.dynamic_rotate %add3A_557 by %roll3A_558 dim 1 : vector<16x128xi32>, i32 -> vector<16x128xi32>
    %iota3A_560 = tpu.iota {dimensions = array<i32: 1>} : vector<16x128xi32>
    %ge3A_561 = arith.constant 64 : i32
    %ge3A_562 = vector.broadcast %ge3A_561 : i32 to vector<16x128xi32>
    %ge3A_563 = arith.cmpi sge, %iota3A_560, %ge3A_562 : vector<16x128xi32>
    %jit3A_564 = arith.constant 0 : i32
    %broadcast_in_dim3A_565 = vector.broadcast %jit3A_564 : i32 to vector<16x128xi32>
    %select_n3A_566 = arith.select %ge3A_563, %roll3A_559, %broadcast_in_dim3A_565 : vector<16x128xi1>, vector<16x128xi32>
    %add3A_567 = arith.addi %add3A_557, %select_n3A_566 : vector<16x128xi32>
    %slice3A_568 = vector.extract_strided_slice %add3A_567 {offsets = [0, 127], sizes = [16, 1], strides = [1, 1]} : vector<16x128xi32> to vector<16x1xi32>
    %roll3A_569 = arith.constant 1 : i32
    %roll3A_570 = tpu.dynamic_rotate %slice3A_568 by %roll3A_569 dim 0 : vector<16x1xi32>, i32 -> vector<16x1xi32>
    %iota3A_571 = tpu.iota {dimensions = array<i32: 0>} : vector<16x1xi32>
    %ge3A_572 = arith.constant 1 : i32
    %ge3A_573 = vector.broadcast %ge3A_572 : i32 to vector<16x1xi32>
    %ge3A_574 = arith.cmpi sge, %iota3A_571, %ge3A_573 : vector<16x1xi32>
    %jit3A_575 = arith.constant 0 : i32
    %broadcast_in_dim3A_576 = vector.broadcast %jit3A_575 : i32 to vector<16x1xi32>
    %select_n3A_577 = arith.select %ge3A_574, %roll3A_570, %broadcast_in_dim3A_576 : vector<16x1xi1>, vector<16x1xi32>
    %add3A_578 = arith.addi %slice3A_568, %select_n3A_577 : vector<16x1xi32>
    %roll3A_579 = arith.constant 2 : i32
    %roll3A_580 = tpu.dynamic_rotate %add3A_578 by %roll3A_579 dim 0 : vector<16x1xi32>, i32 -> vector<16x1xi32>
    %iota3A_581 = tpu.iota {dimensions = array<i32: 0>} : vector<16x1xi32>
    %ge3A_582 = arith.constant 2 : i32
    %ge3A_583 = vector.broadcast %ge3A_582 : i32 to vector<16x1xi32>
    %ge3A_584 = arith.cmpi sge, %iota3A_581, %ge3A_583 : vector<16x1xi32>
    %jit3A_585 = arith.constant 0 : i32
    %broadcast_in_dim3A_586 = vector.broadcast %jit3A_585 : i32 to vector<16x1xi32>
    %select_n3A_587 = arith.select %ge3A_584, %roll3A_580, %broadcast_in_dim3A_586 : vector<16x1xi1>, vector<16x1xi32>
    %add3A_588 = arith.addi %add3A_578, %select_n3A_587 : vector<16x1xi32>
    %roll3A_589 = arith.constant 4 : i32
    %roll3A_590 = tpu.dynamic_rotate %add3A_588 by %roll3A_589 dim 0 : vector<16x1xi32>, i32 -> vector<16x1xi32>
    %iota3A_591 = tpu.iota {dimensions = array<i32: 0>} : vector<16x1xi32>
    %ge3A_592 = arith.constant 4 : i32
    %ge3A_593 = vector.broadcast %ge3A_592 : i32 to vector<16x1xi32>
    %ge3A_594 = arith.cmpi sge, %iota3A_591, %ge3A_593 : vector<16x1xi32>
    %jit3A_595 = arith.constant 0 : i32
    %broadcast_in_dim3A_596 = vector.broadcast %jit3A_595 : i32 to vector<16x1xi32>
    %select_n3A_597 = arith.select %ge3A_594, %roll3A_590, %broadcast_in_dim3A_596 : vector<16x1xi1>, vector<16x1xi32>
    %add3A_598 = arith.addi %add3A_588, %select_n3A_597 : vector<16x1xi32>
    %roll3A_599 = arith.constant 8 : i32
    %roll3A_600 = tpu.dynamic_rotate %add3A_598 by %roll3A_599 dim 0 : vector<16x1xi32>, i32 -> vector<16x1xi32>
    %iota3A_601 = tpu.iota {dimensions = array<i32: 0>} : vector<16x1xi32>
    %ge3A_602 = arith.constant 8 : i32
    %ge3A_603 = vector.broadcast %ge3A_602 : i32 to vector<16x1xi32>
    %ge3A_604 = arith.cmpi sge, %iota3A_601, %ge3A_603 : vector<16x1xi32>
    %jit3A_605 = arith.constant 0 : i32
    %broadcast_in_dim3A_606 = vector.broadcast %jit3A_605 : i32 to vector<16x1xi32>
    %select_n3A_607 = arith.select %ge3A_604, %roll3A_600, %broadcast_in_dim3A_606 : vector<16x1xi1>, vector<16x1xi32>
    %add3A_608 = arith.addi %add3A_598, %select_n3A_607 : vector<16x1xi32>
    %sub3A_609 = arith.subi %add3A_567, %convert_element_type3A_497 : vector<16x128xi32>
    %sub3A_610 = arith.subi %add3A_608, %slice3A_568 : vector<16x1xi32>
    %add3A_611 = vector.broadcast %sub3A_610 : vector<16x1xi32> to vector<16x128xi32>
    %add3A_612 = arith.addi %sub3A_609, %add3A_611 : vector<16x128xi32>
    %add3A_613 = vector.broadcast %add3A_493 : vector<1x1xi32> to vector<16x128xi32>
    %add3A_614 = arith.addi %add3A_613, %add3A_612 : vector<16x128xi32>
    %mul3A_615 = arith.muli %convert_element_type3A_497, %add3A_614 : vector<16x128xi32>
    %add3A_616 = arith.addi %add3A_491, %mul3A_615 : vector<16x128xi32>
    %slice3A_617 = vector.extract_strided_slice %add3A_608 {offsets = [15, 0], sizes = [1, 1], strides = [1, 1]} : vector<16x1xi32> to vector<1x1xi32>
    %add3A_618 = arith.addi %add3A_493, %slice3A_617 : vector<1x1xi32>
    %eq3A_619 = arith.constant 5 : i32
    %eq3A_620 = vector.broadcast %eq3A_619 : i32 to vector<16x128xi32>
    %eq3A_621 = arith.cmpi eq, %get3A_1, %eq3A_620 : vector<16x128xi32>
    %convert_element_type3A_622 = arith.extui %eq3A_621 : vector<16x128xi1> to vector<16x128xi32>
    %roll3A_623 = arith.constant 1 : i32
    %roll3A_624 = tpu.dynamic_rotate %convert_element_type3A_622 by %roll3A_623 dim 1 : vector<16x128xi32>, i32 -> vector<16x128xi32>
    %iota3A_625 = tpu.iota {dimensions = array<i32: 1>} : vector<16x128xi32>
    %ge3A_626 = arith.constant 1 : i32
    %ge3A_627 = vector.broadcast %ge3A_626 : i32 to vector<16x128xi32>
    %ge3A_628 = arith.cmpi sge, %iota3A_625, %ge3A_627 : vector<16x128xi32>
    %jit3A_629 = arith.constant 0 : i32
    %broadcast_in_dim3A_630 = vector.broadcast %jit3A_629 : i32 to vector<16x128xi32>
    %select_n3A_631 = arith.select %ge3A_628, %roll3A_624, %broadcast_in_dim3A_630 : vector<16x128xi1>, vector<16x128xi32>
    %add3A_632 = arith.addi %convert_element_type3A_622, %select_n3A_631 : vector<16x128xi32>
    %roll3A_633 = arith.constant 2 : i32
    %roll3A_634 = tpu.dynamic_rotate %add3A_632 by %roll3A_633 dim 1 : vector<16x128xi32>, i32 -> vector<16x128xi32>
    %iota3A_635 = tpu.iota {dimensions = array<i32: 1>} : vector<16x128xi32>
    %ge3A_636 = arith.constant 2 : i32
    %ge3A_637 = vector.broadcast %ge3A_636 : i32 to vector<16x128xi32>
    %ge3A_638 = arith.cmpi sge, %iota3A_635, %ge3A_637 : vector<16x128xi32>
    %jit3A_639 = arith.constant 0 : i32
    %broadcast_in_dim3A_640 = vector.broadcast %jit3A_639 : i32 to vector<16x128xi32>
    %select_n3A_641 = arith.select %ge3A_638, %roll3A_634, %broadcast_in_dim3A_640 : vector<16x128xi1>, vector<16x128xi32>
    %add3A_642 = arith.addi %add3A_632, %select_n3A_641 : vector<16x128xi32>
    %roll3A_643 = arith.constant 4 : i32
    %roll3A_644 = tpu.dynamic_rotate %add3A_642 by %roll3A_643 dim 1 : vector<16x128xi32>, i32 -> vector<16x128xi32>
    %iota3A_645 = tpu.iota {dimensions = array<i32: 1>} : vector<16x128xi32>
    %ge3A_646 = arith.constant 4 : i32
    %ge3A_647 = vector.broadcast %ge3A_646 : i32 to vector<16x128xi32>
    %ge3A_648 = arith.cmpi sge, %iota3A_645, %ge3A_647 : vector<16x128xi32>
    %jit3A_649 = arith.constant 0 : i32
    %broadcast_in_dim3A_650 = vector.broadcast %jit3A_649 : i32 to vector<16x128xi32>
    %select_n3A_651 = arith.select %ge3A_648, %roll3A_644, %broadcast_in_dim3A_650 : vector<16x128xi1>, vector<16x128xi32>
    %add3A_652 = arith.addi %add3A_642, %select_n3A_651 : vector<16x128xi32>
    %roll3A_653 = arith.constant 8 : i32
    %roll3A_654 = tpu.dynamic_rotate %add3A_652 by %roll3A_653 dim 1 : vector<16x128xi32>, i32 -> vector<16x128xi32>
    %iota3A_655 = tpu.iota {dimensions = array<i32: 1>} : vector<16x128xi32>
    %ge3A_656 = arith.constant 8 : i32
    %ge3A_657 = vector.broadcast %ge3A_656 : i32 to vector<16x128xi32>
    %ge3A_658 = arith.cmpi sge, %iota3A_655, %ge3A_657 : vector<16x128xi32>
    %jit3A_659 = arith.constant 0 : i32
    %broadcast_in_dim3A_660 = vector.broadcast %jit3A_659 : i32 to vector<16x128xi32>
    %select_n3A_661 = arith.select %ge3A_658, %roll3A_654, %broadcast_in_dim3A_660 : vector<16x128xi1>, vector<16x128xi32>
    %add3A_662 = arith.addi %add3A_652, %select_n3A_661 : vector<16x128xi32>
    %roll3A_663 = arith.constant 16 : i32
    %roll3A_664 = tpu.dynamic_rotate %add3A_662 by %roll3A_663 dim 1 : vector<16x128xi32>, i32 -> vector<16x128xi32>
    %iota3A_665 = tpu.iota {dimensions = array<i32: 1>} : vector<16x128xi32>
    %ge3A_666 = arith.constant 16 : i32
    %ge3A_667 = vector.broadcast %ge3A_666 : i32 to vector<16x128xi32>
    %ge3A_668 = arith.cmpi sge, %iota3A_665, %ge3A_667 : vector<16x128xi32>
    %jit3A_669 = arith.constant 0 : i32
    %broadcast_in_dim3A_670 = vector.broadcast %jit3A_669 : i32 to vector<16x128xi32>
    %select_n3A_671 = arith.select %ge3A_668, %roll3A_664, %broadcast_in_dim3A_670 : vector<16x128xi1>, vector<16x128xi32>
    %add3A_672 = arith.addi %add3A_662, %select_n3A_671 : vector<16x128xi32>
    %roll3A_673 = arith.constant 32 : i32
    %roll3A_674 = tpu.dynamic_rotate %add3A_672 by %roll3A_673 dim 1 : vector<16x128xi32>, i32 -> vector<16x128xi32>
    %iota3A_675 = tpu.iota {dimensions = array<i32: 1>} : vector<16x128xi32>
    %ge3A_676 = arith.constant 32 : i32
    %ge3A_677 = vector.broadcast %ge3A_676 : i32 to vector<16x128xi32>
    %ge3A_678 = arith.cmpi sge, %iota3A_675, %ge3A_677 : vector<16x128xi32>
    %jit3A_679 = arith.constant 0 : i32
    %broadcast_in_dim3A_680 = vector.broadcast %jit3A_679 : i32 to vector<16x128xi32>
    %select_n3A_681 = arith.select %ge3A_678, %roll3A_674, %broadcast_in_dim3A_680 : vector<16x128xi1>, vector<16x128xi32>
    %add3A_682 = arith.addi %add3A_672, %select_n3A_681 : vector<16x128xi32>
    %roll3A_683 = arith.constant 64 : i32
    %roll3A_684 = tpu.dynamic_rotate %add3A_682 by %roll3A_683 dim 1 : vector<16x128xi32>, i32 -> vector<16x128xi32>
    %iota3A_685 = tpu.iota {dimensions = array<i32: 1>} : vector<16x128xi32>
    %ge3A_686 = arith.constant 64 : i32
    %ge3A_687 = vector.broadcast %ge3A_686 : i32 to vector<16x128xi32>
    %ge3A_688 = arith.cmpi sge, %iota3A_685, %ge3A_687 : vector<16x128xi32>
    %jit3A_689 = arith.constant 0 : i32
    %broadcast_in_dim3A_690 = vector.broadcast %jit3A_689 : i32 to vector<16x128xi32>
    %select_n3A_691 = arith.select %ge3A_688, %roll3A_684, %broadcast_in_dim3A_690 : vector<16x128xi1>, vector<16x128xi32>
    %add3A_692 = arith.addi %add3A_682, %select_n3A_691 : vector<16x128xi32>
    %slice3A_693 = vector.extract_strided_slice %add3A_692 {offsets = [0, 127], sizes = [16, 1], strides = [1, 1]} : vector<16x128xi32> to vector<16x1xi32>
    %roll3A_694 = arith.constant 1 : i32
    %roll3A_695 = tpu.dynamic_rotate %slice3A_693 by %roll3A_694 dim 0 : vector<16x1xi32>, i32 -> vector<16x1xi32>
    %iota3A_696 = tpu.iota {dimensions = array<i32: 0>} : vector<16x1xi32>
    %ge3A_697 = arith.constant 1 : i32
    %ge3A_698 = vector.broadcast %ge3A_697 : i32 to vector<16x1xi32>
    %ge3A_699 = arith.cmpi sge, %iota3A_696, %ge3A_698 : vector<16x1xi32>
    %jit3A_700 = arith.constant 0 : i32
    %broadcast_in_dim3A_701 = vector.broadcast %jit3A_700 : i32 to vector<16x1xi32>
    %select_n3A_702 = arith.select %ge3A_699, %roll3A_695, %broadcast_in_dim3A_701 : vector<16x1xi1>, vector<16x1xi32>
    %add3A_703 = arith.addi %slice3A_693, %select_n3A_702 : vector<16x1xi32>
    %roll3A_704 = arith.constant 2 : i32
    %roll3A_705 = tpu.dynamic_rotate %add3A_703 by %roll3A_704 dim 0 : vector<16x1xi32>, i32 -> vector<16x1xi32>
    %iota3A_706 = tpu.iota {dimensions = array<i32: 0>} : vector<16x1xi32>
    %ge3A_707 = arith.constant 2 : i32
    %ge3A_708 = vector.broadcast %ge3A_707 : i32 to vector<16x1xi32>
    %ge3A_709 = arith.cmpi sge, %iota3A_706, %ge3A_708 : vector<16x1xi32>
    %jit3A_710 = arith.constant 0 : i32
    %broadcast_in_dim3A_711 = vector.broadcast %jit3A_710 : i32 to vector<16x1xi32>
    %select_n3A_712 = arith.select %ge3A_709, %roll3A_705, %broadcast_in_dim3A_711 : vector<16x1xi1>, vector<16x1xi32>
    %add3A_713 = arith.addi %add3A_703, %select_n3A_712 : vector<16x1xi32>
    %roll3A_714 = arith.constant 4 : i32
    %roll3A_715 = tpu.dynamic_rotate %add3A_713 by %roll3A_714 dim 0 : vector<16x1xi32>, i32 -> vector<16x1xi32>
    %iota3A_716 = tpu.iota {dimensions = array<i32: 0>} : vector<16x1xi32>
    %ge3A_717 = arith.constant 4 : i32
    %ge3A_718 = vector.broadcast %ge3A_717 : i32 to vector<16x1xi32>
    %ge3A_719 = arith.cmpi sge, %iota3A_716, %ge3A_718 : vector<16x1xi32>
    %jit3A_720 = arith.constant 0 : i32
    %broadcast_in_dim3A_721 = vector.broadcast %jit3A_720 : i32 to vector<16x1xi32>
    %select_n3A_722 = arith.select %ge3A_719, %roll3A_715, %broadcast_in_dim3A_721 : vector<16x1xi1>, vector<16x1xi32>
    %add3A_723 = arith.addi %add3A_713, %select_n3A_722 : vector<16x1xi32>
    %roll3A_724 = arith.constant 8 : i32
    %roll3A_725 = tpu.dynamic_rotate %add3A_723 by %roll3A_724 dim 0 : vector<16x1xi32>, i32 -> vector<16x1xi32>
    %iota3A_726 = tpu.iota {dimensions = array<i32: 0>} : vector<16x1xi32>
    %ge3A_727 = arith.constant 8 : i32
    %ge3A_728 = vector.broadcast %ge3A_727 : i32 to vector<16x1xi32>
    %ge3A_729 = arith.cmpi sge, %iota3A_726, %ge3A_728 : vector<16x1xi32>
    %jit3A_730 = arith.constant 0 : i32
    %broadcast_in_dim3A_731 = vector.broadcast %jit3A_730 : i32 to vector<16x1xi32>
    %select_n3A_732 = arith.select %ge3A_729, %roll3A_725, %broadcast_in_dim3A_731 : vector<16x1xi1>, vector<16x1xi32>
    %add3A_733 = arith.addi %add3A_723, %select_n3A_732 : vector<16x1xi32>
    %sub3A_734 = arith.subi %add3A_692, %convert_element_type3A_622 : vector<16x128xi32>
    %sub3A_735 = arith.subi %add3A_733, %slice3A_693 : vector<16x1xi32>
    %add3A_736 = vector.broadcast %sub3A_735 : vector<16x1xi32> to vector<16x128xi32>
    %add3A_737 = arith.addi %sub3A_734, %add3A_736 : vector<16x128xi32>
    %add3A_738 = vector.broadcast %add3A_618 : vector<1x1xi32> to vector<16x128xi32>
    %add3A_739 = arith.addi %add3A_738, %add3A_737 : vector<16x128xi32>
    %mul3A_740 = arith.muli %convert_element_type3A_622, %add3A_739 : vector<16x128xi32>
    %add3A_741 = arith.addi %add3A_616, %mul3A_740 : vector<16x128xi32>
    %slice3A_742 = vector.extract_strided_slice %add3A_733 {offsets = [15, 0], sizes = [1, 1], strides = [1, 1]} : vector<16x1xi32> to vector<1x1xi32>
    %add3A_743 = arith.addi %add3A_618, %slice3A_742 : vector<1x1xi32>
    %eq3A_744 = arith.constant 6 : i32
    %eq3A_745 = vector.broadcast %eq3A_744 : i32 to vector<16x128xi32>
    %eq3A_746 = arith.cmpi eq, %get3A_1, %eq3A_745 : vector<16x128xi32>
    %convert_element_type3A_747 = arith.extui %eq3A_746 : vector<16x128xi1> to vector<16x128xi32>
    %roll3A_748 = arith.constant 1 : i32
    %roll3A_749 = tpu.dynamic_rotate %convert_element_type3A_747 by %roll3A_748 dim 1 : vector<16x128xi32>, i32 -> vector<16x128xi32>
    %iota3A_750 = tpu.iota {dimensions = array<i32: 1>} : vector<16x128xi32>
    %ge3A_751 = arith.constant 1 : i32
    %ge3A_752 = vector.broadcast %ge3A_751 : i32 to vector<16x128xi32>
    %ge3A_753 = arith.cmpi sge, %iota3A_750, %ge3A_752 : vector<16x128xi32>
    %jit3A_754 = arith.constant 0 : i32
    %broadcast_in_dim3A_755 = vector.broadcast %jit3A_754 : i32 to vector<16x128xi32>
    %select_n3A_756 = arith.select %ge3A_753, %roll3A_749, %broadcast_in_dim3A_755 : vector<16x128xi1>, vector<16x128xi32>
    %add3A_757 = arith.addi %convert_element_type3A_747, %select_n3A_756 : vector<16x128xi32>
    %roll3A_758 = arith.constant 2 : i32
    %roll3A_759 = tpu.dynamic_rotate %add3A_757 by %roll3A_758 dim 1 : vector<16x128xi32>, i32 -> vector<16x128xi32>
    %iota3A_760 = tpu.iota {dimensions = array<i32: 1>} : vector<16x128xi32>
    %ge3A_761 = arith.constant 2 : i32
    %ge3A_762 = vector.broadcast %ge3A_761 : i32 to vector<16x128xi32>
    %ge3A_763 = arith.cmpi sge, %iota3A_760, %ge3A_762 : vector<16x128xi32>
    %jit3A_764 = arith.constant 0 : i32
    %broadcast_in_dim3A_765 = vector.broadcast %jit3A_764 : i32 to vector<16x128xi32>
    %select_n3A_766 = arith.select %ge3A_763, %roll3A_759, %broadcast_in_dim3A_765 : vector<16x128xi1>, vector<16x128xi32>
    %add3A_767 = arith.addi %add3A_757, %select_n3A_766 : vector<16x128xi32>
    %roll3A_768 = arith.constant 4 : i32
    %roll3A_769 = tpu.dynamic_rotate %add3A_767 by %roll3A_768 dim 1 : vector<16x128xi32>, i32 -> vector<16x128xi32>
    %iota3A_770 = tpu.iota {dimensions = array<i32: 1>} : vector<16x128xi32>
    %ge3A_771 = arith.constant 4 : i32
    %ge3A_772 = vector.broadcast %ge3A_771 : i32 to vector<16x128xi32>
    %ge3A_773 = arith.cmpi sge, %iota3A_770, %ge3A_772 : vector<16x128xi32>
    %jit3A_774 = arith.constant 0 : i32
    %broadcast_in_dim3A_775 = vector.broadcast %jit3A_774 : i32 to vector<16x128xi32>
    %select_n3A_776 = arith.select %ge3A_773, %roll3A_769, %broadcast_in_dim3A_775 : vector<16x128xi1>, vector<16x128xi32>
    %add3A_777 = arith.addi %add3A_767, %select_n3A_776 : vector<16x128xi32>
    %roll3A_778 = arith.constant 8 : i32
    %roll3A_779 = tpu.dynamic_rotate %add3A_777 by %roll3A_778 dim 1 : vector<16x128xi32>, i32 -> vector<16x128xi32>
    %iota3A_780 = tpu.iota {dimensions = array<i32: 1>} : vector<16x128xi32>
    %ge3A_781 = arith.constant 8 : i32
    %ge3A_782 = vector.broadcast %ge3A_781 : i32 to vector<16x128xi32>
    %ge3A_783 = arith.cmpi sge, %iota3A_780, %ge3A_782 : vector<16x128xi32>
    %jit3A_784 = arith.constant 0 : i32
    %broadcast_in_dim3A_785 = vector.broadcast %jit3A_784 : i32 to vector<16x128xi32>
    %select_n3A_786 = arith.select %ge3A_783, %roll3A_779, %broadcast_in_dim3A_785 : vector<16x128xi1>, vector<16x128xi32>
    %add3A_787 = arith.addi %add3A_777, %select_n3A_786 : vector<16x128xi32>
    %roll3A_788 = arith.constant 16 : i32
    %roll3A_789 = tpu.dynamic_rotate %add3A_787 by %roll3A_788 dim 1 : vector<16x128xi32>, i32 -> vector<16x128xi32>
    %iota3A_790 = tpu.iota {dimensions = array<i32: 1>} : vector<16x128xi32>
    %ge3A_791 = arith.constant 16 : i32
    %ge3A_792 = vector.broadcast %ge3A_791 : i32 to vector<16x128xi32>
    %ge3A_793 = arith.cmpi sge, %iota3A_790, %ge3A_792 : vector<16x128xi32>
    %jit3A_794 = arith.constant 0 : i32
    %broadcast_in_dim3A_795 = vector.broadcast %jit3A_794 : i32 to vector<16x128xi32>
    %select_n3A_796 = arith.select %ge3A_793, %roll3A_789, %broadcast_in_dim3A_795 : vector<16x128xi1>, vector<16x128xi32>
    %add3A_797 = arith.addi %add3A_787, %select_n3A_796 : vector<16x128xi32>
    %roll3A_798 = arith.constant 32 : i32
    %roll3A_799 = tpu.dynamic_rotate %add3A_797 by %roll3A_798 dim 1 : vector<16x128xi32>, i32 -> vector<16x128xi32>
    %iota3A_800 = tpu.iota {dimensions = array<i32: 1>} : vector<16x128xi32>
    %ge3A_801 = arith.constant 32 : i32
    %ge3A_802 = vector.broadcast %ge3A_801 : i32 to vector<16x128xi32>
    %ge3A_803 = arith.cmpi sge, %iota3A_800, %ge3A_802 : vector<16x128xi32>
    %jit3A_804 = arith.constant 0 : i32
    %broadcast_in_dim3A_805 = vector.broadcast %jit3A_804 : i32 to vector<16x128xi32>
    %select_n3A_806 = arith.select %ge3A_803, %roll3A_799, %broadcast_in_dim3A_805 : vector<16x128xi1>, vector<16x128xi32>
    %add3A_807 = arith.addi %add3A_797, %select_n3A_806 : vector<16x128xi32>
    %roll3A_808 = arith.constant 64 : i32
    %roll3A_809 = tpu.dynamic_rotate %add3A_807 by %roll3A_808 dim 1 : vector<16x128xi32>, i32 -> vector<16x128xi32>
    %iota3A_810 = tpu.iota {dimensions = array<i32: 1>} : vector<16x128xi32>
    %ge3A_811 = arith.constant 64 : i32
    %ge3A_812 = vector.broadcast %ge3A_811 : i32 to vector<16x128xi32>
    %ge3A_813 = arith.cmpi sge, %iota3A_810, %ge3A_812 : vector<16x128xi32>
    %jit3A_814 = arith.constant 0 : i32
    %broadcast_in_dim3A_815 = vector.broadcast %jit3A_814 : i32 to vector<16x128xi32>
    %select_n3A_816 = arith.select %ge3A_813, %roll3A_809, %broadcast_in_dim3A_815 : vector<16x128xi1>, vector<16x128xi32>
    %add3A_817 = arith.addi %add3A_807, %select_n3A_816 : vector<16x128xi32>
    %slice3A_818 = vector.extract_strided_slice %add3A_817 {offsets = [0, 127], sizes = [16, 1], strides = [1, 1]} : vector<16x128xi32> to vector<16x1xi32>
    %roll3A_819 = arith.constant 1 : i32
    %roll3A_820 = tpu.dynamic_rotate %slice3A_818 by %roll3A_819 dim 0 : vector<16x1xi32>, i32 -> vector<16x1xi32>
    %iota3A_821 = tpu.iota {dimensions = array<i32: 0>} : vector<16x1xi32>
    %ge3A_822 = arith.constant 1 : i32
    %ge3A_823 = vector.broadcast %ge3A_822 : i32 to vector<16x1xi32>
    %ge3A_824 = arith.cmpi sge, %iota3A_821, %ge3A_823 : vector<16x1xi32>
    %jit3A_825 = arith.constant 0 : i32
    %broadcast_in_dim3A_826 = vector.broadcast %jit3A_825 : i32 to vector<16x1xi32>
    %select_n3A_827 = arith.select %ge3A_824, %roll3A_820, %broadcast_in_dim3A_826 : vector<16x1xi1>, vector<16x1xi32>
    %add3A_828 = arith.addi %slice3A_818, %select_n3A_827 : vector<16x1xi32>
    %roll3A_829 = arith.constant 2 : i32
    %roll3A_830 = tpu.dynamic_rotate %add3A_828 by %roll3A_829 dim 0 : vector<16x1xi32>, i32 -> vector<16x1xi32>
    %iota3A_831 = tpu.iota {dimensions = array<i32: 0>} : vector<16x1xi32>
    %ge3A_832 = arith.constant 2 : i32
    %ge3A_833 = vector.broadcast %ge3A_832 : i32 to vector<16x1xi32>
    %ge3A_834 = arith.cmpi sge, %iota3A_831, %ge3A_833 : vector<16x1xi32>
    %jit3A_835 = arith.constant 0 : i32
    %broadcast_in_dim3A_836 = vector.broadcast %jit3A_835 : i32 to vector<16x1xi32>
    %select_n3A_837 = arith.select %ge3A_834, %roll3A_830, %broadcast_in_dim3A_836 : vector<16x1xi1>, vector<16x1xi32>
    %add3A_838 = arith.addi %add3A_828, %select_n3A_837 : vector<16x1xi32>
    %roll3A_839 = arith.constant 4 : i32
    %roll3A_840 = tpu.dynamic_rotate %add3A_838 by %roll3A_839 dim 0 : vector<16x1xi32>, i32 -> vector<16x1xi32>
    %iota3A_841 = tpu.iota {dimensions = array<i32: 0>} : vector<16x1xi32>
    %ge3A_842 = arith.constant 4 : i32
    %ge3A_843 = vector.broadcast %ge3A_842 : i32 to vector<16x1xi32>
    %ge3A_844 = arith.cmpi sge, %iota3A_841, %ge3A_843 : vector<16x1xi32>
    %jit3A_845 = arith.constant 0 : i32
    %broadcast_in_dim3A_846 = vector.broadcast %jit3A_845 : i32 to vector<16x1xi32>
    %select_n3A_847 = arith.select %ge3A_844, %roll3A_840, %broadcast_in_dim3A_846 : vector<16x1xi1>, vector<16x1xi32>
    %add3A_848 = arith.addi %add3A_838, %select_n3A_847 : vector<16x1xi32>
    %roll3A_849 = arith.constant 8 : i32
    %roll3A_850 = tpu.dynamic_rotate %add3A_848 by %roll3A_849 dim 0 : vector<16x1xi32>, i32 -> vector<16x1xi32>
    %iota3A_851 = tpu.iota {dimensions = array<i32: 0>} : vector<16x1xi32>
    %ge3A_852 = arith.constant 8 : i32
    %ge3A_853 = vector.broadcast %ge3A_852 : i32 to vector<16x1xi32>
    %ge3A_854 = arith.cmpi sge, %iota3A_851, %ge3A_853 : vector<16x1xi32>
    %jit3A_855 = arith.constant 0 : i32
    %broadcast_in_dim3A_856 = vector.broadcast %jit3A_855 : i32 to vector<16x1xi32>
    %select_n3A_857 = arith.select %ge3A_854, %roll3A_850, %broadcast_in_dim3A_856 : vector<16x1xi1>, vector<16x1xi32>
    %add3A_858 = arith.addi %add3A_848, %select_n3A_857 : vector<16x1xi32>
    %sub3A_859 = arith.subi %add3A_817, %convert_element_type3A_747 : vector<16x128xi32>
    %sub3A_860 = arith.subi %add3A_858, %slice3A_818 : vector<16x1xi32>
    %add3A_861 = vector.broadcast %sub3A_860 : vector<16x1xi32> to vector<16x128xi32>
    %add3A_862 = arith.addi %sub3A_859, %add3A_861 : vector<16x128xi32>
    %add3A_863 = vector.broadcast %add3A_743 : vector<1x1xi32> to vector<16x128xi32>
    %add3A_864 = arith.addi %add3A_863, %add3A_862 : vector<16x128xi32>
    %mul3A_865 = arith.muli %convert_element_type3A_747, %add3A_864 : vector<16x128xi32>
    %add3A_866 = arith.addi %add3A_741, %mul3A_865 : vector<16x128xi32>
    %slice3A_867 = vector.extract_strided_slice %add3A_858 {offsets = [15, 0], sizes = [1, 1], strides = [1, 1]} : vector<16x1xi32> to vector<1x1xi32>
    %add3A_868 = arith.addi %add3A_743, %slice3A_867 : vector<1x1xi32>
    %eq3A_869 = arith.constant 7 : i32
    %eq3A_870 = vector.broadcast %eq3A_869 : i32 to vector<16x128xi32>
    %eq3A_871 = arith.cmpi eq, %get3A_1, %eq3A_870 : vector<16x128xi32>
    %convert_element_type3A_872 = arith.extui %eq3A_871 : vector<16x128xi1> to vector<16x128xi32>
    %roll3A_873 = arith.constant 1 : i32
    %roll3A_874 = tpu.dynamic_rotate %convert_element_type3A_872 by %roll3A_873 dim 1 : vector<16x128xi32>, i32 -> vector<16x128xi32>
    %iota3A_875 = tpu.iota {dimensions = array<i32: 1>} : vector<16x128xi32>
    %ge3A_876 = arith.constant 1 : i32
    %ge3A_877 = vector.broadcast %ge3A_876 : i32 to vector<16x128xi32>
    %ge3A_878 = arith.cmpi sge, %iota3A_875, %ge3A_877 : vector<16x128xi32>
    %jit3A_879 = arith.constant 0 : i32
    %broadcast_in_dim3A_880 = vector.broadcast %jit3A_879 : i32 to vector<16x128xi32>
    %select_n3A_881 = arith.select %ge3A_878, %roll3A_874, %broadcast_in_dim3A_880 : vector<16x128xi1>, vector<16x128xi32>
    %add3A_882 = arith.addi %convert_element_type3A_872, %select_n3A_881 : vector<16x128xi32>
    %roll3A_883 = arith.constant 2 : i32
    %roll3A_884 = tpu.dynamic_rotate %add3A_882 by %roll3A_883 dim 1 : vector<16x128xi32>, i32 -> vector<16x128xi32>
    %iota3A_885 = tpu.iota {dimensions = array<i32: 1>} : vector<16x128xi32>
    %ge3A_886 = arith.constant 2 : i32
    %ge3A_887 = vector.broadcast %ge3A_886 : i32 to vector<16x128xi32>
    %ge3A_888 = arith.cmpi sge, %iota3A_885, %ge3A_887 : vector<16x128xi32>
    %jit3A_889 = arith.constant 0 : i32
    %broadcast_in_dim3A_890 = vector.broadcast %jit3A_889 : i32 to vector<16x128xi32>
    %select_n3A_891 = arith.select %ge3A_888, %roll3A_884, %broadcast_in_dim3A_890 : vector<16x128xi1>, vector<16x128xi32>
    %add3A_892 = arith.addi %add3A_882, %select_n3A_891 : vector<16x128xi32>
    %roll3A_893 = arith.constant 4 : i32
    %roll3A_894 = tpu.dynamic_rotate %add3A_892 by %roll3A_893 dim 1 : vector<16x128xi32>, i32 -> vector<16x128xi32>
    %iota3A_895 = tpu.iota {dimensions = array<i32: 1>} : vector<16x128xi32>
    %ge3A_896 = arith.constant 4 : i32
    %ge3A_897 = vector.broadcast %ge3A_896 : i32 to vector<16x128xi32>
    %ge3A_898 = arith.cmpi sge, %iota3A_895, %ge3A_897 : vector<16x128xi32>
    %jit3A_899 = arith.constant 0 : i32
    %broadcast_in_dim3A_900 = vector.broadcast %jit3A_899 : i32 to vector<16x128xi32>
    %select_n3A_901 = arith.select %ge3A_898, %roll3A_894, %broadcast_in_dim3A_900 : vector<16x128xi1>, vector<16x128xi32>
    %add3A_902 = arith.addi %add3A_892, %select_n3A_901 : vector<16x128xi32>
    %roll3A_903 = arith.constant 8 : i32
    %roll3A_904 = tpu.dynamic_rotate %add3A_902 by %roll3A_903 dim 1 : vector<16x128xi32>, i32 -> vector<16x128xi32>
    %iota3A_905 = tpu.iota {dimensions = array<i32: 1>} : vector<16x128xi32>
    %ge3A_906 = arith.constant 8 : i32
    %ge3A_907 = vector.broadcast %ge3A_906 : i32 to vector<16x128xi32>
    %ge3A_908 = arith.cmpi sge, %iota3A_905, %ge3A_907 : vector<16x128xi32>
    %jit3A_909 = arith.constant 0 : i32
    %broadcast_in_dim3A_910 = vector.broadcast %jit3A_909 : i32 to vector<16x128xi32>
    %select_n3A_911 = arith.select %ge3A_908, %roll3A_904, %broadcast_in_dim3A_910 : vector<16x128xi1>, vector<16x128xi32>
    %add3A_912 = arith.addi %add3A_902, %select_n3A_911 : vector<16x128xi32>
    %roll3A_913 = arith.constant 16 : i32
    %roll3A_914 = tpu.dynamic_rotate %add3A_912 by %roll3A_913 dim 1 : vector<16x128xi32>, i32 -> vector<16x128xi32>
    %iota3A_915 = tpu.iota {dimensions = array<i32: 1>} : vector<16x128xi32>
    %ge3A_916 = arith.constant 16 : i32
    %ge3A_917 = vector.broadcast %ge3A_916 : i32 to vector<16x128xi32>
    %ge3A_918 = arith.cmpi sge, %iota3A_915, %ge3A_917 : vector<16x128xi32>
    %jit3A_919 = arith.constant 0 : i32
    %broadcast_in_dim3A_920 = vector.broadcast %jit3A_919 : i32 to vector<16x128xi32>
    %select_n3A_921 = arith.select %ge3A_918, %roll3A_914, %broadcast_in_dim3A_920 : vector<16x128xi1>, vector<16x128xi32>
    %add3A_922 = arith.addi %add3A_912, %select_n3A_921 : vector<16x128xi32>
    %roll3A_923 = arith.constant 32 : i32
    %roll3A_924 = tpu.dynamic_rotate %add3A_922 by %roll3A_923 dim 1 : vector<16x128xi32>, i32 -> vector<16x128xi32>
    %iota3A_925 = tpu.iota {dimensions = array<i32: 1>} : vector<16x128xi32>
    %ge3A_926 = arith.constant 32 : i32
    %ge3A_927 = vector.broadcast %ge3A_926 : i32 to vector<16x128xi32>
    %ge3A_928 = arith.cmpi sge, %iota3A_925, %ge3A_927 : vector<16x128xi32>
    %jit3A_929 = arith.constant 0 : i32
    %broadcast_in_dim3A_930 = vector.broadcast %jit3A_929 : i32 to vector<16x128xi32>
    %select_n3A_931 = arith.select %ge3A_928, %roll3A_924, %broadcast_in_dim3A_930 : vector<16x128xi1>, vector<16x128xi32>
    %add3A_932 = arith.addi %add3A_922, %select_n3A_931 : vector<16x128xi32>
    %roll3A_933 = arith.constant 64 : i32
    %roll3A_934 = tpu.dynamic_rotate %add3A_932 by %roll3A_933 dim 1 : vector<16x128xi32>, i32 -> vector<16x128xi32>
    %iota3A_935 = tpu.iota {dimensions = array<i32: 1>} : vector<16x128xi32>
    %ge3A_936 = arith.constant 64 : i32
    %ge3A_937 = vector.broadcast %ge3A_936 : i32 to vector<16x128xi32>
    %ge3A_938 = arith.cmpi sge, %iota3A_935, %ge3A_937 : vector<16x128xi32>
    %jit3A_939 = arith.constant 0 : i32
    %broadcast_in_dim3A_940 = vector.broadcast %jit3A_939 : i32 to vector<16x128xi32>
    %select_n3A_941 = arith.select %ge3A_938, %roll3A_934, %broadcast_in_dim3A_940 : vector<16x128xi1>, vector<16x128xi32>
    %add3A_942 = arith.addi %add3A_932, %select_n3A_941 : vector<16x128xi32>
    %slice3A_943 = vector.extract_strided_slice %add3A_942 {offsets = [0, 127], sizes = [16, 1], strides = [1, 1]} : vector<16x128xi32> to vector<16x1xi32>
    %roll3A_944 = arith.constant 1 : i32
    %roll3A_945 = tpu.dynamic_rotate %slice3A_943 by %roll3A_944 dim 0 : vector<16x1xi32>, i32 -> vector<16x1xi32>
    %iota3A_946 = tpu.iota {dimensions = array<i32: 0>} : vector<16x1xi32>
    %ge3A_947 = arith.constant 1 : i32
    %ge3A_948 = vector.broadcast %ge3A_947 : i32 to vector<16x1xi32>
    %ge3A_949 = arith.cmpi sge, %iota3A_946, %ge3A_948 : vector<16x1xi32>
    %jit3A_950 = arith.constant 0 : i32
    %broadcast_in_dim3A_951 = vector.broadcast %jit3A_950 : i32 to vector<16x1xi32>
    %select_n3A_952 = arith.select %ge3A_949, %roll3A_945, %broadcast_in_dim3A_951 : vector<16x1xi1>, vector<16x1xi32>
    %add3A_953 = arith.addi %slice3A_943, %select_n3A_952 : vector<16x1xi32>
    %roll3A_954 = arith.constant 2 : i32
    %roll3A_955 = tpu.dynamic_rotate %add3A_953 by %roll3A_954 dim 0 : vector<16x1xi32>, i32 -> vector<16x1xi32>
    %iota3A_956 = tpu.iota {dimensions = array<i32: 0>} : vector<16x1xi32>
    %ge3A_957 = arith.constant 2 : i32
    %ge3A_958 = vector.broadcast %ge3A_957 : i32 to vector<16x1xi32>
    %ge3A_959 = arith.cmpi sge, %iota3A_956, %ge3A_958 : vector<16x1xi32>
    %jit3A_960 = arith.constant 0 : i32
    %broadcast_in_dim3A_961 = vector.broadcast %jit3A_960 : i32 to vector<16x1xi32>
    %select_n3A_962 = arith.select %ge3A_959, %roll3A_955, %broadcast_in_dim3A_961 : vector<16x1xi1>, vector<16x1xi32>
    %add3A_963 = arith.addi %add3A_953, %select_n3A_962 : vector<16x1xi32>
    %roll3A_964 = arith.constant 4 : i32
    %roll3A_965 = tpu.dynamic_rotate %add3A_963 by %roll3A_964 dim 0 : vector<16x1xi32>, i32 -> vector<16x1xi32>
    %iota3A_966 = tpu.iota {dimensions = array<i32: 0>} : vector<16x1xi32>
    %ge3A_967 = arith.constant 4 : i32
    %ge3A_968 = vector.broadcast %ge3A_967 : i32 to vector<16x1xi32>
    %ge3A_969 = arith.cmpi sge, %iota3A_966, %ge3A_968 : vector<16x1xi32>
    %jit3A_970 = arith.constant 0 : i32
    %broadcast_in_dim3A_971 = vector.broadcast %jit3A_970 : i32 to vector<16x1xi32>
    %select_n3A_972 = arith.select %ge3A_969, %roll3A_965, %broadcast_in_dim3A_971 : vector<16x1xi1>, vector<16x1xi32>
    %add3A_973 = arith.addi %add3A_963, %select_n3A_972 : vector<16x1xi32>
    %roll3A_974 = arith.constant 8 : i32
    %roll3A_975 = tpu.dynamic_rotate %add3A_973 by %roll3A_974 dim 0 : vector<16x1xi32>, i32 -> vector<16x1xi32>
    %iota3A_976 = tpu.iota {dimensions = array<i32: 0>} : vector<16x1xi32>
    %ge3A_977 = arith.constant 8 : i32
    %ge3A_978 = vector.broadcast %ge3A_977 : i32 to vector<16x1xi32>
    %ge3A_979 = arith.cmpi sge, %iota3A_976, %ge3A_978 : vector<16x1xi32>
    %jit3A_980 = arith.constant 0 : i32
    %broadcast_in_dim3A_981 = vector.broadcast %jit3A_980 : i32 to vector<16x1xi32>
    %select_n3A_982 = arith.select %ge3A_979, %roll3A_975, %broadcast_in_dim3A_981 : vector<16x1xi1>, vector<16x1xi32>
    %add3A_983 = arith.addi %add3A_973, %select_n3A_982 : vector<16x1xi32>
    %sub3A_984 = arith.subi %add3A_942, %convert_element_type3A_872 : vector<16x128xi32>
    %sub3A_985 = arith.subi %add3A_983, %slice3A_943 : vector<16x1xi32>
    %add3A_986 = vector.broadcast %sub3A_985 : vector<16x1xi32> to vector<16x128xi32>
    %add3A_987 = arith.addi %sub3A_984, %add3A_986 : vector<16x128xi32>
    %add3A_988 = vector.broadcast %add3A_868 : vector<1x1xi32> to vector<16x128xi32>
    %add3A_989 = arith.addi %add3A_988, %add3A_987 : vector<16x128xi32>
    %mul3A_990 = arith.muli %convert_element_type3A_872, %add3A_989 : vector<16x128xi32>
    %add3A_991 = arith.addi %add3A_866, %mul3A_990 : vector<16x128xi32>
    %slice3A_992 = vector.extract_strided_slice %add3A_983 {offsets = [15, 0], sizes = [1, 1], strides = [1, 1]} : vector<16x1xi32> to vector<1x1xi32>
    %add3A_993 = arith.addi %add3A_868, %slice3A_992 : vector<1x1xi32>
    %swap3A = arith.constant 0 : index
    %swap3A_994 = arith.constant 0 : index
    %swap3A_995 = vector.load %arg1[%swap3A, %swap3A_994] : memref<16x128xi32, #tpu.memory_space<vmem>>, vector<16x128xi32>
    tpu.vector_store %arg1[%swap3A, %swap3A_994], %add3A_991 {strides = array<i32>} : memref<16x128xi32, #tpu.memory_space<vmem>>, vector<16x128xi32>,
    %iota3A_996 = tpu.iota {dimensions = array<i32: 1>} : vector<1x128xi32>
    %broadcast_in_dim3A_997 = arith.constant 0 : i32
    %broadcast_in_dim3A_998 = vector.broadcast %broadcast_in_dim3A_997 : i32 to vector<1x1xi32>
    %broadcast_in_dim3A_999 = arith.constant 0 : i32
    %broadcast_in_dim3A_1000 = vector.broadcast %broadcast_in_dim3A_999 : i32 to vector<1x128xi32>
    %broadcast_in_dim3A_1001 = arith.constant 0 : i32
    %broadcast_in_dim3A_1002 = vector.broadcast %broadcast_in_dim3A_1001 : i32 to vector<1x128xi32>
    %broadcast_in_dim3A_1003 = arith.constant 0 : i32
    %broadcast_in_dim3A_1004 = vector.broadcast %broadcast_in_dim3A_1003 : i32 to vector<1x128xi32>
    %broadcast_in_dim3A_1005 = arith.constant 0 : i32
    %broadcast_in_dim3A_1006 = vector.broadcast %broadcast_in_dim3A_1005 : i32 to vector<1x128xi32>
    %sub3A_1007 = arith.subi %add3A_118, %broadcast_in_dim3A_4 : vector<1x1xi32>
    %jit3A_1008 = arith.constant 512 : i32
    %div3A = vector.broadcast %jit3A_1008 : i32 to vector<1x1xi32>
    %div3A_1009 = arith.divsi %broadcast_in_dim3A_4, %div3A : vector<1x1xi32>
    %sign3A = arith.constant 0 : i32
    %sign3A_1010 = vector.broadcast %sign3A : i32 to vector<1x1xi32>
    %sign3A_1011 = arith.cmpi sgt, %broadcast_in_dim3A_4, %sign3A_1010 : vector<1x1xi32>
    %sign3A_1012 = arith.extui %sign3A_1011 : vector<1x1xi1> to vector<1x1xi32>
    %sign3A_1013 = arith.constant 0 : i32
    %sign3A_1014 = vector.broadcast %sign3A_1013 : i32 to vector<1x1xi32>
    %sign3A_1015 = arith.cmpi slt, %broadcast_in_dim3A_4, %sign3A_1014 : vector<1x1xi32>
    %sign3A_1016 = arith.extui %sign3A_1015 : vector<1x1xi1> to vector<1x1xi32>
    %sign3A_1017 = arith.subi %sign3A_1012, %sign3A_1016 : vector<1x1xi32>
    %sign3A_1018 = arith.constant 0 : i32
    %sign3A_1019 = arith.cmpi sgt, %jit3A_1008, %sign3A_1018 : i32
    %sign3A_1020 = arith.extui %sign3A_1019 : i1 to i32
    %sign3A_1021 = arith.constant 0 : i32
    %sign3A_1022 = arith.cmpi slt, %jit3A_1008, %sign3A_1021 : i32
    %sign3A_1023 = arith.extui %sign3A_1022 : i1 to i32
    %sign3A_1024 = arith.subi %sign3A_1020, %sign3A_1023 : i32
    %ne3A = vector.broadcast %sign3A_1024 : i32 to vector<1x1xi32>
    %ne3A_1025 = arith.cmpi ne, %sign3A_1017, %ne3A : vector<1x1xi32>
    %rem3A = vector.broadcast %jit3A_1008 : i32 to vector<1x1xi32>
    %rem3A_1026 = arith.remsi %broadcast_in_dim3A_4, %rem3A : vector<1x1xi32>
    %ne3A_1027 = arith.constant 0 : i32
    %ne3A_1028 = vector.broadcast %ne3A_1027 : i32 to vector<1x1xi32>
    %ne3A_1029 = arith.cmpi ne, %rem3A_1026, %ne3A_1028 : vector<1x1xi32>
    %and3A = arith.andi %ne3A_1025, %ne3A_1029 : vector<1x1xi1>
    %sub3A_1030 = arith.constant 1 : i32
    %sub3A_1031 = vector.broadcast %sub3A_1030 : i32 to vector<1x1xi32>
    %sub3A_1032 = arith.subi %div3A_1009, %sub3A_1031 : vector<1x1xi32>
    %select_n3A_1033 = arith.select %and3A, %sub3A_1032, %div3A_1009 : vector<1x1xi1>, vector<1x1xi32>
    %max3A = arith.constant 1 : i32
    %max3A_1034 = vector.broadcast %max3A : i32 to vector<1x1xi32>
    %max3A_1035 = arith.maxsi %add3A_118, %max3A_1034 : vector<1x1xi32>
    %sub3A_1036 = arith.constant 1 : i32
    %sub3A_1037 = vector.broadcast %sub3A_1036 : i32 to vector<1x1xi32>
    %sub3A_1038 = arith.subi %max3A_1035, %sub3A_1037 : vector<1x1xi32>
    %jit3A_1039 = arith.constant 512 : i32
    %div3A_1040 = vector.broadcast %jit3A_1039 : i32 to vector<1x1xi32>
    %div3A_1041 = arith.divsi %sub3A_1038, %div3A_1040 : vector<1x1xi32>
    %sign3A_1042 = arith.constant 0 : i32
    %sign3A_1043 = vector.broadcast %sign3A_1042 : i32 to vector<1x1xi32>
    %sign3A_1044 = arith.cmpi sgt, %sub3A_1038, %sign3A_1043 : vector<1x1xi32>
    %sign3A_1045 = arith.extui %sign3A_1044 : vector<1x1xi1> to vector<1x1xi32>
    %sign3A_1046 = arith.constant 0 : i32
    %sign3A_1047 = vector.broadcast %sign3A_1046 : i32 to vector<1x1xi32>
    %sign3A_1048 = arith.cmpi slt, %sub3A_1038, %sign3A_1047 : vector<1x1xi32>
    %sign3A_1049 = arith.extui %sign3A_1048 : vector<1x1xi1> to vector<1x1xi32>
    %sign3A_1050 = arith.subi %sign3A_1045, %sign3A_1049 : vector<1x1xi32>
    %sign3A_1051 = arith.constant 0 : i32
    %sign3A_1052 = arith.cmpi sgt, %jit3A_1039, %sign3A_1051 : i32
    %sign3A_1053 = arith.extui %sign3A_1052 : i1 to i32
    %sign3A_1054 = arith.constant 0 : i32
    %sign3A_1055 = arith.cmpi slt, %jit3A_1039, %sign3A_1054 : i32
    %sign3A_1056 = arith.extui %sign3A_1055 : i1 to i32
    %sign3A_1057 = arith.subi %sign3A_1053, %sign3A_1056 : i32
    %ne3A_1058 = vector.broadcast %sign3A_1057 : i32 to vector<1x1xi32>
    %ne3A_1059 = arith.cmpi ne, %sign3A_1050, %ne3A_1058 : vector<1x1xi32>
    %rem3A_1060 = vector.broadcast %jit3A_1039 : i32 to vector<1x1xi32>
    %rem3A_1061 = arith.remsi %sub3A_1038, %rem3A_1060 : vector<1x1xi32>
    %ne3A_1062 = arith.constant 0 : i32
    %ne3A_1063 = vector.broadcast %ne3A_1062 : i32 to vector<1x1xi32>
    %ne3A_1064 = arith.cmpi ne, %rem3A_1061, %ne3A_1063 : vector<1x1xi32>
    %and3A_1065 = arith.andi %ne3A_1059, %ne3A_1064 : vector<1x1xi1>
    %sub3A_1066 = arith.constant 1 : i32
    %sub3A_1067 = vector.broadcast %sub3A_1066 : i32 to vector<1x1xi32>
    %sub3A_1068 = arith.subi %div3A_1041, %sub3A_1067 : vector<1x1xi32>
    %select_n3A_1069 = arith.select %and3A_1065, %sub3A_1068, %div3A_1041 : vector<1x1xi1>, vector<1x1xi32>
    %gt3A = arith.constant 0 : i32
    %gt3A_1070 = vector.broadcast %gt3A : i32 to vector<1x1xi32>
    %gt3A_1071 = arith.cmpi sgt, %sub3A_1007, %gt3A_1070 : vector<1x1xi32>
    %sub3A_1072 = arith.subi %select_n3A_1069, %select_n3A_1033 : vector<1x1xi32>
    %add3A_1073 = arith.constant 1 : i32
    %add3A_1074 = vector.broadcast %add3A_1073 : i32 to vector<1x1xi32>
    %add3A_1075 = arith.addi %sub3A_1072, %add3A_1074 : vector<1x1xi32>
    %jit3A_1076 = arith.constant 0 : i32
    %broadcast_in_dim3A_1077 = vector.broadcast %jit3A_1076 : i32 to vector<1x1xi32>
    %select_n3A_1078 = arith.select %gt3A_1071, %add3A_1075, %broadcast_in_dim3A_1077 : vector<1x1xi1>, vector<1x1xi32>
    %add3A_1079 = arith.addi %broadcast_in_dim3A_998, %select_n3A_1078 : vector<1x1xi32>
    %sub3A_1080 = arith.subi %add3A_243, %add3A_118 : vector<1x1xi32>
    %jit3A_1081 = arith.constant 512 : i32
    %div3A_1082 = vector.broadcast %jit3A_1081 : i32 to vector<1x1xi32>
    %div3A_1083 = arith.divsi %add3A_118, %div3A_1082 : vector<1x1xi32>
    %sign3A_1084 = arith.constant 0 : i32
    %sign3A_1085 = vector.broadcast %sign3A_1084 : i32 to vector<1x1xi32>
    %sign3A_1086 = arith.cmpi sgt, %add3A_118, %sign3A_1085 : vector<1x1xi32>
    %sign3A_1087 = arith.extui %sign3A_1086 : vector<1x1xi1> to vector<1x1xi32>
    %sign3A_1088 = arith.constant 0 : i32
    %sign3A_1089 = vector.broadcast %sign3A_1088 : i32 to vector<1x1xi32>
    %sign3A_1090 = arith.cmpi slt, %add3A_118, %sign3A_1089 : vector<1x1xi32>
    %sign3A_1091 = arith.extui %sign3A_1090 : vector<1x1xi1> to vector<1x1xi32>
    %sign3A_1092 = arith.subi %sign3A_1087, %sign3A_1091 : vector<1x1xi32>
    %sign3A_1093 = arith.constant 0 : i32
    %sign3A_1094 = arith.cmpi sgt, %jit3A_1081, %sign3A_1093 : i32
    %sign3A_1095 = arith.extui %sign3A_1094 : i1 to i32
    %sign3A_1096 = arith.constant 0 : i32
    %sign3A_1097 = arith.cmpi slt, %jit3A_1081, %sign3A_1096 : i32
    %sign3A_1098 = arith.extui %sign3A_1097 : i1 to i32
    %sign3A_1099 = arith.subi %sign3A_1095, %sign3A_1098 : i32
    %ne3A_1100 = vector.broadcast %sign3A_1099 : i32 to vector<1x1xi32>
    %ne3A_1101 = arith.cmpi ne, %sign3A_1092, %ne3A_1100 : vector<1x1xi32>
    %rem3A_1102 = vector.broadcast %jit3A_1081 : i32 to vector<1x1xi32>
    %rem3A_1103 = arith.remsi %add3A_118, %rem3A_1102 : vector<1x1xi32>
    %ne3A_1104 = arith.constant 0 : i32
    %ne3A_1105 = vector.broadcast %ne3A_1104 : i32 to vector<1x1xi32>
    %ne3A_1106 = arith.cmpi ne, %rem3A_1103, %ne3A_1105 : vector<1x1xi32>
    %and3A_1107 = arith.andi %ne3A_1101, %ne3A_1106 : vector<1x1xi1>
    %sub3A_1108 = arith.constant 1 : i32
    %sub3A_1109 = vector.broadcast %sub3A_1108 : i32 to vector<1x1xi32>
    %sub3A_1110 = arith.subi %div3A_1083, %sub3A_1109 : vector<1x1xi32>
    %select_n3A_1111 = arith.select %and3A_1107, %sub3A_1110, %div3A_1083 : vector<1x1xi1>, vector<1x1xi32>
    %max3A_1112 = arith.constant 1 : i32
    %max3A_1113 = vector.broadcast %max3A_1112 : i32 to vector<1x1xi32>
    %max3A_1114 = arith.maxsi %add3A_243, %max3A_1113 : vector<1x1xi32>
    %sub3A_1115 = arith.constant 1 : i32
    %sub3A_1116 = vector.broadcast %sub3A_1115 : i32 to vector<1x1xi32>
    %sub3A_1117 = arith.subi %max3A_1114, %sub3A_1116 : vector<1x1xi32>
    %jit3A_1118 = arith.constant 512 : i32
    %div3A_1119 = vector.broadcast %jit3A_1118 : i32 to vector<1x1xi32>
    %div3A_1120 = arith.divsi %sub3A_1117, %div3A_1119 : vector<1x1xi32>
    %sign3A_1121 = arith.constant 0 : i32
    %sign3A_1122 = vector.broadcast %sign3A_1121 : i32 to vector<1x1xi32>
    %sign3A_1123 = arith.cmpi sgt, %sub3A_1117, %sign3A_1122 : vector<1x1xi32>
    %sign3A_1124 = arith.extui %sign3A_1123 : vector<1x1xi1> to vector<1x1xi32>
    %sign3A_1125 = arith.constant 0 : i32
    %sign3A_1126 = vector.broadcast %sign3A_1125 : i32 to vector<1x1xi32>
    %sign3A_1127 = arith.cmpi slt, %sub3A_1117, %sign3A_1126 : vector<1x1xi32>
    %sign3A_1128 = arith.extui %sign3A_1127 : vector<1x1xi1> to vector<1x1xi32>
    %sign3A_1129 = arith.subi %sign3A_1124, %sign3A_1128 : vector<1x1xi32>
    %sign3A_1130 = arith.constant 0 : i32
    %sign3A_1131 = arith.cmpi sgt, %jit3A_1118, %sign3A_1130 : i32
    %sign3A_1132 = arith.extui %sign3A_1131 : i1 to i32
    %sign3A_1133 = arith.constant 0 : i32
    %sign3A_1134 = arith.cmpi slt, %jit3A_1118, %sign3A_1133 : i32
    %sign3A_1135 = arith.extui %sign3A_1134 : i1 to i32
    %sign3A_1136 = arith.subi %sign3A_1132, %sign3A_1135 : i32
    %ne3A_1137 = vector.broadcast %sign3A_1136 : i32 to vector<1x1xi32>
    %ne3A_1138 = arith.cmpi ne, %sign3A_1129, %ne3A_1137 : vector<1x1xi32>
    %rem3A_1139 = vector.broadcast %jit3A_1118 : i32 to vector<1x1xi32>
    %rem3A_1140 = arith.remsi %sub3A_1117, %rem3A_1139 : vector<1x1xi32>
    %ne3A_1141 = arith.constant 0 : i32
    %ne3A_1142 = vector.broadcast %ne3A_1141 : i32 to vector<1x1xi32>
    %ne3A_1143 = arith.cmpi ne, %rem3A_1140, %ne3A_1142 : vector<1x1xi32>
    %and3A_1144 = arith.andi %ne3A_1138, %ne3A_1143 : vector<1x1xi1>
    %sub3A_1145 = arith.constant 1 : i32
    %sub3A_1146 = vector.broadcast %sub3A_1145 : i32 to vector<1x1xi32>
    %sub3A_1147 = arith.subi %div3A_1120, %sub3A_1146 : vector<1x1xi32>
    %select_n3A_1148 = arith.select %and3A_1144, %sub3A_1147, %div3A_1120 : vector<1x1xi1>, vector<1x1xi32>
    %gt3A_1149 = arith.constant 0 : i32
    %gt3A_1150 = vector.broadcast %gt3A_1149 : i32 to vector<1x1xi32>
    %gt3A_1151 = arith.cmpi sgt, %sub3A_1080, %gt3A_1150 : vector<1x1xi32>
    %sub3A_1152 = arith.subi %select_n3A_1148, %select_n3A_1111 : vector<1x1xi32>
    %add3A_1153 = arith.constant 1 : i32
    %add3A_1154 = vector.broadcast %add3A_1153 : i32 to vector<1x1xi32>
    %add3A_1155 = arith.addi %sub3A_1152, %add3A_1154 : vector<1x1xi32>
    %jit3A_1156 = arith.constant 0 : i32
    %broadcast_in_dim3A_1157 = vector.broadcast %jit3A_1156 : i32 to vector<1x1xi32>
    %select_n3A_1158 = arith.select %gt3A_1151, %add3A_1155, %broadcast_in_dim3A_1157 : vector<1x1xi1>, vector<1x1xi32>
    %add3A_1159 = arith.addi %add3A_1079, %select_n3A_1158 : vector<1x1xi32>
    %sub3A_1160 = arith.subi %add3A_368, %add3A_243 : vector<1x1xi32>
    %jit3A_1161 = arith.constant 512 : i32
    %div3A_1162 = vector.broadcast %jit3A_1161 : i32 to vector<1x1xi32>
    %div3A_1163 = arith.divsi %add3A_243, %div3A_1162 : vector<1x1xi32>
    %sign3A_1164 = arith.constant 0 : i32
    %sign3A_1165 = vector.broadcast %sign3A_1164 : i32 to vector<1x1xi32>
    %sign3A_1166 = arith.cmpi sgt, %add3A_243, %sign3A_1165 : vector<1x1xi32>
    %sign3A_1167 = arith.extui %sign3A_1166 : vector<1x1xi1> to vector<1x1xi32>
    %sign3A_1168 = arith.constant 0 : i32
    %sign3A_1169 = vector.broadcast %sign3A_1168 : i32 to vector<1x1xi32>
    %sign3A_1170 = arith.cmpi slt, %add3A_243, %sign3A_1169 : vector<1x1xi32>
    %sign3A_1171 = arith.extui %sign3A_1170 : vector<1x1xi1> to vector<1x1xi32>
    %sign3A_1172 = arith.subi %sign3A_1167, %sign3A_1171 : vector<1x1xi32>
    %sign3A_1173 = arith.constant 0 : i32
    %sign3A_1174 = arith.cmpi sgt, %jit3A_1161, %sign3A_1173 : i32
    %sign3A_1175 = arith.extui %sign3A_1174 : i1 to i32
    %sign3A_1176 = arith.constant 0 : i32
    %sign3A_1177 = arith.cmpi slt, %jit3A_1161, %sign3A_1176 : i32
    %sign3A_1178 = arith.extui %sign3A_1177 : i1 to i32
    %sign3A_1179 = arith.subi %sign3A_1175, %sign3A_1178 : i32
    %ne3A_1180 = vector.broadcast %sign3A_1179 : i32 to vector<1x1xi32>
    %ne3A_1181 = arith.cmpi ne, %sign3A_1172, %ne3A_1180 : vector<1x1xi32>
    %rem3A_1182 = vector.broadcast %jit3A_1161 : i32 to vector<1x1xi32>
    %rem3A_1183 = arith.remsi %add3A_243, %rem3A_1182 : vector<1x1xi32>
    %ne3A_1184 = arith.constant 0 : i32
    %ne3A_1185 = vector.broadcast %ne3A_1184 : i32 to vector<1x1xi32>
    %ne3A_1186 = arith.cmpi ne, %rem3A_1183, %ne3A_1185 : vector<1x1xi32>
    %and3A_1187 = arith.andi %ne3A_1181, %ne3A_1186 : vector<1x1xi1>
    %sub3A_1188 = arith.constant 1 : i32
    %sub3A_1189 = vector.broadcast %sub3A_1188 : i32 to vector<1x1xi32>
    %sub3A_1190 = arith.subi %div3A_1163, %sub3A_1189 : vector<1x1xi32>
    %select_n3A_1191 = arith.select %and3A_1187, %sub3A_1190, %div3A_1163 : vector<1x1xi1>, vector<1x1xi32>
    %max3A_1192 = arith.constant 1 : i32
    %max3A_1193 = vector.broadcast %max3A_1192 : i32 to vector<1x1xi32>
    %max3A_1194 = arith.maxsi %add3A_368, %max3A_1193 : vector<1x1xi32>
    %sub3A_1195 = arith.constant 1 : i32
    %sub3A_1196 = vector.broadcast %sub3A_1195 : i32 to vector<1x1xi32>
    %sub3A_1197 = arith.subi %max3A_1194, %sub3A_1196 : vector<1x1xi32>
    %jit3A_1198 = arith.constant 512 : i32
    %div3A_1199 = vector.broadcast %jit3A_1198 : i32 to vector<1x1xi32>
    %div3A_1200 = arith.divsi %sub3A_1197, %div3A_1199 : vector<1x1xi32>
    %sign3A_1201 = arith.constant 0 : i32
    %sign3A_1202 = vector.broadcast %sign3A_1201 : i32 to vector<1x1xi32>
    %sign3A_1203 = arith.cmpi sgt, %sub3A_1197, %sign3A_1202 : vector<1x1xi32>
    %sign3A_1204 = arith.extui %sign3A_1203 : vector<1x1xi1> to vector<1x1xi32>
    %sign3A_1205 = arith.constant 0 : i32
    %sign3A_1206 = vector.broadcast %sign3A_1205 : i32 to vector<1x1xi32>
    %sign3A_1207 = arith.cmpi slt, %sub3A_1197, %sign3A_1206 : vector<1x1xi32>
    %sign3A_1208 = arith.extui %sign3A_1207 : vector<1x1xi1> to vector<1x1xi32>
    %sign3A_1209 = arith.subi %sign3A_1204, %sign3A_1208 : vector<1x1xi32>
    %sign3A_1210 = arith.constant 0 : i32
    %sign3A_1211 = arith.cmpi sgt, %jit3A_1198, %sign3A_1210 : i32
    %sign3A_1212 = arith.extui %sign3A_1211 : i1 to i32
    %sign3A_1213 = arith.constant 0 : i32
    %sign3A_1214 = arith.cmpi slt, %jit3A_1198, %sign3A_1213 : i32
    %sign3A_1215 = arith.extui %sign3A_1214 : i1 to i32
    %sign3A_1216 = arith.subi %sign3A_1212, %sign3A_1215 : i32
    %ne3A_1217 = vector.broadcast %sign3A_1216 : i32 to vector<1x1xi32>
    %ne3A_1218 = arith.cmpi ne, %sign3A_1209, %ne3A_1217 : vector<1x1xi32>
    %rem3A_1219 = vector.broadcast %jit3A_1198 : i32 to vector<1x1xi32>
    %rem3A_1220 = arith.remsi %sub3A_1197, %rem3A_1219 : vector<1x1xi32>
    %ne3A_1221 = arith.constant 0 : i32
    %ne3A_1222 = vector.broadcast %ne3A_1221 : i32 to vector<1x1xi32>
    %ne3A_1223 = arith.cmpi ne, %rem3A_1220, %ne3A_1222 : vector<1x1xi32>
    %and3A_1224 = arith.andi %ne3A_1218, %ne3A_1223 : vector<1x1xi1>
    %sub3A_1225 = arith.constant 1 : i32
    %sub3A_1226 = vector.broadcast %sub3A_1225 : i32 to vector<1x1xi32>
    %sub3A_1227 = arith.subi %div3A_1200, %sub3A_1226 : vector<1x1xi32>
    %select_n3A_1228 = arith.select %and3A_1224, %sub3A_1227, %div3A_1200 : vector<1x1xi1>, vector<1x1xi32>
    %gt3A_1229 = arith.constant 0 : i32
    %gt3A_1230 = vector.broadcast %gt3A_1229 : i32 to vector<1x1xi32>
    %gt3A_1231 = arith.cmpi sgt, %sub3A_1160, %gt3A_1230 : vector<1x1xi32>
    %sub3A_1232 = arith.subi %select_n3A_1228, %select_n3A_1191 : vector<1x1xi32>
    %add3A_1233 = arith.constant 1 : i32
    %add3A_1234 = vector.broadcast %add3A_1233 : i32 to vector<1x1xi32>
    %add3A_1235 = arith.addi %sub3A_1232, %add3A_1234 : vector<1x1xi32>
    %jit3A_1236 = arith.constant 0 : i32
    %broadcast_in_dim3A_1237 = vector.broadcast %jit3A_1236 : i32 to vector<1x1xi32>
    %select_n3A_1238 = arith.select %gt3A_1231, %add3A_1235, %broadcast_in_dim3A_1237 : vector<1x1xi1>, vector<1x1xi32>
    %add3A_1239 = arith.addi %add3A_1159, %select_n3A_1238 : vector<1x1xi32>
    %sub3A_1240 = arith.subi %add3A_493, %add3A_368 : vector<1x1xi32>
    %jit3A_1241 = arith.constant 512 : i32
    %div3A_1242 = vector.broadcast %jit3A_1241 : i32 to vector<1x1xi32>
    %div3A_1243 = arith.divsi %add3A_368, %div3A_1242 : vector<1x1xi32>
    %sign3A_1244 = arith.constant 0 : i32
    %sign3A_1245 = vector.broadcast %sign3A_1244 : i32 to vector<1x1xi32>
    %sign3A_1246 = arith.cmpi sgt, %add3A_368, %sign3A_1245 : vector<1x1xi32>
    %sign3A_1247 = arith.extui %sign3A_1246 : vector<1x1xi1> to vector<1x1xi32>
    %sign3A_1248 = arith.constant 0 : i32
    %sign3A_1249 = vector.broadcast %sign3A_1248 : i32 to vector<1x1xi32>
    %sign3A_1250 = arith.cmpi slt, %add3A_368, %sign3A_1249 : vector<1x1xi32>
    %sign3A_1251 = arith.extui %sign3A_1250 : vector<1x1xi1> to vector<1x1xi32>
    %sign3A_1252 = arith.subi %sign3A_1247, %sign3A_1251 : vector<1x1xi32>
    %sign3A_1253 = arith.constant 0 : i32
    %sign3A_1254 = arith.cmpi sgt, %jit3A_1241, %sign3A_1253 : i32
    %sign3A_1255 = arith.extui %sign3A_1254 : i1 to i32
    %sign3A_1256 = arith.constant 0 : i32
    %sign3A_1257 = arith.cmpi slt, %jit3A_1241, %sign3A_1256 : i32
    %sign3A_1258 = arith.extui %sign3A_1257 : i1 to i32
    %sign3A_1259 = arith.subi %sign3A_1255, %sign3A_1258 : i32
    %ne3A_1260 = vector.broadcast %sign3A_1259 : i32 to vector<1x1xi32>
    %ne3A_1261 = arith.cmpi ne, %sign3A_1252, %ne3A_1260 : vector<1x1xi32>
    %rem3A_1262 = vector.broadcast %jit3A_1241 : i32 to vector<1x1xi32>
    %rem3A_1263 = arith.remsi %add3A_368, %rem3A_1262 : vector<1x1xi32>
    %ne3A_1264 = arith.constant 0 : i32
    %ne3A_1265 = vector.broadcast %ne3A_1264 : i32 to vector<1x1xi32>
    %ne3A_1266 = arith.cmpi ne, %rem3A_1263, %ne3A_1265 : vector<1x1xi32>
    %and3A_1267 = arith.andi %ne3A_1261, %ne3A_1266 : vector<1x1xi1>
    %sub3A_1268 = arith.constant 1 : i32
    %sub3A_1269 = vector.broadcast %sub3A_1268 : i32 to vector<1x1xi32>
    %sub3A_1270 = arith.subi %div3A_1243, %sub3A_1269 : vector<1x1xi32>
    %select_n3A_1271 = arith.select %and3A_1267, %sub3A_1270, %div3A_1243 : vector<1x1xi1>, vector<1x1xi32>
    %max3A_1272 = arith.constant 1 : i32
    %max3A_1273 = vector.broadcast %max3A_1272 : i32 to vector<1x1xi32>
    %max3A_1274 = arith.maxsi %add3A_493, %max3A_1273 : vector<1x1xi32>
    %sub3A_1275 = arith.constant 1 : i32
    %sub3A_1276 = vector.broadcast %sub3A_1275 : i32 to vector<1x1xi32>
    %sub3A_1277 = arith.subi %max3A_1274, %sub3A_1276 : vector<1x1xi32>
    %jit3A_1278 = arith.constant 512 : i32
    %div3A_1279 = vector.broadcast %jit3A_1278 : i32 to vector<1x1xi32>
    %div3A_1280 = arith.divsi %sub3A_1277, %div3A_1279 : vector<1x1xi32>
    %sign3A_1281 = arith.constant 0 : i32
    %sign3A_1282 = vector.broadcast %sign3A_1281 : i32 to vector<1x1xi32>
    %sign3A_1283 = arith.cmpi sgt, %sub3A_1277, %sign3A_1282 : vector<1x1xi32>
    %sign3A_1284 = arith.extui %sign3A_1283 : vector<1x1xi1> to vector<1x1xi32>
    %sign3A_1285 = arith.constant 0 : i32
    %sign3A_1286 = vector.broadcast %sign3A_1285 : i32 to vector<1x1xi32>
    %sign3A_1287 = arith.cmpi slt, %sub3A_1277, %sign3A_1286 : vector<1x1xi32>
    %sign3A_1288 = arith.extui %sign3A_1287 : vector<1x1xi1> to vector<1x1xi32>
    %sign3A_1289 = arith.subi %sign3A_1284, %sign3A_1288 : vector<1x1xi32>
    %sign3A_1290 = arith.constant 0 : i32
    %sign3A_1291 = arith.cmpi sgt, %jit3A_1278, %sign3A_1290 : i32
    %sign3A_1292 = arith.extui %sign3A_1291 : i1 to i32
    %sign3A_1293 = arith.constant 0 : i32
    %sign3A_1294 = arith.cmpi slt, %jit3A_1278, %sign3A_1293 : i32
    %sign3A_1295 = arith.extui %sign3A_1294 : i1 to i32
    %sign3A_1296 = arith.subi %sign3A_1292, %sign3A_1295 : i32
    %ne3A_1297 = vector.broadcast %sign3A_1296 : i32 to vector<1x1xi32>
    %ne3A_1298 = arith.cmpi ne, %sign3A_1289, %ne3A_1297 : vector<1x1xi32>
    %rem3A_1299 = vector.broadcast %jit3A_1278 : i32 to vector<1x1xi32>
    %rem3A_1300 = arith.remsi %sub3A_1277, %rem3A_1299 : vector<1x1xi32>
    %ne3A_1301 = arith.constant 0 : i32
    %ne3A_1302 = vector.broadcast %ne3A_1301 : i32 to vector<1x1xi32>
    %ne3A_1303 = arith.cmpi ne, %rem3A_1300, %ne3A_1302 : vector<1x1xi32>
    %and3A_1304 = arith.andi %ne3A_1298, %ne3A_1303 : vector<1x1xi1>
    %sub3A_1305 = arith.constant 1 : i32
    %sub3A_1306 = vector.broadcast %sub3A_1305 : i32 to vector<1x1xi32>
    %sub3A_1307 = arith.subi %div3A_1280, %sub3A_1306 : vector<1x1xi32>
    %select_n3A_1308 = arith.select %and3A_1304, %sub3A_1307, %div3A_1280 : vector<1x1xi1>, vector<1x1xi32>
    %gt3A_1309 = arith.constant 0 : i32
    %gt3A_1310 = vector.broadcast %gt3A_1309 : i32 to vector<1x1xi32>
    %gt3A_1311 = arith.cmpi sgt, %sub3A_1240, %gt3A_1310 : vector<1x1xi32>
    %sub3A_1312 = arith.subi %select_n3A_1308, %select_n3A_1271 : vector<1x1xi32>
    %add3A_1313 = arith.constant 1 : i32
    %add3A_1314 = vector.broadcast %add3A_1313 : i32 to vector<1x1xi32>
    %add3A_1315 = arith.addi %sub3A_1312, %add3A_1314 : vector<1x1xi32>
    %jit3A_1316 = arith.constant 0 : i32
    %broadcast_in_dim3A_1317 = vector.broadcast %jit3A_1316 : i32 to vector<1x1xi32>
    %select_n3A_1318 = arith.select %gt3A_1311, %add3A_1315, %broadcast_in_dim3A_1317 : vector<1x1xi1>, vector<1x1xi32>
    %add3A_1319 = arith.addi %add3A_1239, %select_n3A_1318 : vector<1x1xi32>
    %sub3A_1320 = arith.subi %add3A_618, %add3A_493 : vector<1x1xi32>
    %jit3A_1321 = arith.constant 512 : i32
    %div3A_1322 = vector.broadcast %jit3A_1321 : i32 to vector<1x1xi32>
    %div3A_1323 = arith.divsi %add3A_493, %div3A_1322 : vector<1x1xi32>
    %sign3A_1324 = arith.constant 0 : i32
    %sign3A_1325 = vector.broadcast %sign3A_1324 : i32 to vector<1x1xi32>
    %sign3A_1326 = arith.cmpi sgt, %add3A_493, %sign3A_1325 : vector<1x1xi32>
    %sign3A_1327 = arith.extui %sign3A_1326 : vector<1x1xi1> to vector<1x1xi32>
    %sign3A_1328 = arith.constant 0 : i32
    %sign3A_1329 = vector.broadcast %sign3A_1328 : i32 to vector<1x1xi32>
    %sign3A_1330 = arith.cmpi slt, %add3A_493, %sign3A_1329 : vector<1x1xi32>
    %sign3A_1331 = arith.extui %sign3A_1330 : vector<1x1xi1> to vector<1x1xi32>
    %sign3A_1332 = arith.subi %sign3A_1327, %sign3A_1331 : vector<1x1xi32>
    %sign3A_1333 = arith.constant 0 : i32
    %sign3A_1334 = arith.cmpi sgt, %jit3A_1321, %sign3A_1333 : i32
    %sign3A_1335 = arith.extui %sign3A_1334 : i1 to i32
    %sign3A_1336 = arith.constant 0 : i32
    %sign3A_1337 = arith.cmpi slt, %jit3A_1321, %sign3A_1336 : i32
    %sign3A_1338 = arith.extui %sign3A_1337 : i1 to i32
    %sign3A_1339 = arith.subi %sign3A_1335, %sign3A_1338 : i32
    %ne3A_1340 = vector.broadcast %sign3A_1339 : i32 to vector<1x1xi32>
    %ne3A_1341 = arith.cmpi ne, %sign3A_1332, %ne3A_1340 : vector<1x1xi32>
    %rem3A_1342 = vector.broadcast %jit3A_1321 : i32 to vector<1x1xi32>
    %rem3A_1343 = arith.remsi %add3A_493, %rem3A_1342 : vector<1x1xi32>
    %ne3A_1344 = arith.constant 0 : i32
    %ne3A_1345 = vector.broadcast %ne3A_1344 : i32 to vector<1x1xi32>
    %ne3A_1346 = arith.cmpi ne, %rem3A_1343, %ne3A_1345 : vector<1x1xi32>
    %and3A_1347 = arith.andi %ne3A_1341, %ne3A_1346 : vector<1x1xi1>
    %sub3A_1348 = arith.constant 1 : i32
    %sub3A_1349 = vector.broadcast %sub3A_1348 : i32 to vector<1x1xi32>
    %sub3A_1350 = arith.subi %div3A_1323, %sub3A_1349 : vector<1x1xi32>
    %select_n3A_1351 = arith.select %and3A_1347, %sub3A_1350, %div3A_1323 : vector<1x1xi1>, vector<1x1xi32>
    %max3A_1352 = arith.constant 1 : i32
    %max3A_1353 = vector.broadcast %max3A_1352 : i32 to vector<1x1xi32>
    %max3A_1354 = arith.maxsi %add3A_618, %max3A_1353 : vector<1x1xi32>
    %sub3A_1355 = arith.constant 1 : i32
    %sub3A_1356 = vector.broadcast %sub3A_1355 : i32 to vector<1x1xi32>
    %sub3A_1357 = arith.subi %max3A_1354, %sub3A_1356 : vector<1x1xi32>
    %jit3A_1358 = arith.constant 512 : i32
    %div3A_1359 = vector.broadcast %jit3A_1358 : i32 to vector<1x1xi32>
    %div3A_1360 = arith.divsi %sub3A_1357, %div3A_1359 : vector<1x1xi32>
    %sign3A_1361 = arith.constant 0 : i32
    %sign3A_1362 = vector.broadcast %sign3A_1361 : i32 to vector<1x1xi32>
    %sign3A_1363 = arith.cmpi sgt, %sub3A_1357, %sign3A_1362 : vector<1x1xi32>
    %sign3A_1364 = arith.extui %sign3A_1363 : vector<1x1xi1> to vector<1x1xi32>
    %sign3A_1365 = arith.constant 0 : i32
    %sign3A_1366 = vector.broadcast %sign3A_1365 : i32 to vector<1x1xi32>
    %sign3A_1367 = arith.cmpi slt, %sub3A_1357, %sign3A_1366 : vector<1x1xi32>
    %sign3A_1368 = arith.extui %sign3A_1367 : vector<1x1xi1> to vector<1x1xi32>
    %sign3A_1369 = arith.subi %sign3A_1364, %sign3A_1368 : vector<1x1xi32>
    %sign3A_1370 = arith.constant 0 : i32
    %sign3A_1371 = arith.cmpi sgt, %jit3A_1358, %sign3A_1370 : i32
    %sign3A_1372 = arith.extui %sign3A_1371 : i1 to i32
    %sign3A_1373 = arith.constant 0 : i32
    %sign3A_1374 = arith.cmpi slt, %jit3A_1358, %sign3A_1373 : i32
    %sign3A_1375 = arith.extui %sign3A_1374 : i1 to i32
    %sign3A_1376 = arith.subi %sign3A_1372, %sign3A_1375 : i32
    %ne3A_1377 = vector.broadcast %sign3A_1376 : i32 to vector<1x1xi32>
    %ne3A_1378 = arith.cmpi ne, %sign3A_1369, %ne3A_1377 : vector<1x1xi32>
    %rem3A_1379 = vector.broadcast %jit3A_1358 : i32 to vector<1x1xi32>
    %rem3A_1380 = arith.remsi %sub3A_1357, %rem3A_1379 : vector<1x1xi32>
    %ne3A_1381 = arith.constant 0 : i32
    %ne3A_1382 = vector.broadcast %ne3A_1381 : i32 to vector<1x1xi32>
    %ne3A_1383 = arith.cmpi ne, %rem3A_1380, %ne3A_1382 : vector<1x1xi32>
    %and3A_1384 = arith.andi %ne3A_1378, %ne3A_1383 : vector<1x1xi1>
    %sub3A_1385 = arith.constant 1 : i32
    %sub3A_1386 = vector.broadcast %sub3A_1385 : i32 to vector<1x1xi32>
    %sub3A_1387 = arith.subi %div3A_1360, %sub3A_1386 : vector<1x1xi32>
    %select_n3A_1388 = arith.select %and3A_1384, %sub3A_1387, %div3A_1360 : vector<1x1xi1>, vector<1x1xi32>
    %gt3A_1389 = arith.constant 0 : i32
    %gt3A_1390 = vector.broadcast %gt3A_1389 : i32 to vector<1x1xi32>
    %gt3A_1391 = arith.cmpi sgt, %sub3A_1320, %gt3A_1390 : vector<1x1xi32>
    %sub3A_1392 = arith.subi %select_n3A_1388, %select_n3A_1351 : vector<1x1xi32>
    %add3A_1393 = arith.constant 1 : i32
    %add3A_1394 = vector.broadcast %add3A_1393 : i32 to vector<1x1xi32>
    %add3A_1395 = arith.addi %sub3A_1392, %add3A_1394 : vector<1x1xi32>
    %jit3A_1396 = arith.constant 0 : i32
    %broadcast_in_dim3A_1397 = vector.broadcast %jit3A_1396 : i32 to vector<1x1xi32>
    %select_n3A_1398 = arith.select %gt3A_1391, %add3A_1395, %broadcast_in_dim3A_1397 : vector<1x1xi1>, vector<1x1xi32>
    %add3A_1399 = arith.addi %add3A_1319, %select_n3A_1398 : vector<1x1xi32>
    %sub3A_1400 = arith.subi %add3A_743, %add3A_618 : vector<1x1xi32>
    %jit3A_1401 = arith.constant 512 : i32
    %div3A_1402 = vector.broadcast %jit3A_1401 : i32 to vector<1x1xi32>
    %div3A_1403 = arith.divsi %add3A_618, %div3A_1402 : vector<1x1xi32>
    %sign3A_1404 = arith.constant 0 : i32
    %sign3A_1405 = vector.broadcast %sign3A_1404 : i32 to vector<1x1xi32>
    %sign3A_1406 = arith.cmpi sgt, %add3A_618, %sign3A_1405 : vector<1x1xi32>
    %sign3A_1407 = arith.extui %sign3A_1406 : vector<1x1xi1> to vector<1x1xi32>
    %sign3A_1408 = arith.constant 0 : i32
    %sign3A_1409 = vector.broadcast %sign3A_1408 : i32 to vector<1x1xi32>
    %sign3A_1410 = arith.cmpi slt, %add3A_618, %sign3A_1409 : vector<1x1xi32>
    %sign3A_1411 = arith.extui %sign3A_1410 : vector<1x1xi1> to vector<1x1xi32>
    %sign3A_1412 = arith.subi %sign3A_1407, %sign3A_1411 : vector<1x1xi32>
    %sign3A_1413 = arith.constant 0 : i32
    %sign3A_1414 = arith.cmpi sgt, %jit3A_1401, %sign3A_1413 : i32
    %sign3A_1415 = arith.extui %sign3A_1414 : i1 to i32
    %sign3A_1416 = arith.constant 0 : i32
    %sign3A_1417 = arith.cmpi slt, %jit3A_1401, %sign3A_1416 : i32
    %sign3A_1418 = arith.extui %sign3A_1417 : i1 to i32
    %sign3A_1419 = arith.subi %sign3A_1415, %sign3A_1418 : i32
    %ne3A_1420 = vector.broadcast %sign3A_1419 : i32 to vector<1x1xi32>
    %ne3A_1421 = arith.cmpi ne, %sign3A_1412, %ne3A_1420 : vector<1x1xi32>
    %rem3A_1422 = vector.broadcast %jit3A_1401 : i32 to vector<1x1xi32>
    %rem3A_1423 = arith.remsi %add3A_618, %rem3A_1422 : vector<1x1xi32>
    %ne3A_1424 = arith.constant 0 : i32
    %ne3A_1425 = vector.broadcast %ne3A_1424 : i32 to vector<1x1xi32>
    %ne3A_1426 = arith.cmpi ne, %rem3A_1423, %ne3A_1425 : vector<1x1xi32>
    %and3A_1427 = arith.andi %ne3A_1421, %ne3A_1426 : vector<1x1xi1>
    %sub3A_1428 = arith.constant 1 : i32
    %sub3A_1429 = vector.broadcast %sub3A_1428 : i32 to vector<1x1xi32>
    %sub3A_1430 = arith.subi %div3A_1403, %sub3A_1429 : vector<1x1xi32>
    %select_n3A_1431 = arith.select %and3A_1427, %sub3A_1430, %div3A_1403 : vector<1x1xi1>, vector<1x1xi32>
    %max3A_1432 = arith.constant 1 : i32
    %max3A_1433 = vector.broadcast %max3A_1432 : i32 to vector<1x1xi32>
    %max3A_1434 = arith.maxsi %add3A_743, %max3A_1433 : vector<1x1xi32>
    %sub3A_1435 = arith.constant 1 : i32
    %sub3A_1436 = vector.broadcast %sub3A_1435 : i32 to vector<1x1xi32>
    %sub3A_1437 = arith.subi %max3A_1434, %sub3A_1436 : vector<1x1xi32>
    %jit3A_1438 = arith.constant 512 : i32
    %div3A_1439 = vector.broadcast %jit3A_1438 : i32 to vector<1x1xi32>
    %div3A_1440 = arith.divsi %sub3A_1437, %div3A_1439 : vector<1x1xi32>
    %sign3A_1441 = arith.constant 0 : i32
    %sign3A_1442 = vector.broadcast %sign3A_1441 : i32 to vector<1x1xi32>
    %sign3A_1443 = arith.cmpi sgt, %sub3A_1437, %sign3A_1442 : vector<1x1xi32>
    %sign3A_1444 = arith.extui %sign3A_1443 : vector<1x1xi1> to vector<1x1xi32>
    %sign3A_1445 = arith.constant 0 : i32
    %sign3A_1446 = vector.broadcast %sign3A_1445 : i32 to vector<1x1xi32>
    %sign3A_1447 = arith.cmpi slt, %sub3A_1437, %sign3A_1446 : vector<1x1xi32>
    %sign3A_1448 = arith.extui %sign3A_1447 : vector<1x1xi1> to vector<1x1xi32>
    %sign3A_1449 = arith.subi %sign3A_1444, %sign3A_1448 : vector<1x1xi32>
    %sign3A_1450 = arith.constant 0 : i32
    %sign3A_1451 = arith.cmpi sgt, %jit3A_1438, %sign3A_1450 : i32
    %sign3A_1452 = arith.extui %sign3A_1451 : i1 to i32
    %sign3A_1453 = arith.constant 0 : i32
    %sign3A_1454 = arith.cmpi slt, %jit3A_1438, %sign3A_1453 : i32
    %sign3A_1455 = arith.extui %sign3A_1454 : i1 to i32
    %sign3A_1456 = arith.subi %sign3A_1452, %sign3A_1455 : i32
    %ne3A_1457 = vector.broadcast %sign3A_1456 : i32 to vector<1x1xi32>
    %ne3A_1458 = arith.cmpi ne, %sign3A_1449, %ne3A_1457 : vector<1x1xi32>
    %rem3A_1459 = vector.broadcast %jit3A_1438 : i32 to vector<1x1xi32>
    %rem3A_1460 = arith.remsi %sub3A_1437, %rem3A_1459 : vector<1x1xi32>
    %ne3A_1461 = arith.constant 0 : i32
    %ne3A_1462 = vector.broadcast %ne3A_1461 : i32 to vector<1x1xi32>
    %ne3A_1463 = arith.cmpi ne, %rem3A_1460, %ne3A_1462 : vector<1x1xi32>
    %and3A_1464 = arith.andi %ne3A_1458, %ne3A_1463 : vector<1x1xi1>
    %sub3A_1465 = arith.constant 1 : i32
    %sub3A_1466 = vector.broadcast %sub3A_1465 : i32 to vector<1x1xi32>
    %sub3A_1467 = arith.subi %div3A_1440, %sub3A_1466 : vector<1x1xi32>
    %select_n3A_1468 = arith.select %and3A_1464, %sub3A_1467, %div3A_1440 : vector<1x1xi1>, vector<1x1xi32>
    %gt3A_1469 = arith.constant 0 : i32
    %gt3A_1470 = vector.broadcast %gt3A_1469 : i32 to vector<1x1xi32>
    %gt3A_1471 = arith.cmpi sgt, %sub3A_1400, %gt3A_1470 : vector<1x1xi32>
    %sub3A_1472 = arith.subi %select_n3A_1468, %select_n3A_1431 : vector<1x1xi32>
    %add3A_1473 = arith.constant 1 : i32
    %add3A_1474 = vector.broadcast %add3A_1473 : i32 to vector<1x1xi32>
    %add3A_1475 = arith.addi %sub3A_1472, %add3A_1474 : vector<1x1xi32>
    %jit3A_1476 = arith.constant 0 : i32
    %broadcast_in_dim3A_1477 = vector.broadcast %jit3A_1476 : i32 to vector<1x1xi32>
    %select_n3A_1478 = arith.select %gt3A_1471, %add3A_1475, %broadcast_in_dim3A_1477 : vector<1x1xi1>, vector<1x1xi32>
    %add3A_1479 = arith.addi %add3A_1399, %select_n3A_1478 : vector<1x1xi32>
    %sub3A_1480 = arith.subi %add3A_868, %add3A_743 : vector<1x1xi32>
    %jit3A_1481 = arith.constant 512 : i32
    %div3A_1482 = vector.broadcast %jit3A_1481 : i32 to vector<1x1xi32>
    %div3A_1483 = arith.divsi %add3A_743, %div3A_1482 : vector<1x1xi32>
    %sign3A_1484 = arith.constant 0 : i32
    %sign3A_1485 = vector.broadcast %sign3A_1484 : i32 to vector<1x1xi32>
    %sign3A_1486 = arith.cmpi sgt, %add3A_743, %sign3A_1485 : vector<1x1xi32>
    %sign3A_1487 = arith.extui %sign3A_1486 : vector<1x1xi1> to vector<1x1xi32>
    %sign3A_1488 = arith.constant 0 : i32
    %sign3A_1489 = vector.broadcast %sign3A_1488 : i32 to vector<1x1xi32>
    %sign3A_1490 = arith.cmpi slt, %add3A_743, %sign3A_1489 : vector<1x1xi32>
    %sign3A_1491 = arith.extui %sign3A_1490 : vector<1x1xi1> to vector<1x1xi32>
    %sign3A_1492 = arith.subi %sign3A_1487, %sign3A_1491 : vector<1x1xi32>
    %sign3A_1493 = arith.constant 0 : i32
    %sign3A_1494 = arith.cmpi sgt, %jit3A_1481, %sign3A_1493 : i32
    %sign3A_1495 = arith.extui %sign3A_1494 : i1 to i32
    %sign3A_1496 = arith.constant 0 : i32
    %sign3A_1497 = arith.cmpi slt, %jit3A_1481, %sign3A_1496 : i32
    %sign3A_1498 = arith.extui %sign3A_1497 : i1 to i32
    %sign3A_1499 = arith.subi %sign3A_1495, %sign3A_1498 : i32
    %ne3A_1500 = vector.broadcast %sign3A_1499 : i32 to vector<1x1xi32>
    %ne3A_1501 = arith.cmpi ne, %sign3A_1492, %ne3A_1500 : vector<1x1xi32>
    %rem3A_1502 = vector.broadcast %jit3A_1481 : i32 to vector<1x1xi32>
    %rem3A_1503 = arith.remsi %add3A_743, %rem3A_1502 : vector<1x1xi32>
    %ne3A_1504 = arith.constant 0 : i32
    %ne3A_1505 = vector.broadcast %ne3A_1504 : i32 to vector<1x1xi32>
    %ne3A_1506 = arith.cmpi ne, %rem3A_1503, %ne3A_1505 : vector<1x1xi32>
    %and3A_1507 = arith.andi %ne3A_1501, %ne3A_1506 : vector<1x1xi1>
    %sub3A_1508 = arith.constant 1 : i32
    %sub3A_1509 = vector.broadcast %sub3A_1508 : i32 to vector<1x1xi32>
    %sub3A_1510 = arith.subi %div3A_1483, %sub3A_1509 : vector<1x1xi32>
    %select_n3A_1511 = arith.select %and3A_1507, %sub3A_1510, %div3A_1483 : vector<1x1xi1>, vector<1x1xi32>
    %max3A_1512 = arith.constant 1 : i32
    %max3A_1513 = vector.broadcast %max3A_1512 : i32 to vector<1x1xi32>
    %max3A_1514 = arith.maxsi %add3A_868, %max3A_1513 : vector<1x1xi32>
    %sub3A_1515 = arith.constant 1 : i32
    %sub3A_1516 = vector.broadcast %sub3A_1515 : i32 to vector<1x1xi32>
    %sub3A_1517 = arith.subi %max3A_1514, %sub3A_1516 : vector<1x1xi32>
    %jit3A_1518 = arith.constant 512 : i32
    %div3A_1519 = vector.broadcast %jit3A_1518 : i32 to vector<1x1xi32>
    %div3A_1520 = arith.divsi %sub3A_1517, %div3A_1519 : vector<1x1xi32>
    %sign3A_1521 = arith.constant 0 : i32
    %sign3A_1522 = vector.broadcast %sign3A_1521 : i32 to vector<1x1xi32>
    %sign3A_1523 = arith.cmpi sgt, %sub3A_1517, %sign3A_1522 : vector<1x1xi32>
    %sign3A_1524 = arith.extui %sign3A_1523 : vector<1x1xi1> to vector<1x1xi32>
    %sign3A_1525 = arith.constant 0 : i32
    %sign3A_1526 = vector.broadcast %sign3A_1525 : i32 to vector<1x1xi32>
    %sign3A_1527 = arith.cmpi slt, %sub3A_1517, %sign3A_1526 : vector<1x1xi32>
    %sign3A_1528 = arith.extui %sign3A_1527 : vector<1x1xi1> to vector<1x1xi32>
    %sign3A_1529 = arith.subi %sign3A_1524, %sign3A_1528 : vector<1x1xi32>
    %sign3A_1530 = arith.constant 0 : i32
    %sign3A_1531 = arith.cmpi sgt, %jit3A_1518, %sign3A_1530 : i32
    %sign3A_1532 = arith.extui %sign3A_1531 : i1 to i32
    %sign3A_1533 = arith.constant 0 : i32
    %sign3A_1534 = arith.cmpi slt, %jit3A_1518, %sign3A_1533 : i32
    %sign3A_1535 = arith.extui %sign3A_1534 : i1 to i32
    %sign3A_1536 = arith.subi %sign3A_1532, %sign3A_1535 : i32
    %ne3A_1537 = vector.broadcast %sign3A_1536 : i32 to vector<1x1xi32>
    %ne3A_1538 = arith.cmpi ne, %sign3A_1529, %ne3A_1537 : vector<1x1xi32>
    %rem3A_1539 = vector.broadcast %jit3A_1518 : i32 to vector<1x1xi32>
    %rem3A_1540 = arith.remsi %sub3A_1517, %rem3A_1539 : vector<1x1xi32>
    %ne3A_1541 = arith.constant 0 : i32
    %ne3A_1542 = vector.broadcast %ne3A_1541 : i32 to vector<1x1xi32>
    %ne3A_1543 = arith.cmpi ne, %rem3A_1540, %ne3A_1542 : vector<1x1xi32>
    %and3A_1544 = arith.andi %ne3A_1538, %ne3A_1543 : vector<1x1xi1>
    %sub3A_1545 = arith.constant 1 : i32
    %sub3A_1546 = vector.broadcast %sub3A_1545 : i32 to vector<1x1xi32>
    %sub3A_1547 = arith.subi %div3A_1520, %sub3A_1546 : vector<1x1xi32>
    %select_n3A_1548 = arith.select %and3A_1544, %sub3A_1547, %div3A_1520 : vector<1x1xi1>, vector<1x1xi32>
    %gt3A_1549 = arith.constant 0 : i32
    %gt3A_1550 = vector.broadcast %gt3A_1549 : i32 to vector<1x1xi32>
    %gt3A_1551 = arith.cmpi sgt, %sub3A_1480, %gt3A_1550 : vector<1x1xi32>
    %sub3A_1552 = arith.subi %select_n3A_1548, %select_n3A_1511 : vector<1x1xi32>
    %add3A_1553 = arith.constant 1 : i32
    %add3A_1554 = vector.broadcast %add3A_1553 : i32 to vector<1x1xi32>
    %add3A_1555 = arith.addi %sub3A_1552, %add3A_1554 : vector<1x1xi32>
    %jit3A_1556 = arith.constant 0 : i32
    %broadcast_in_dim3A_1557 = vector.broadcast %jit3A_1556 : i32 to vector<1x1xi32>
    %select_n3A_1558 = arith.select %gt3A_1551, %add3A_1555, %broadcast_in_dim3A_1557 : vector<1x1xi1>, vector<1x1xi32>
    %add3A_1559 = arith.addi %add3A_1479, %select_n3A_1558 : vector<1x1xi32>
    %sub3A_1560 = arith.subi %add3A_993, %add3A_868 : vector<1x1xi32>
    %jit3A_1561 = arith.constant 512 : i32
    %div3A_1562 = vector.broadcast %jit3A_1561 : i32 to vector<1x1xi32>
    %div3A_1563 = arith.divsi %add3A_868, %div3A_1562 : vector<1x1xi32>
    %sign3A_1564 = arith.constant 0 : i32
    %sign3A_1565 = vector.broadcast %sign3A_1564 : i32 to vector<1x1xi32>
    %sign3A_1566 = arith.cmpi sgt, %add3A_868, %sign3A_1565 : vector<1x1xi32>
    %sign3A_1567 = arith.extui %sign3A_1566 : vector<1x1xi1> to vector<1x1xi32>
    %sign3A_1568 = arith.constant 0 : i32
    %sign3A_1569 = vector.broadcast %sign3A_1568 : i32 to vector<1x1xi32>
    %sign3A_1570 = arith.cmpi slt, %add3A_868, %sign3A_1569 : vector<1x1xi32>
    %sign3A_1571 = arith.extui %sign3A_1570 : vector<1x1xi1> to vector<1x1xi32>
    %sign3A_1572 = arith.subi %sign3A_1567, %sign3A_1571 : vector<1x1xi32>
    %sign3A_1573 = arith.constant 0 : i32
    %sign3A_1574 = arith.cmpi sgt, %jit3A_1561, %sign3A_1573 : i32
    %sign3A_1575 = arith.extui %sign3A_1574 : i1 to i32
    %sign3A_1576 = arith.constant 0 : i32
    %sign3A_1577 = arith.cmpi slt, %jit3A_1561, %sign3A_1576 : i32
    %sign3A_1578 = arith.extui %sign3A_1577 : i1 to i32
    %sign3A_1579 = arith.subi %sign3A_1575, %sign3A_1578 : i32
    %ne3A_1580 = vector.broadcast %sign3A_1579 : i32 to vector<1x1xi32>
    %ne3A_1581 = arith.cmpi ne, %sign3A_1572, %ne3A_1580 : vector<1x1xi32>
    %rem3A_1582 = vector.broadcast %jit3A_1561 : i32 to vector<1x1xi32>
    %rem3A_1583 = arith.remsi %add3A_868, %rem3A_1582 : vector<1x1xi32>
    %ne3A_1584 = arith.constant 0 : i32
    %ne3A_1585 = vector.broadcast %ne3A_1584 : i32 to vector<1x1xi32>
    %ne3A_1586 = arith.cmpi ne, %rem3A_1583, %ne3A_1585 : vector<1x1xi32>
    %and3A_1587 = arith.andi %ne3A_1581, %ne3A_1586 : vector<1x1xi1>
    %sub3A_1588 = arith.constant 1 : i32
    %sub3A_1589 = vector.broadcast %sub3A_1588 : i32 to vector<1x1xi32>
    %sub3A_1590 = arith.subi %div3A_1563, %sub3A_1589 : vector<1x1xi32>
    %select_n3A_1591 = arith.select %and3A_1587, %sub3A_1590, %div3A_1563 : vector<1x1xi1>, vector<1x1xi32>
    %max3A_1592 = arith.constant 1 : i32
    %max3A_1593 = vector.broadcast %max3A_1592 : i32 to vector<1x1xi32>
    %max3A_1594 = arith.maxsi %add3A_993, %max3A_1593 : vector<1x1xi32>
    %sub3A_1595 = arith.constant 1 : i32
    %sub3A_1596 = vector.broadcast %sub3A_1595 : i32 to vector<1x1xi32>
    %sub3A_1597 = arith.subi %max3A_1594, %sub3A_1596 : vector<1x1xi32>
    %jit3A_1598 = arith.constant 512 : i32
    %div3A_1599 = vector.broadcast %jit3A_1598 : i32 to vector<1x1xi32>
    %div3A_1600 = arith.divsi %sub3A_1597, %div3A_1599 : vector<1x1xi32>
    %sign3A_1601 = arith.constant 0 : i32
    %sign3A_1602 = vector.broadcast %sign3A_1601 : i32 to vector<1x1xi32>
    %sign3A_1603 = arith.cmpi sgt, %sub3A_1597, %sign3A_1602 : vector<1x1xi32>
    %sign3A_1604 = arith.extui %sign3A_1603 : vector<1x1xi1> to vector<1x1xi32>
    %sign3A_1605 = arith.constant 0 : i32
    %sign3A_1606 = vector.broadcast %sign3A_1605 : i32 to vector<1x1xi32>
    %sign3A_1607 = arith.cmpi slt, %sub3A_1597, %sign3A_1606 : vector<1x1xi32>
    %sign3A_1608 = arith.extui %sign3A_1607 : vector<1x1xi1> to vector<1x1xi32>
    %sign3A_1609 = arith.subi %sign3A_1604, %sign3A_1608 : vector<1x1xi32>
    %sign3A_1610 = arith.constant 0 : i32
    %sign3A_1611 = arith.cmpi sgt, %jit3A_1598, %sign3A_1610 : i32
    %sign3A_1612 = arith.extui %sign3A_1611 : i1 to i32
    %sign3A_1613 = arith.constant 0 : i32
    %sign3A_1614 = arith.cmpi slt, %jit3A_1598, %sign3A_1613 : i32
    %sign3A_1615 = arith.extui %sign3A_1614 : i1 to i32
    %sign3A_1616 = arith.subi %sign3A_1612, %sign3A_1615 : i32
    %ne3A_1617 = vector.broadcast %sign3A_1616 : i32 to vector<1x1xi32>
    %ne3A_1618 = arith.cmpi ne, %sign3A_1609, %ne3A_1617 : vector<1x1xi32>
    %rem3A_1619 = vector.broadcast %jit3A_1598 : i32 to vector<1x1xi32>
    %rem3A_1620 = arith.remsi %sub3A_1597, %rem3A_1619 : vector<1x1xi32>
    %ne3A_1621 = arith.constant 0 : i32
    %ne3A_1622 = vector.broadcast %ne3A_1621 : i32 to vector<1x1xi32>
    %ne3A_1623 = arith.cmpi ne, %rem3A_1620, %ne3A_1622 : vector<1x1xi32>
    %and3A_1624 = arith.andi %ne3A_1618, %ne3A_1623 : vector<1x1xi1>
    %sub3A_1625 = arith.constant 1 : i32
    %sub3A_1626 = vector.broadcast %sub3A_1625 : i32 to vector<1x1xi32>
    %sub3A_1627 = arith.subi %div3A_1600, %sub3A_1626 : vector<1x1xi32>
    %select_n3A_1628 = arith.select %and3A_1624, %sub3A_1627, %div3A_1600 : vector<1x1xi1>, vector<1x1xi32>
    %gt3A_1629 = arith.constant 0 : i32
    %gt3A_1630 = vector.broadcast %gt3A_1629 : i32 to vector<1x1xi32>
    %gt3A_1631 = arith.cmpi sgt, %sub3A_1560, %gt3A_1630 : vector<1x1xi32>
    %sub3A_1632 = arith.subi %select_n3A_1628, %select_n3A_1591 : vector<1x1xi32>
    %add3A_1633 = arith.constant 1 : i32
    %add3A_1634 = vector.broadcast %add3A_1633 : i32 to vector<1x1xi32>
    %add3A_1635 = arith.addi %sub3A_1632, %add3A_1634 : vector<1x1xi32>
    %jit3A_1636 = arith.constant 0 : i32
    %broadcast_in_dim3A_1637 = vector.broadcast %jit3A_1636 : i32 to vector<1x1xi32>
    %select_n3A_1638 = arith.select %gt3A_1631, %add3A_1635, %broadcast_in_dim3A_1637 : vector<1x1xi1>, vector<1x1xi32>
    %add3A_1639 = arith.addi %add3A_1559, %select_n3A_1638 : vector<1x1xi32>
    %ge3A_1640 = vector.broadcast %broadcast_in_dim3A_998 : vector<1x1xi32> to vector<1x128xi32>
    %ge3A_1641 = arith.cmpi sge, %iota3A_996, %ge3A_1640 : vector<1x128xi32>
    %lt3A = vector.broadcast %add3A_1079 : vector<1x1xi32> to vector<1x128xi32>
    %lt3A_1642 = arith.cmpi slt, %iota3A_996, %lt3A : vector<1x128xi32>
    %and3A_1643 = arith.andi %ge3A_1641, %lt3A_1642 : vector<1x128xi1>
    %jit3A_1644 = arith.constant 0 : i32
    %broadcast_in_dim3A_1645 = vector.broadcast %jit3A_1644 : i32 to vector<1x128xi32>
    %select_n3A_1646 = arith.select %and3A_1643, %broadcast_in_dim3A_1645, %broadcast_in_dim3A_1000 : vector<1x128xi1>, vector<1x128xi32>
    %add3A_1647 = vector.broadcast %select_n3A_1033 : vector<1x1xi32> to vector<1x128xi32>
    %add3A_1648 = arith.addi %add3A_1647, %iota3A_996 : vector<1x128xi32>
    %sub3A_1649 = vector.broadcast %broadcast_in_dim3A_998 : vector<1x1xi32> to vector<1x128xi32>
    %sub3A_1650 = arith.subi %add3A_1648, %sub3A_1649 : vector<1x128xi32>
    %select_n3A_1651 = arith.select %and3A_1643, %sub3A_1650, %broadcast_in_dim3A_1002 : vector<1x128xi1>, vector<1x128xi32>
    %broadcast_in_dim3A_1652 = vector.shape_cast %broadcast_in_dim3A_4 : vector<1x1xi32> to vector<1x1xi32>
    %broadcast_in_dim3A_1653 = vector.broadcast %broadcast_in_dim3A_1652 : vector<1x1xi32> to vector<1x128xi32>
    %select_n3A_1654 = arith.select %and3A_1643, %broadcast_in_dim3A_1653, %broadcast_in_dim3A_1004 : vector<1x128xi1>, vector<1x128xi32>
    %broadcast_in_dim3A_1655 = vector.shape_cast %add3A_118 : vector<1x1xi32> to vector<1x1xi32>
    %broadcast_in_dim3A_1656 = vector.broadcast %broadcast_in_dim3A_1655 : vector<1x1xi32> to vector<1x128xi32>
    %select_n3A_1657 = arith.select %and3A_1643, %broadcast_in_dim3A_1656, %broadcast_in_dim3A_1006 : vector<1x128xi1>, vector<1x128xi32>
    %ge3A_1658 = vector.broadcast %add3A_1079 : vector<1x1xi32> to vector<1x128xi32>
    %ge3A_1659 = arith.cmpi sge, %iota3A_996, %ge3A_1658 : vector<1x128xi32>
    %lt3A_1660 = vector.broadcast %add3A_1159 : vector<1x1xi32> to vector<1x128xi32>
    %lt3A_1661 = arith.cmpi slt, %iota3A_996, %lt3A_1660 : vector<1x128xi32>
    %and3A_1662 = arith.andi %ge3A_1659, %lt3A_1661 : vector<1x128xi1>
    %jit3A_1663 = arith.constant 1 : i32
    %broadcast_in_dim3A_1664 = vector.broadcast %jit3A_1663 : i32 to vector<1x128xi32>
    %select_n3A_1665 = arith.select %and3A_1662, %broadcast_in_dim3A_1664, %select_n3A_1646 : vector<1x128xi1>, vector<1x128xi32>
    %add3A_1666 = vector.broadcast %select_n3A_1111 : vector<1x1xi32> to vector<1x128xi32>
    %add3A_1667 = arith.addi %add3A_1666, %iota3A_996 : vector<1x128xi32>
    %sub3A_1668 = vector.broadcast %add3A_1079 : vector<1x1xi32> to vector<1x128xi32>
    %sub3A_1669 = arith.subi %add3A_1667, %sub3A_1668 : vector<1x128xi32>
    %select_n3A_1670 = arith.select %and3A_1662, %sub3A_1669, %select_n3A_1651 : vector<1x128xi1>, vector<1x128xi32>
    %broadcast_in_dim3A_1671 = vector.shape_cast %add3A_118 : vector<1x1xi32> to vector<1x1xi32>
    %broadcast_in_dim3A_1672 = vector.broadcast %broadcast_in_dim3A_1671 : vector<1x1xi32> to vector<1x128xi32>
    %select_n3A_1673 = arith.select %and3A_1662, %broadcast_in_dim3A_1672, %select_n3A_1654 : vector<1x128xi1>, vector<1x128xi32>
    %broadcast_in_dim3A_1674 = vector.shape_cast %add3A_243 : vector<1x1xi32> to vector<1x1xi32>
    %broadcast_in_dim3A_1675 = vector.broadcast %broadcast_in_dim3A_1674 : vector<1x1xi32> to vector<1x128xi32>
    %select_n3A_1676 = arith.select %and3A_1662, %broadcast_in_dim3A_1675, %select_n3A_1657 : vector<1x128xi1>, vector<1x128xi32>
    %ge3A_1677 = vector.broadcast %add3A_1159 : vector<1x1xi32> to vector<1x128xi32>
    %ge3A_1678 = arith.cmpi sge, %iota3A_996, %ge3A_1677 : vector<1x128xi32>
    %lt3A_1679 = vector.broadcast %add3A_1239 : vector<1x1xi32> to vector<1x128xi32>
    %lt3A_1680 = arith.cmpi slt, %iota3A_996, %lt3A_1679 : vector<1x128xi32>
    %and3A_1681 = arith.andi %ge3A_1678, %lt3A_1680 : vector<1x128xi1>
    %jit3A_1682 = arith.constant 2 : i32
    %broadcast_in_dim3A_1683 = vector.broadcast %jit3A_1682 : i32 to vector<1x128xi32>
    %select_n3A_1684 = arith.select %and3A_1681, %broadcast_in_dim3A_1683, %select_n3A_1665 : vector<1x128xi1>, vector<1x128xi32>
    %add3A_1685 = vector.broadcast %select_n3A_1191 : vector<1x1xi32> to vector<1x128xi32>
    %add3A_1686 = arith.addi %add3A_1685, %iota3A_996 : vector<1x128xi32>
    %sub3A_1687 = vector.broadcast %add3A_1159 : vector<1x1xi32> to vector<1x128xi32>
    %sub3A_1688 = arith.subi %add3A_1686, %sub3A_1687 : vector<1x128xi32>
    %select_n3A_1689 = arith.select %and3A_1681, %sub3A_1688, %select_n3A_1670 : vector<1x128xi1>, vector<1x128xi32>
    %broadcast_in_dim3A_1690 = vector.shape_cast %add3A_243 : vector<1x1xi32> to vector<1x1xi32>
    %broadcast_in_dim3A_1691 = vector.broadcast %broadcast_in_dim3A_1690 : vector<1x1xi32> to vector<1x128xi32>
    %select_n3A_1692 = arith.select %and3A_1681, %broadcast_in_dim3A_1691, %select_n3A_1673 : vector<1x128xi1>, vector<1x128xi32>
    %broadcast_in_dim3A_1693 = vector.shape_cast %add3A_368 : vector<1x1xi32> to vector<1x1xi32>
    %broadcast_in_dim3A_1694 = vector.broadcast %broadcast_in_dim3A_1693 : vector<1x1xi32> to vector<1x128xi32>
    %select_n3A_1695 = arith.select %and3A_1681, %broadcast_in_dim3A_1694, %select_n3A_1676 : vector<1x128xi1>, vector<1x128xi32>
    %ge3A_1696 = vector.broadcast %add3A_1239 : vector<1x1xi32> to vector<1x128xi32>
    %ge3A_1697 = arith.cmpi sge, %iota3A_996, %ge3A_1696 : vector<1x128xi32>
    %lt3A_1698 = vector.broadcast %add3A_1319 : vector<1x1xi32> to vector<1x128xi32>
    %lt3A_1699 = arith.cmpi slt, %iota3A_996, %lt3A_1698 : vector<1x128xi32>
    %and3A_1700 = arith.andi %ge3A_1697, %lt3A_1699 : vector<1x128xi1>
    %jit3A_1701 = arith.constant 3 : i32
    %broadcast_in_dim3A_1702 = vector.broadcast %jit3A_1701 : i32 to vector<1x128xi32>
    %select_n3A_1703 = arith.select %and3A_1700, %broadcast_in_dim3A_1702, %select_n3A_1684 : vector<1x128xi1>, vector<1x128xi32>
    %add3A_1704 = vector.broadcast %select_n3A_1271 : vector<1x1xi32> to vector<1x128xi32>
    %add3A_1705 = arith.addi %add3A_1704, %iota3A_996 : vector<1x128xi32>
    %sub3A_1706 = vector.broadcast %add3A_1239 : vector<1x1xi32> to vector<1x128xi32>
    %sub3A_1707 = arith.subi %add3A_1705, %sub3A_1706 : vector<1x128xi32>
    %select_n3A_1708 = arith.select %and3A_1700, %sub3A_1707, %select_n3A_1689 : vector<1x128xi1>, vector<1x128xi32>
    %broadcast_in_dim3A_1709 = vector.shape_cast %add3A_368 : vector<1x1xi32> to vector<1x1xi32>
    %broadcast_in_dim3A_1710 = vector.broadcast %broadcast_in_dim3A_1709 : vector<1x1xi32> to vector<1x128xi32>
    %select_n3A_1711 = arith.select %and3A_1700, %broadcast_in_dim3A_1710, %select_n3A_1692 : vector<1x128xi1>, vector<1x128xi32>
    %broadcast_in_dim3A_1712 = vector.shape_cast %add3A_493 : vector<1x1xi32> to vector<1x1xi32>
    %broadcast_in_dim3A_1713 = vector.broadcast %broadcast_in_dim3A_1712 : vector<1x1xi32> to vector<1x128xi32>
    %select_n3A_1714 = arith.select %and3A_1700, %broadcast_in_dim3A_1713, %select_n3A_1695 : vector<1x128xi1>, vector<1x128xi32>
    %ge3A_1715 = vector.broadcast %add3A_1319 : vector<1x1xi32> to vector<1x128xi32>
    %ge3A_1716 = arith.cmpi sge, %iota3A_996, %ge3A_1715 : vector<1x128xi32>
    %lt3A_1717 = vector.broadcast %add3A_1399 : vector<1x1xi32> to vector<1x128xi32>
    %lt3A_1718 = arith.cmpi slt, %iota3A_996, %lt3A_1717 : vector<1x128xi32>
    %and3A_1719 = arith.andi %ge3A_1716, %lt3A_1718 : vector<1x128xi1>
    %jit3A_1720 = arith.constant 4 : i32
    %broadcast_in_dim3A_1721 = vector.broadcast %jit3A_1720 : i32 to vector<1x128xi32>
    %select_n3A_1722 = arith.select %and3A_1719, %broadcast_in_dim3A_1721, %select_n3A_1703 : vector<1x128xi1>, vector<1x128xi32>
    %add3A_1723 = vector.broadcast %select_n3A_1351 : vector<1x1xi32> to vector<1x128xi32>
    %add3A_1724 = arith.addi %add3A_1723, %iota3A_996 : vector<1x128xi32>
    %sub3A_1725 = vector.broadcast %add3A_1319 : vector<1x1xi32> to vector<1x128xi32>
    %sub3A_1726 = arith.subi %add3A_1724, %sub3A_1725 : vector<1x128xi32>
    %select_n3A_1727 = arith.select %and3A_1719, %sub3A_1726, %select_n3A_1708 : vector<1x128xi1>, vector<1x128xi32>
    %broadcast_in_dim3A_1728 = vector.shape_cast %add3A_493 : vector<1x1xi32> to vector<1x1xi32>
    %broadcast_in_dim3A_1729 = vector.broadcast %broadcast_in_dim3A_1728 : vector<1x1xi32> to vector<1x128xi32>
    %select_n3A_1730 = arith.select %and3A_1719, %broadcast_in_dim3A_1729, %select_n3A_1711 : vector<1x128xi1>, vector<1x128xi32>
    %broadcast_in_dim3A_1731 = vector.shape_cast %add3A_618 : vector<1x1xi32> to vector<1x1xi32>
    %broadcast_in_dim3A_1732 = vector.broadcast %broadcast_in_dim3A_1731 : vector<1x1xi32> to vector<1x128xi32>
    %select_n3A_1733 = arith.select %and3A_1719, %broadcast_in_dim3A_1732, %select_n3A_1714 : vector<1x128xi1>, vector<1x128xi32>
    %ge3A_1734 = vector.broadcast %add3A_1399 : vector<1x1xi32> to vector<1x128xi32>
    %ge3A_1735 = arith.cmpi sge, %iota3A_996, %ge3A_1734 : vector<1x128xi32>
    %lt3A_1736 = vector.broadcast %add3A_1479 : vector<1x1xi32> to vector<1x128xi32>
    %lt3A_1737 = arith.cmpi slt, %iota3A_996, %lt3A_1736 : vector<1x128xi32>
    %and3A_1738 = arith.andi %ge3A_1735, %lt3A_1737 : vector<1x128xi1>
    %jit3A_1739 = arith.constant 5 : i32
    %broadcast_in_dim3A_1740 = vector.broadcast %jit3A_1739 : i32 to vector<1x128xi32>
    %select_n3A_1741 = arith.select %and3A_1738, %broadcast_in_dim3A_1740, %select_n3A_1722 : vector<1x128xi1>, vector<1x128xi32>
    %add3A_1742 = vector.broadcast %select_n3A_1431 : vector<1x1xi32> to vector<1x128xi32>
    %add3A_1743 = arith.addi %add3A_1742, %iota3A_996 : vector<1x128xi32>
    %sub3A_1744 = vector.broadcast %add3A_1399 : vector<1x1xi32> to vector<1x128xi32>
    %sub3A_1745 = arith.subi %add3A_1743, %sub3A_1744 : vector<1x128xi32>
    %select_n3A_1746 = arith.select %and3A_1738, %sub3A_1745, %select_n3A_1727 : vector<1x128xi1>, vector<1x128xi32>
    %broadcast_in_dim3A_1747 = vector.shape_cast %add3A_618 : vector<1x1xi32> to vector<1x1xi32>
    %broadcast_in_dim3A_1748 = vector.broadcast %broadcast_in_dim3A_1747 : vector<1x1xi32> to vector<1x128xi32>
    %select_n3A_1749 = arith.select %and3A_1738, %broadcast_in_dim3A_1748, %select_n3A_1730 : vector<1x128xi1>, vector<1x128xi32>
    %broadcast_in_dim3A_1750 = vector.shape_cast %add3A_743 : vector<1x1xi32> to vector<1x1xi32>
    %broadcast_in_dim3A_1751 = vector.broadcast %broadcast_in_dim3A_1750 : vector<1x1xi32> to vector<1x128xi32>
    %select_n3A_1752 = arith.select %and3A_1738, %broadcast_in_dim3A_1751, %select_n3A_1733 : vector<1x128xi1>, vector<1x128xi32>
    %ge3A_1753 = vector.broadcast %add3A_1479 : vector<1x1xi32> to vector<1x128xi32>
    %ge3A_1754 = arith.cmpi sge, %iota3A_996, %ge3A_1753 : vector<1x128xi32>
    %lt3A_1755 = vector.broadcast %add3A_1559 : vector<1x1xi32> to vector<1x128xi32>
    %lt3A_1756 = arith.cmpi slt, %iota3A_996, %lt3A_1755 : vector<1x128xi32>
    %and3A_1757 = arith.andi %ge3A_1754, %lt3A_1756 : vector<1x128xi1>
    %jit3A_1758 = arith.constant 6 : i32
    %broadcast_in_dim3A_1759 = vector.broadcast %jit3A_1758 : i32 to vector<1x128xi32>
    %select_n3A_1760 = arith.select %and3A_1757, %broadcast_in_dim3A_1759, %select_n3A_1741 : vector<1x128xi1>, vector<1x128xi32>
    %add3A_1761 = vector.broadcast %select_n3A_1511 : vector<1x1xi32> to vector<1x128xi32>
    %add3A_1762 = arith.addi %add3A_1761, %iota3A_996 : vector<1x128xi32>
    %sub3A_1763 = vector.broadcast %add3A_1479 : vector<1x1xi32> to vector<1x128xi32>
    %sub3A_1764 = arith.subi %add3A_1762, %sub3A_1763 : vector<1x128xi32>
    %select_n3A_1765 = arith.select %and3A_1757, %sub3A_1764, %select_n3A_1746 : vector<1x128xi1>, vector<1x128xi32>
    %broadcast_in_dim3A_1766 = vector.shape_cast %add3A_743 : vector<1x1xi32> to vector<1x1xi32>
    %broadcast_in_dim3A_1767 = vector.broadcast %broadcast_in_dim3A_1766 : vector<1x1xi32> to vector<1x128xi32>
    %select_n3A_1768 = arith.select %and3A_1757, %broadcast_in_dim3A_1767, %select_n3A_1749 : vector<1x128xi1>, vector<1x128xi32>
    %broadcast_in_dim3A_1769 = vector.shape_cast %add3A_868 : vector<1x1xi32> to vector<1x1xi32>
    %broadcast_in_dim3A_1770 = vector.broadcast %broadcast_in_dim3A_1769 : vector<1x1xi32> to vector<1x128xi32>
    %select_n3A_1771 = arith.select %and3A_1757, %broadcast_in_dim3A_1770, %select_n3A_1752 : vector<1x128xi1>, vector<1x128xi32>
    %ge3A_1772 = vector.broadcast %add3A_1559 : vector<1x1xi32> to vector<1x128xi32>
    %ge3A_1773 = arith.cmpi sge, %iota3A_996, %ge3A_1772 : vector<1x128xi32>
    %lt3A_1774 = vector.broadcast %add3A_1639 : vector<1x1xi32> to vector<1x128xi32>
    %lt3A_1775 = arith.cmpi slt, %iota3A_996, %lt3A_1774 : vector<1x128xi32>
    %and3A_1776 = arith.andi %ge3A_1773, %lt3A_1775 : vector<1x128xi1>
    %jit3A_1777 = arith.constant 7 : i32
    %broadcast_in_dim3A_1778 = vector.broadcast %jit3A_1777 : i32 to vector<1x128xi32>
    %select_n3A_1779 = arith.select %and3A_1776, %broadcast_in_dim3A_1778, %select_n3A_1760 : vector<1x128xi1>, vector<1x128xi32>
    %add3A_1780 = vector.broadcast %select_n3A_1591 : vector<1x1xi32> to vector<1x128xi32>
    %add3A_1781 = arith.addi %add3A_1780, %iota3A_996 : vector<1x128xi32>
    %sub3A_1782 = vector.broadcast %add3A_1559 : vector<1x1xi32> to vector<1x128xi32>
    %sub3A_1783 = arith.subi %add3A_1781, %sub3A_1782 : vector<1x128xi32>
    %select_n3A_1784 = arith.select %and3A_1776, %sub3A_1783, %select_n3A_1765 : vector<1x128xi1>, vector<1x128xi32>
    %broadcast_in_dim3A_1785 = vector.shape_cast %add3A_868 : vector<1x1xi32> to vector<1x1xi32>
    %broadcast_in_dim3A_1786 = vector.broadcast %broadcast_in_dim3A_1785 : vector<1x1xi32> to vector<1x128xi32>
    %select_n3A_1787 = arith.select %and3A_1776, %broadcast_in_dim3A_1786, %select_n3A_1768 : vector<1x128xi1>, vector<1x128xi32>
    %broadcast_in_dim3A_1788 = vector.shape_cast %add3A_993 : vector<1x1xi32> to vector<1x1xi32>
    %broadcast_in_dim3A_1789 = vector.broadcast %broadcast_in_dim3A_1788 : vector<1x1xi32> to vector<1x128xi32>
    %select_n3A_1790 = arith.select %and3A_1776, %broadcast_in_dim3A_1789, %select_n3A_1771 : vector<1x128xi1>, vector<1x128xi32>
    %lt3A_1791 = vector.broadcast %add3A_1639 : vector<1x1xi32> to vector<1x128xi32>
    %lt3A_1792 = arith.cmpi slt, %iota3A_996, %lt3A_1791 : vector<1x128xi32>
    %jit3A_1793 = arith.constant 3 : i32
    %broadcast_in_dim3A_1794 = vector.broadcast %jit3A_1793 : i32 to vector<1x128xi32>
    %select_n3A_1795 = arith.select %lt3A_1792, %select_n3A_1784, %broadcast_in_dim3A_1794 : vector<1x128xi1>, vector<1x128xi32>
    %mul3A_1796 = arith.constant 512 : i32
    %mul3A_1797 = vector.broadcast %mul3A_1796 : i32 to vector<1x128xi32>
    %mul3A_1798 = arith.muli %select_n3A_1795, %mul3A_1797 : vector<1x128xi32>
    %sub3A_1799 = arith.subi %select_n3A_1787, %mul3A_1798 : vector<1x128xi32>
    %max3A_1800 = arith.constant 0 : i32
    %max3A_1801 = vector.broadcast %max3A_1800 : i32 to vector<1x128xi32>
    %max3A_1802 = arith.maxsi %sub3A_1799, %max3A_1801 : vector<1x128xi32>
    %jit3A_1803 = arith.constant 0 : i32
    %broadcast_in_dim3A_1804 = vector.broadcast %jit3A_1803 : i32 to vector<1x128xi32>
    %select_n3A_1805 = arith.select %lt3A_1792, %max3A_1802, %broadcast_in_dim3A_1804 : vector<1x128xi1>, vector<1x128xi32>
    %mul3A_1806 = arith.constant 512 : i32
    %mul3A_1807 = vector.broadcast %mul3A_1806 : i32 to vector<1x128xi32>
    %mul3A_1808 = arith.muli %select_n3A_1795, %mul3A_1807 : vector<1x128xi32>
    %sub3A_1809 = arith.subi %select_n3A_1790, %mul3A_1808 : vector<1x128xi32>
    %min3A = arith.constant 512 : i32
    %min3A_1810 = vector.broadcast %min3A : i32 to vector<1x128xi32>
    %min3A_1811 = arith.minsi %sub3A_1809, %min3A_1810 : vector<1x128xi32>
    %jit3A_1812 = arith.constant 0 : i32
    %broadcast_in_dim3A_1813 = vector.broadcast %jit3A_1812 : i32 to vector<1x128xi32>
    %select_n3A_1814 = arith.select %lt3A_1792, %min3A_1811, %broadcast_in_dim3A_1813 : vector<1x128xi1>, vector<1x128xi32>
    %jit3A_1815 = arith.constant 7 : i32
    %broadcast_in_dim3A_1816 = vector.broadcast %jit3A_1815 : i32 to vector<1x128xi32>
    %select_n3A_1817 = arith.select %lt3A_1792, %select_n3A_1779, %broadcast_in_dim3A_1816 : vector<1x128xi1>, vector<1x128xi32>
    %add3A_1818 = arith.constant 1 : i32
    %add3A_1819 = vector.broadcast %add3A_1818 : i32 to vector<1x128xi32>
    %add3A_1820 = arith.addi %select_n3A_1795, %add3A_1819 : vector<1x128xi32>
    %roll3A_1821 = arith.constant 1 : i32
    %roll3A_1822 = tpu.dynamic_rotate %add3A_1820 by %roll3A_1821 dim 1 : vector<1x128xi32>, i32 -> vector<1x128xi32>
    %iota3A_1823 = tpu.iota {dimensions = array<i32: 1>} : vector<1x128xi32>
    %ge3A_1824 = arith.constant 1 : i32
    %ge3A_1825 = vector.broadcast %ge3A_1824 : i32 to vector<1x128xi32>
    %ge3A_1826 = arith.cmpi sge, %iota3A_1823, %ge3A_1825 : vector<1x128xi32>
    %jit3A_1827 = arith.constant 0 : i32
    %broadcast_in_dim3A_1828 = vector.broadcast %jit3A_1827 : i32 to vector<1x128xi32>
    %select_n3A_1829 = arith.select %ge3A_1826, %roll3A_1822, %broadcast_in_dim3A_1828 : vector<1x128xi1>, vector<1x128xi32>
    %sub3A_1830 = arith.constant 1 : i32
    %sub3A_1831 = vector.broadcast %sub3A_1830 : i32 to vector<1x128xi32>
    %sub3A_1832 = arith.subi %select_n3A_1829, %sub3A_1831 : vector<1x128xi32>
    %ne3A_1833 = arith.cmpi ne, %select_n3A_1795, %sub3A_1832 : vector<1x128xi32>
    %and3A_1834 = arith.andi %lt3A_1792, %ne3A_1833 : vector<1x128xi1>
    %convert_element_type3A_1835 = arith.extui %and3A_1834 : vector<1x128xi1> to vector<1x128xi32>
    %add3A_1836 = arith.constant 1 : i32
    %add3A_1837 = vector.broadcast %add3A_1836 : i32 to vector<1x128xi32>
    %add3A_1838 = arith.addi %select_n3A_1817, %add3A_1837 : vector<1x128xi32>
    %roll3A_1839 = arith.constant 1 : i32
    %roll3A_1840 = tpu.dynamic_rotate %add3A_1838 by %roll3A_1839 dim 1 : vector<1x128xi32>, i32 -> vector<1x128xi32>
    %iota3A_1841 = tpu.iota {dimensions = array<i32: 1>} : vector<1x128xi32>
    %ge3A_1842 = arith.constant 1 : i32
    %ge3A_1843 = vector.broadcast %ge3A_1842 : i32 to vector<1x128xi32>
    %ge3A_1844 = arith.cmpi sge, %iota3A_1841, %ge3A_1843 : vector<1x128xi32>
    %jit3A_1845 = arith.constant 0 : i32
    %broadcast_in_dim3A_1846 = vector.broadcast %jit3A_1845 : i32 to vector<1x128xi32>
    %select_n3A_1847 = arith.select %ge3A_1844, %roll3A_1840, %broadcast_in_dim3A_1846 : vector<1x128xi1>, vector<1x128xi32>
    %sub3A_1848 = arith.constant 1 : i32
    %sub3A_1849 = vector.broadcast %sub3A_1848 : i32 to vector<1x128xi32>
    %sub3A_1850 = arith.subi %select_n3A_1847, %sub3A_1849 : vector<1x128xi32>
    %ne3A_1851 = arith.cmpi ne, %select_n3A_1817, %sub3A_1850 : vector<1x128xi32>
    %convert_element_type3A_1852 = arith.extui %ne3A_1851 : vector<1x128xi1> to vector<1x128xi32>
    %swap3A_1853 = arith.constant 0 : index
    %swap3A_1854 = arith.constant 0 : index
    %swap3A_1855 = vector.load %arg2[%swap3A_1853, %swap3A_1854] : memref<8x128xi32, #tpu.memory_space<vmem>>, vector<1x128xi32>
    tpu.vector_store %arg2[%swap3A_1853, %swap3A_1854], %select_n3A_1795 {strides = array<i32>} : memref<8x128xi32, #tpu.memory_space<vmem>>, vector<1x128xi32>,
    %swap3A_1856 = arith.constant 1 : index
    %swap3A_1857 = arith.constant 0 : index
    %swap3A_1858 = vector.load %arg2[%swap3A_1856, %swap3A_1857] : memref<8x128xi32, #tpu.memory_space<vmem>>, vector<1x128xi32>
    tpu.vector_store %arg2[%swap3A_1856, %swap3A_1857], %select_n3A_1817 {strides = array<i32>} : memref<8x128xi32, #tpu.memory_space<vmem>>, vector<1x128xi32>,
    %swap3A_1859 = arith.constant 2 : index
    %swap3A_1860 = arith.constant 0 : index
    %swap3A_1861 = vector.load %arg2[%swap3A_1859, %swap3A_1860] : memref<8x128xi32, #tpu.memory_space<vmem>>, vector<1x128xi32>
    tpu.vector_store %arg2[%swap3A_1859, %swap3A_1860], %select_n3A_1805 {strides = array<i32>} : memref<8x128xi32, #tpu.memory_space<vmem>>, vector<1x128xi32>,
    %swap3A_1862 = arith.constant 3 : index
    %swap3A_1863 = arith.constant 0 : index
    %swap3A_1864 = vector.load %arg2[%swap3A_1862, %swap3A_1863] : memref<8x128xi32, #tpu.memory_space<vmem>>, vector<1x128xi32>
    tpu.vector_store %arg2[%swap3A_1862, %swap3A_1863], %select_n3A_1814 {strides = array<i32>} : memref<8x128xi32, #tpu.memory_space<vmem>>, vector<1x128xi32>,
    %swap3A_1865 = arith.constant 4 : index
    %swap3A_1866 = arith.constant 0 : index
    %swap3A_1867 = vector.load %arg2[%swap3A_1865, %swap3A_1866] : memref<8x128xi32, #tpu.memory_space<vmem>>, vector<1x128xi32>
    tpu.vector_store %arg2[%swap3A_1865, %swap3A_1866], %convert_element_type3A_1835 {strides = array<i32>} : memref<8x128xi32, #tpu.memory_space<vmem>>, vector<1x128xi32>,
    %swap3A_1868 = arith.constant 5 : index
    %swap3A_1869 = arith.constant 0 : index
    %swap3A_1870 = vector.load %arg2[%swap3A_1868, %swap3A_1869] : memref<8x128xi32, #tpu.memory_space<vmem>>, vector<1x128xi32>
    tpu.vector_store %arg2[%swap3A_1868, %swap3A_1869], %convert_element_type3A_1852 {strides = array<i32>} : memref<8x128xi32, #tpu.memory_space<vmem>>, vector<1x128xi32>,
    %broadcast_in_dim3A_1871 = arith.constant 0 : i32
    %broadcast_in_dim3A_1872 = vector.broadcast %broadcast_in_dim3A_1871 : i32 to vector<2x128xi32>
    %swap3A_1873 = arith.constant 6 : index
    %swap3A_1874 = arith.constant 0 : index
    %swap3A_1875 = vector.load %arg2[%swap3A_1873, %swap3A_1874] : memref<8x128xi32, #tpu.memory_space<vmem>>, vector<2x128xi32>
    tpu.vector_store %arg2[%swap3A_1873, %swap3A_1874], %broadcast_in_dim3A_1872 {strides = array<i32>} : memref<8x128xi32, #tpu.memory_space<vmem>>, vector<2x128xi32>,
    return
  }
}

module attributes {stable_mosaic.version = 14 : i64} {
  func.func @_group_body(%arg0: i32, %arg1: memref<8x128xi32, #tpu.memory_space<smem>>, %arg2: memref<512x1024xf32, #tpu.memory_space<vmem>>, %arg3: memref<1x1024x1024xf32, #tpu.memory_space<vmem>>, %arg4: memref<512x1024xf32, #tpu.memory_space<vmem>>, %arg5: memref<1024x1024xbf16, #tpu.memory_space<vmem>>, %arg6: memref<512x1024xbf16, #tpu.memory_space<vmem>>) attributes {dimension_semantics = [#tpu.dimension_semantics<arbitrary>], iteration_bounds = array<i64: 11>, scalar_prefetch = 1 : i64, scratch_operands = 2 : i64, tpu.core_type = #tpu.core_type<tc>, window_params = [{transform_indices = @transform_0, window_bounds = array<i64: 512, 1024>}, {transform_indices = @transform_1, window_bounds = array<i64: 1, 1024, 1024>}, {transform_indices = @transform_2, window_bounds = array<i64: 512, 1024>}]} {
    %get3A = arith.constant 2 : index
    %get3A_0 = arith.index_cast %arg0 : i32 to index
    %get3A_1 = memref.load %arg1[%get3A, %get3A_0] : memref<8x128xi32, #tpu.memory_space<smem>>
    %get3A_2 = arith.constant 3 : index
    %get3A_3 = arith.index_cast %arg0 : i32 to index
    %get3A_4 = memref.load %arg1[%get3A_2, %get3A_3] : memref<8x128xi32, #tpu.memory_space<smem>>
    %get3A_5 = arith.constant 5 : index
    %get3A_6 = arith.index_cast %arg0 : i32 to index
    %get3A_7 = memref.load %arg1[%get3A_5, %get3A_6] : memref<8x128xi32, #tpu.memory_space<smem>>
    %eq3A = arith.constant 1 : i32
    %eq3A_8 = arith.cmpi eq, %get3A_7, %eq3A : i32
    %convert_element_type3A = arith.extui %eq3A_8 : i1 to i32
    %cond3A = arith.constant 0 : i32
    %cond3A_9 = arith.cmpi ne, %convert_element_type3A, %cond3A : i32
    scf.if %cond3A_9 {
      %get3A_45 = arith.constant 0 : index
      %get3A_46 = arith.constant 0 : index
      %get3A_47 = arith.constant 0 : index
      %get3A_48 = vector.load %arg3[%get3A_45, %get3A_46, %get3A_47] : memref<1x1024x1024xf32, #tpu.memory_space<vmem>>, vector<1x1024x1024xf32>
      %get3A_49 = vector.shape_cast %get3A_48 : vector<1x1024x1024xf32> to vector<1024x1024xf32>
      %convert_element_type3A_50 = arith.truncf %get3A_49 : vector<1024x1024xf32> to vector<1024x1024xbf16>
      %swap3A = arith.constant 0 : index
      %swap3A_51 = arith.constant 0 : index
      %swap3A_52 = vector.load %arg5[%swap3A, %swap3A_51] : memref<1024x1024xbf16, #tpu.memory_space<vmem>>, vector<1024x1024xbf16>
      tpu.vector_store %arg5[%swap3A, %swap3A_51], %convert_element_type3A_50 {strides = array<i32>} : memref<1024x1024xbf16, #tpu.memory_space<vmem>>, vector<1024x1024xbf16>,
    } else {
    }
    %get3A_10 = arith.constant 4 : index
    %get3A_11 = arith.index_cast %arg0 : i32 to index
    %get3A_12 = memref.load %arg1[%get3A_10, %get3A_11] : memref<8x128xi32, #tpu.memory_space<smem>>
    %eq3A_13 = arith.constant 1 : i32
    %eq3A_14 = arith.cmpi eq, %get3A_12, %eq3A_13 : i32
    %convert_element_type3A_15 = arith.extui %eq3A_14 : i1 to i32
    %cond3A_16 = arith.constant 0 : i32
    %cond3A_17 = arith.cmpi ne, %convert_element_type3A_15, %cond3A_16 : i32
    scf.if %cond3A_17 {
      %get3A_45 = arith.constant 0 : index
      %get3A_46 = arith.constant 0 : index
      %get3A_47 = vector.load %arg2[%get3A_45, %get3A_46] : memref<512x1024xf32, #tpu.memory_space<vmem>>, vector<512x1024xf32>
      %convert_element_type3A_48 = arith.truncf %get3A_47 : vector<512x1024xf32> to vector<512x1024xbf16>
      %swap3A = arith.constant 0 : index
      %swap3A_49 = arith.constant 0 : index
      %swap3A_50 = vector.load %arg6[%swap3A, %swap3A_49] : memref<512x1024xbf16, #tpu.memory_space<vmem>>, vector<512x1024xbf16>
      tpu.vector_store %arg6[%swap3A, %swap3A_49], %convert_element_type3A_48 {strides = array<i32>} : memref<512x1024xbf16, #tpu.memory_space<vmem>>, vector<512x1024xbf16>,
    } else {
    }
    %iota3A = tpu.iota {dimensions = array<i32: 0>} : vector<512x1xi32>
    %ge3A = vector.broadcast %get3A_1 : i32 to vector<512x1xi32>
    %ge3A_18 = arith.cmpi sge, %iota3A, %ge3A : vector<512x1xi32>
    %lt3A = vector.broadcast %get3A_4 : i32 to vector<512x1xi32>
    %lt3A_19 = arith.cmpi slt, %iota3A, %lt3A : vector<512x1xi32>
    %and3A = arith.andi %ge3A_18, %lt3A_19 : vector<512x1xi1>
    %get3A_20 = arith.constant 0 : index
    %get3A_21 = arith.constant 0 : index
    %get3A_22 = vector.load %arg6[%get3A_20, %get3A_21] : memref<512x1024xbf16, #tpu.memory_space<vmem>>, vector<512x1024xbf16>
    %jit3A = arith.constant 0.000000e+00 : bf16
    %broadcast_in_dim3A = vector.shape_cast %and3A : vector<512x1xi1> to vector<512x1xi1>
    %broadcast_in_dim3A_23 = vector.broadcast %broadcast_in_dim3A : vector<512x1xi1> to vector<512x1024xi1>
    %broadcast_in_dim3A_24 = vector.broadcast %jit3A : bf16 to vector<512x1024xbf16>
    %select_n3A = arith.select %broadcast_in_dim3A_23, %get3A_22, %broadcast_in_dim3A_24 : vector<512x1024xi1>, vector<512x1024xbf16>
    %get3A_25 = arith.constant 0 : index
    %get3A_26 = arith.constant 0 : index
    %get3A_27 = vector.load %arg5[%get3A_25, %get3A_26] : memref<1024x1024xbf16, #tpu.memory_space<vmem>>, vector<1024x1024xbf16>
    %dot_general3A = arith.constant dense<0.000000e+00> : vector<512x1024xf32>
    %dot_general3A_28 = tpu.matmul %select_n3A, %get3A_27, %dot_general3A {dimension_numbers = #tpu.dot_dimension_numbers<[1], [1], [0], [0], [0, 0, 1, 0], [], []>, transpose_lhs_hint = false} : vector<512x1024xbf16>, vector<1024x1024xbf16>, vector<512x1024xf32> -> vector<512x1024xf32>
    %get3A_29 = arith.constant 4 : index
    %get3A_30 = arith.index_cast %arg0 : i32 to index
    %get3A_31 = memref.load %arg1[%get3A_29, %get3A_30] : memref<8x128xi32, #tpu.memory_space<smem>>
    %eq3A_32 = arith.constant 1 : i32
    %eq3A_33 = arith.cmpi eq, %get3A_31, %eq3A_32 : i32
    %convert_element_type3A_34 = arith.extui %eq3A_33 : i1 to i32
    %cond3A_35 = arith.constant 0 : i32
    %cond3A_36 = arith.cmpi ne, %convert_element_type3A_34, %cond3A_35 : i32
    scf.if %cond3A_36 {
      %swap3A = arith.constant 0 : index
      %swap3A_45 = arith.constant 0 : index
      %swap3A_46 = vector.load %arg4[%swap3A, %swap3A_45] : memref<512x1024xf32, #tpu.memory_space<vmem>>, vector<512x1024xf32>
      tpu.vector_store %arg4[%swap3A, %swap3A_45], %dot_general3A_28 {strides = array<i32>} : memref<512x1024xf32, #tpu.memory_space<vmem>>, vector<512x1024xf32>,
    } else {
    }
    %get3A_37 = arith.constant 4 : index
    %get3A_38 = arith.index_cast %arg0 : i32 to index
    %get3A_39 = memref.load %arg1[%get3A_37, %get3A_38] : memref<8x128xi32, #tpu.memory_space<smem>>
    %eq3A_40 = arith.constant 0 : i32
    %eq3A_41 = arith.cmpi eq, %get3A_39, %eq3A_40 : i32
    %convert_element_type3A_42 = arith.extui %eq3A_41 : i1 to i32
    %cond3A_43 = arith.constant 0 : i32
    %cond3A_44 = arith.cmpi ne, %convert_element_type3A_42, %cond3A_43 : i32
    scf.if %cond3A_44 {
      %get3A_45 = arith.constant 0 : index
      %get3A_46 = arith.constant 0 : index
      %get3A_47 = vector.load %arg4[%get3A_45, %get3A_46] : memref<512x1024xf32, #tpu.memory_space<vmem>>, vector<512x1024xf32>
      %add3A = arith.addf %get3A_47, %dot_general3A_28 : vector<512x1024xf32>
      %swap3A = arith.constant 0 : index
      %swap3A_48 = arith.constant 0 : index
      %swap3A_49 = vector.load %arg4[%swap3A, %swap3A_48] : memref<512x1024xf32, #tpu.memory_space<vmem>>, vector<512x1024xf32>
      tpu.vector_store %arg4[%swap3A, %swap3A_48], %add3A {strides = array<i32>} : memref<512x1024xf32, #tpu.memory_space<vmem>>, vector<512x1024xf32>,
    } else {
    }
    return
  }
  func.func @transform_0(%arg0: i32, %arg1: memref<8x128xi32, #tpu.memory_space<smem>>) -> (i32, i32) {
    %get3A = arith.constant 0 : index
    %get3A_0 = arith.index_cast %arg0 : i32 to index
    %get3A_1 = memref.load %arg1[%get3A, %get3A_0] : memref<8x128xi32, #tpu.memory_space<smem>>
    %c0_i32 = arith.constant 0 : i32
    %c0_i32_2 = arith.constant 0 : i32
    return %get3A_1, %c0_i32 : i32, i32
  }
  func.func @transform_1(%arg0: i32, %arg1: memref<8x128xi32, #tpu.memory_space<smem>>) -> (i32, i32, i32) {
    %get3A = arith.constant 1 : index
    %get3A_0 = arith.index_cast %arg0 : i32 to index
    %get3A_1 = memref.load %arg1[%get3A, %get3A_0] : memref<8x128xi32, #tpu.memory_space<smem>>
    %c0_i32 = arith.constant 0 : i32
    %c0_i32_2 = arith.constant 0 : i32
    %c0_i32_3 = arith.constant 0 : i32
    return %get3A_1, %c0_i32, %c0_i32_2 : i32, i32, i32
  }
  func.func @transform_2(%arg0: i32, %arg1: memref<8x128xi32, #tpu.memory_space<smem>>) -> (i32, i32) {
    %get3A = arith.constant 0 : index
    %get3A_0 = arith.index_cast %arg0 : i32 to index
    %get3A_1 = memref.load %arg1[%get3A, %get3A_0] : memref<8x128xi32, #tpu.memory_space<smem>>
    %c0_i32 = arith.constant 0 : i32
    %c0_i32_2 = arith.constant 0 : i32
    return %get3A_1, %c0_i32 : i32, i32
  }
}

</mosaic_0001>

<sc_bundles>
// kernel: kernel.6.cloned.1.call-start
scs
__scs_entry_jumppad:
0x0: {  	(pc) =	sbr.rel $0x88, $3  }
0x1: {  	(tag) =	ssettag $0x0;
	lr =	simm.s32 $0x1  }
0x2: {  	[smem:$0x3F9E] =	sst lr;
	_ =	strace $0xD0000000  }
0x3: {  	_ = 	snop  }
0x4: {  	_ = 	snop  }
0x5: {  	_ = 	snop  }
0x6: {  	_ = 	snop  }
0x7: {  	_ = 	snop  }
__scs_overlays_trampoline_lowered:
0x8: {  	[smem:$0x3FAD] =	sst s0  }
0x9: {  	[smem:$0x3FAE] =	sst s1  }
0xa: {  	[smem:$0x3FAF] =	sst s2  }
0xb: {  	[smem:$0x3FB0] =	sst s3  }
0xc: {  	[smem:$0x3FB1] =	sst s4  }
0xd: {  	[smem:$0x3FB2] =	sst s5  }
0xe: {  	[smem:$0x3FB3] =	sst s6  }
0xf: {  	[smem:$0x3FB4] =	sst s7  }
0x10: {  	[smem:$0x3FB5] =	sst s8  }
0x11: {  	[smem:$0x3FB6] =	sst s9;
	s0 =	simm.s32 @!p0 $0x0  }
0x12: {  	s1 =	sld [smem:$0x3F9C];
	s0 =	simm.s32 @p0 $0x1  }
0x13: {  	[smem:$0x3FB7] =	sst s0;
	s0 =	simm.s32 @!p1 $0x0  }
0x14: {  	s2 =	sld [smem:$0x3F9B];
	s0 =	simm.s32 @p1 $0x1  }
0x15: {  	[smem:$0x3FB8] =	sst s0;
	s0 =	simm.s32 @!p2 $0x0  }
0x16: {  	s3 =	sld [smem:$0x3FDB];
	s0 =	simm.s32 @p2 $0x1  }
0x17: {  	s4 =	simm.s32 $0x1BF5;
	[smem:$0x3FBA] =	sst s0  }
0x18: {  	s0 =	sld [smem:$0x3F9D];
	_ =	swait.ge [sflag:s4], $0x0  }
0x19: {  	s7 =	sld [smem:$0x3F9E]  }
0x1a: {  	s8 =	sadd.s32 $0xFFFFE003, lr  }
0x1b: {  	s9 =	sadd.s32 $0xFFFFFEF7, lr;
	s5 =	simm.s32 $0xFFFFFFFF;
	p2 =	slt.u32 s8, $0xFFFFF086  }
0x1c: {  	p1 =	slt.u32 s9, $0xF7A;
	s5 =	simm.s32 @!p2 $0x0  }
0x1d: {  	s5 =	simm.s32 @p1 $0x1;
	p0 =	seq.s32 s7, s2  }
0x1e: {  	s7 =	smul.u32 @!p0 $0xF7A, s2;
	p2 =	seq.s32 @!p0 s5, $0x0  }
0x1f: {  	s9 =	smul.u32 $0xF7A, s1;
	s8 =	simm.s32 @!p0 $0x1BF5;
	p2 =	por !p2, p0  }
0x20: {  	[sflag:s8] =	ssyncset.s32 @!p0 $0xFFFFF086;
	s6 =	sadd.s32 @!p0 s3, s7;
	s7 =	simm.s32 @!p0 $0x108  }
0x21: {  	s3 =	sadd.s32 s3, s9;
	s6 =	sadd.s32 @!p0 $0x88, s6;
	s7 =	simm.s32 @p2 $0x1082  }
0x22: {  	[simem:s7], [sflag:s8] =	dma.local @!p0 [hbm:s6], $0xF7A  }
0x23: {  	s9 =	sor.u32 $0xD0000000, s2;
	s6 =	simm.s32 $0x108;
	_ =	swait.ge @!p0 [sflag:s8], $0x0  }
0x24: {  	s3 =	sadd.s32 $0x88, s3;
	s6 =	simm.s32 @!p1 $0x1082;
	[sflag:s4] =	ssyncset.s32 $0xFFFFF086  }
0x25: {  	[simem:s6], [sflag:s4] =	dma.local [hbm:s3], $0xF7A  }
0x26: {  	[smem:$0x3F9E] =	sst s1;
	(tag) =	ssettag s2;
	_ =	strace s9  }
0x27: {  	s1 =	sld [smem:$0x3FAE]  }
0x28: {  	s2 =	sld [smem:$0x3FAF]  }
0x29: {  	s4 =	sld [smem:$0x3FB1]  }
0x2a: {  	p0 =	seq.s32 s5, $0x0;
	s5 =	sld [smem:$0x3FB2]  }
0x2b: {  	s6 =	sld [smem:$0x3FB3]  }
0x2c: {  	s7 =	sld [smem:$0x3FB4]  }
0x2d: {  	s3 =	simm.s32 $0x108;
	s8 =	sld [smem:$0x3FB5]  }
0x2e: {  	s3 =	simm.s32 @!p0 $0x1082;
	s9 =	sld [smem:$0x3FB6]  }
0x2f: {  	lr =	sadd.s32 s0, s3;
	s0 =	sld [smem:$0x3FAD]  }
0x30: {  	s3 =	sld [smem:$0x3FB0]  }
0x31: {  	[smem:$0x3FB9] =	sst s10  }
0x32: {  	s10 =	sld [smem:$0x3FB7];
	_ =	sdelay $0x3  }
0x33: {  	p0 =	seq.s32 s10, $0x1;
	s10 =	sld [smem:$0x3FB9];
	_ =	sdelay $0x3  }
0x34: {  	[smem:$0x3FB9] =	sst s10  }
0x35: {  	s10 =	sld [smem:$0x3FB8];
	_ =	sdelay $0x3  }
0x36: {  	p1 =	seq.s32 s10, $0x1;
	s10 =	sld [smem:$0x3FB9];
	_ =	sdelay $0x3  }
0x37: {  	[smem:$0x3FB9] =	sst s10  }
0x38: {  	s10 =	sld [smem:$0x3FBA]  }
0x39: {  	_ = 	snop;
	(pc) =	sbr.ind lr, $3  }
0x3a: {  	_ = 	snop  }
0x3b: {  	_ = 	snop  }
0x3c: {  	p2 =	seq.s32 s10, $0x1;
	s10 =	sld [smem:$0x3FB9]  }
0x3d: {  	_ =	shalt  }
0x3e: {  	_ =	shalt  }
0x3f: {  	_ =	shalt  }
0x40: {  	_ =	shalt  }
0x41: {  	_ =	shalt  }
0x42: {  	_ =	shalt  }
0x43: {  	_ =	shalt  }
0x44: {  	_ =	shalt  }
0x45: {  	_ =	shalt  }
0x46: {  	_ =	shalt  }
0x47: {  	_ =	shalt  }
0x48: {  	_ =	shalt  }
0x49: {  	_ =	shalt  }
0x4a: {  	_ =	shalt  }
0x4b: {  	_ =	shalt  }
0x4c: {  	_ =	shalt  }
0x4d: {  	_ =	shalt  }
0x4e: {  	_ =	shalt  }
0x4f: {  	_ =	shalt  }
0x50: {  	_ =	shalt  }
0x51: {  	_ =	shalt  }
0x52: {  	_ =	shalt  }
0x53: {  	_ =	shalt  }
0x54: {  	_ =	shalt  }
0x55: {  	_ =	shalt  }
0x56: {  	_ =	shalt  }
0x57: {  	_ =	shalt  }
0x58: {  	_ =	shalt  }
0x59: {  	_ =	shalt  }
0x5a: {  	_ =	shalt  }
0x5b: {  	_ =	shalt  }
0x5c: {  	_ =	shalt  }
0x5d: {  	_ =	shalt  }
0x5e: {  	_ =	shalt  }
0x5f: {  	_ =	shalt  }
0x60: {  	_ =	shalt  }
0x61: {  	_ =	shalt  }
0x62: {  	_ =	shalt  }
0x63: {  	_ =	shalt  }
0x64: {  	_ =	shalt  }
0x65: {  	_ =	shalt  }
0x66: {  	_ =	shalt  }
0x67: {  	_ =	shalt  }
0x68: {  	_ =	shalt  }
0x69: {  	_ =	shalt  }
0x6a: {  	_ =	shalt  }
0x6b: {  	_ =	shalt  }
0x6c: {  	_ =	shalt  }
0x6d: {  	_ =	shalt  }
0x6e: {  	_ =	shalt  }
0x6f: {  	_ =	shalt  }
0x70: {  	_ =	shalt  }
0x71: {  	_ =	shalt  }
0x72: {  	_ =	shalt  }
0x73: {  	_ =	shalt  }
0x74: {  	_ =	shalt  }
0x75: {  	_ =	shalt  }
0x76: {  	_ =	shalt  }
0x77: {  	_ =	shalt  }
0x78: {  	_ =	shalt  }
0x79: {  	_ =	shalt  }
0x7a: {  	_ =	shalt  }
0x7b: {  	_ =	shalt  }
0x7c: {  	_ =	shalt  }
0x7d: {  	_ =	shalt  }
0x7e: {  	_ =	shalt  }
0x7f: {  	_ =	shalt  }
0x80: {  	_ =	shalt  }
0x81: {  	_ =	shalt  }
0x82: {  	_ =	shalt  }
0x83: {  	_ =	shalt  }
0x84: {  	_ =	shalt  }
0x85: {  	_ =	shalt  }
0x86: {  	_ =	shalt  }
0x87: {  	_ =	shalt  }
.Lfunc_end0:
.L_simem_size_0:
called_computation_lowered:
.L_overlay_start_0:
0x88: {  	s2 =	sld [smem:$0x3FD9]  }
0x89: {  	s3 =	sld [smem:$0x3FFE];
	_ =	sdelay $0x1  }
0x8a: {  	s1 =	srdreg.scid  }
0x8b: {  	s0 =	sand.u32 $0x1, s1  }
0x8c: {  	s17 =	sshll.u32 s0, $0xA;
	s2 =	sadd.s32 s3, s2  }
0x8d: {  	s2 =	sadd.s32 s2, s17  }
0x8e: {  	[smem:$0x3FC5] =	sst s2  }
0x8f: {  	_ = 	snop  }
0x90: {  	s2 =	sld [smem:$0x3FC9]  }
0x91: {  	s18 =	sld [smem:$0x3FD0];
	(tm) =	ssettm $0x1  }
0x92: {  	s4 =	sld [smem:$0x3FFB];
	_ =	sdelay $0x3  }
0x93: {  	_ =	strace s4  }
0x94: {  	s4 =	sld [smem:$0x3FFC];
	_ =	sdelay $0x3  }
0x95: {  	_ =	strace s4  }
0x96: {  	s4 =	sld [smem:$0x3FFD];
	_ =	sdelay $0x3  }
0x97: {  	_ =	strace s4  }
0x98: {  	_ =	strace $0x8FFFFFFF  }
0x99: {  	s19 =	sld [smem:$0x3FDB];
	_ =	sdelay $0x1  }
0x9a: {  	s5 =	simm.s32 $_scs_section_size  }
0x9b: {  	s6 =	simm.s32 $_size__tile_overlayer_lowered;
	s7 =	simm.s32 $_tile_overlayer_lowered  }
0x9c: {  	s22 =	simm.s32 $0x1BFF;
	s21 =	sshll.u32 s7, $0x1;
	s4 =	sadd.s32 s5, s19  }
0x9d: {  	s8 =	simm.s32 $0x0;
	s20 =	sshll.u32 s6, $0x1;
	s6 =	sadd.s32 s21, s4  }
0x9e: {  	[timem:s8], [sflag:s22] =	dma.local [hbm:s6], s20  }
0x9f: {  	_ =	swait.ge [sflag:s22], s20  }
0xa0: {  	s5 =	ssub.s32 $0x0, s20;
	[sflag:s22] =	ssyncset.done $0x0  }
0xa1: {  	[sflag:s22] =	ssyncadd.s32 s5;
	_ =	sdelay $0x1  }
0xa2: {  	s23 =	simm.s32 $0x1B8B  }
0xa3: {  	_ =	swait.ge [sflag:s23], $0x1  }
0xa4: {  	[sflag:s23] =	ssyncset.done $0x0  }
0xa5: {  	s25 =	simm.s32 $0x1B8E;
	s24 =	sld [smem:$0x3FFE];
	[sflag:s23] =	ssyncadd.s32 $0xFFFFFFFF  }
0xa6: {  	s26 =	simm.s32 $execute0_lowered;
	[smem:$0x3FD2] =	sst s25  }
0xa7: {  	s6 =	sshll.u32 s26, $0x1;
	_ =	strace $0x80000046;
	[dreg:$0x1] =	wrdreg $0xFFFFFFFF  }
0xa8: {  	s28 =	simm.s32 $_size_execute0_lowered;
	s4 =	sadd.s32 s4, s6;
	[dreg:$0x0] =	wrdreg $0x0  }
0xa9: {  	s6 =	sshll.u32 s28, $0x1;
	[dreg:$0x2] =	wrdreg s4  }
0xaa: {  	[dreg:$0x3] =	wrdreg s6  }
0xab: {  	[dreg:$0x4] =	wrdreg $0xC0  }
0xac: {  	_ =	task [dreg:s8], $0x5FFFF  }
0xad: {  	[dreg:$0x1] =	wrdreg $0xFFFFFFFF  }
0xae: {  	[dreg:$0x0] =	wrdreg $0x60  }
0xaf: {  	[dreg:$0x2] =	wrdreg s2  }
0xb0: {  	[dreg:$0x3] =	wrdreg s24  }
0xb1: {  	[dreg:$0x4] =	wrdreg s18  }
0xb2: {  	[dreg:$0x5] =	wrdreg $0x9  }
0xb3: {  	_ =	task.clear_ibuf [dreg:s8], $0x6FFFF;
	_ =	strace $0x90000046  }
0xb4: {  	s29 =	simm.s32 $0x9;
	_ =	strace $0x80000048  }
0xb5: {  	_ =	swait.ge [sflag:s29], $0x1  }
0xb6: {  	[sflag:s29] =	ssyncadd.s32 $0xFFFFFFFF  }
0xb7: {  	_ =	strace $0x90000048  }
0xb8: {  	_ =	sfence  }
0xb9: {  	s30 =	sld [smem:$0x0];
	_ =	sdelay $0x2  }
0xba: {  	s31 =	sshll.u32 s1, $0xD;
	s1 =	sshrl.u32 s1, $0x2  }
0xbb: {  	s3 =	sand.u32 $0x4000, s31;
	s1 =	sadd.s32 s1, s30  }
0xbc: {  	s0 =	sor.u32 s3, s0;
	s1 =	sshll.u32 s1, $0x11  }
0xbd: {  	s0 =	sor.u32 s1, s0  }
0xbe: {  	s0 =	sadd.s32 $0x8F2B, s0  }
0xbf: {  	[sflag:s0] =	ssyncadd.remote.s32 $0x1  }
0xc0: {  	_ =	sfence.sel $0xFFFF  }
0xc1: {  	[dreg:$0x0] =	wrdreg $0xFFFFFFFF;
	(pc) =	sbr.abs _section_cstart, $3  }
0xc2: {  	[dreg:$0x1] =	wrdreg $0xFFFFFFFF  }
0xc3: {  	_ =	task.clear_ibuf [dreg:s8], $0x2FFFF;
	_ =	strace $0x9FFFFFFF  }
0xc4: {  	(tm) =	ssettm $0x7FFFFFFF  }
0xc5: {  	_ =	shalt  }
tec
execute0_lowered:
.L_overlay_start_1:
0x0: {  	(tag) =	ssettag $0x1  }
0x1: {  	s4 =	rddreg [dreg:$0x0]  }
0x2: {  	s1 =	srdreg.scid;
	s5 =	rddreg [dreg:$0x1]  }
0x3: {  	s0 =	stileid.u32;
	s2 =	rddreg [dreg:$0x2];
	s17 =	simm.s32 $0x880  }
0x4: {  	s18 =	simm.s32 $0x1080;
	s19 =	simm.s32 $0x1880;
	s21 =	simm.s32 $0x2080  }
0x5: {  	s22 =	simm.s32 $0x2880;
	s23 =	simm.s32 $0x3080;
	s24 =	simm.s32 $0x3880  }
0x6: {  	s8 =	simm.s32 $0x4080;
	s25 =	simm.s32 $0x4880;
	s1 =	sand.u32 $0x1, s1  }
0x7: {  	s26 =	simm.s32 $0x5080;
	s3 =	sshll.u32 s0, $0x7;
	s6 =	sshll.u32 s1, $0x6  }
0x8: {  	s9 =	simm.s32 $0x80;
	s6 =	sor.u32 s6, s3;
	s3 =	simm.s32 $0x0  }
0x9: {  	s11 =	simm.s32 $0x6080;
	s12 =	simm.s32 $0x6880;
	[smem:$0x7FF] =	sst s3  }
0xa: {  	s13 =	simm.s32 $0x7080;
	_ =	strace $0x80000047;
	[dreg:$0x6] =	wrdreg s17  }
0xb: {  	s14 =	simm.s32 $0x7880;
	s15 =	simm.s32 $0x8080;
	[dreg:$0x7] =	wrdreg s18  }
0xc: {  	s16 =	simm.s32 $0x8880;
	s28 =	simm.s32 $0xE080;
	[dreg:$0x8] =	wrdreg s19  }
0xd: {  	s29 =	simm.s32 $0xE880;
	s30 =	simm.s32 $0xF080;
	[dreg:$0x9] =	wrdreg s21  }
0xe: {  	s31 =	simm.s32 $0xF880;
	s1 =	ssub.s32 $0x2, s1;
	[dreg:$0xa] =	wrdreg s22  }
0xf: {  	s20 =	sshrl.u32 s1, $0x1;
	s7 =	sshrl.u32 s6, $0x3;
	[dreg:$0xb] =	wrdreg s23  }
0x10: {  	s6 =	sshll.u32 s6, $0x7;
	s1 =	ssub.s32 s1, s20;
	[dreg:$0xc] =	wrdreg s24  }
0x11: {  	s20 =	simm.s32 $0xA880;
	s5 =	sadd.s32 s7, s5;
	[dreg:$0xd] =	wrdreg s8  }
0x12: {  	s4 =	sadd.s32 s4, s6;
	s6 =	sadd.s32 $0x300, s2;
	[dreg:$0xe] =	wrdreg s25  }
0x13: {  	s7 =	smax.u32 s1, $0x1;
	s8 =	simm.s32 $0x2;
	[dreg:$0xf] =	wrdreg s26  }
0x14: {  	s17 =	simm.s32 $0x9080;
	s18 =	simm.s32 $0x9880;
	s19 =	simm.s32 $0xA080  }
0x15: {  	s21 =	simm.s32 $0xB080;
	s22 =	simm.s32 $0xB880;
	s23 =	simm.s32 $0xC080  }
0x16: {  	v2 =	vlaneseq.u32;
	s24 =	simm.s32 $0xC880;
	s25 =	simm.s32 $0xD080;
	s26 =	simm.s32 $0xD880  }
0x17: {  	vm0 =	vmmov $0xffff;
	v1 =	vshrl.u32 v2, $0x3;
	s1 =	simm.s32 $0x1;
	s5 =	sadd.s32 $0x1200, s5;
	[dreg:$0x5] =	wrdreg s4  }
0x18: {  	v0 =	vand.u32 $0x7, v2;
	v2 =	vor.u32 $0x8, v2;
	v1 =	vmul.u32 $0x8, v1;
	s4 =	sadd.s32 $0x100, s2;
	[dreg:$0x4] =	wrdreg s5;
	s5 =	sadd.s32 $0x200, s2  }
.LBB2_1:
0x19: {  	s0 =	rddreg [dreg:$0x4]  }
0x1a: {  	[tilespmem:s3], [sflag:$0x2] =	stream.linear.gather [hbm4b:s0+s3], $0x40, $0x38;
	[tilespmem:$0x10080] =	vst v63  }
0x1b: {  	_ =	swait.ge [sflag:s8], $0x40  }
0x1c: {  	[sflag:s8] =	ssyncset.done $0x0  }
0x1d: {  	s10 =	rddreg [dreg:$0x5];
	[sflag:s8] =	ssyncadd.s32 $0xFFFFFFC0  }
0x1e: {  	[tilespmem:s9], [sflag:$0x2] =	stream.linear.gather [hbm4b:s10+s3], $0x10000, $0x38;
	[tilespmem:$0x10080] =	vst v63  }
0x1f: {  	_ =	swait.ge [sflag:s8], $0x10000  }
0x20: {  	[sflag:s8] =	ssyncset.done $0x0  }
0x21: {  	[sflag:s8] =	ssyncadd.s32 $0xFFFF0000  }
0x22: {  	v3 =	vld [tilespmem:$0x0];
	_ =	sdelay $0x4  }
0x23: {  	v4 =	vshll.u32 v3, $0x3  }
0x24: {  	v3 =	vand.u32 $0x7, v3;
	v4 =	vand.u32 $0xFFFFFFC0, v4  }
0x25: {  	v3 =	vor.u32 v3, v4  }
0x26: {  	v4 =	vperm.xlane v3, v0;
	_ =	sdelay $0x1  }
0x27: {  	v4 =	vadd.s32 v1, v4;
	_ =	sdelay $0x4  }
0x28: {  	[hbm4b:s2+s3] =	stream.indirect_vreg.scatter [tilespmem:s9], [sflag:$0x1], $0x80, v4, vm0, $0xb8;
	[tilespmem:$0x10080] =	vst v63  }
0x29: {  	s0 =	rddreg [dreg:$0x6];
	v3 =	vperm.xlane v3, v2  }
0x2a: {  	[hbm4b:s4+s3] =	stream.indirect_vreg.scatter [tilespmem:s0], [sflag:$0x1], $0x80, v4, vm0, $0xb8;
	[tilespmem:$0x10080] =	vst v63  }
0x2b: {  	s10 =	rddreg [dreg:$0x7];
	v3 =	vadd.s32 v1, v3  }
0x2c: {  	[hbm4b:s5+s3] =	stream.indirect_vreg.scatter [tilespmem:s10], [sflag:$0x1], $0x80, v4, vm0, $0xb8;
	[tilespmem:$0x10080] =	vst v63  }
0x2d: {  	s0 =	rddreg [dreg:$0x8]  }
0x2e: {  	[hbm4b:s6+s3] =	stream.indirect_vreg.scatter [tilespmem:s0], [sflag:$0x1], $0x80, v4, vm0, $0xb8;
	[tilespmem:$0x10080] =	vst v63  }
0x2f: {  	s10 =	rddreg [dreg:$0x9]  }
0x30: {  	[hbm4b:s2+s3] =	stream.indirect_vreg.scatter [tilespmem:s10], [sflag:$0x1], $0x80, v3, vm0, $0xb8;
	[tilespmem:$0x10080] =	vst v63  }
0x31: {  	s0 =	rddreg [dreg:$0xa]  }
0x32: {  	[hbm4b:s4+s3] =	stream.indirect_vreg.scatter [tilespmem:s0], [sflag:$0x1], $0x80, v3, vm0, $0xb8;
	[tilespmem:$0x10080] =	vst v63  }
0x33: {  	s10 =	rddreg [dreg:$0xb]  }
0x34: {  	[hbm4b:s5+s3] =	stream.indirect_vreg.scatter [tilespmem:s10], [sflag:$0x1], $0x80, v3, vm0, $0xb8;
	[tilespmem:$0x10080] =	vst v63  }
0x35: {  	s0 =	rddreg [dreg:$0xc]  }
0x36: {  	[hbm4b:s6+s3] =	stream.indirect_vreg.scatter [tilespmem:s0], [sflag:$0x1], $0x80, v3, vm0, $0xb8;
	[tilespmem:$0x10080] =	vst v63  }
0x37: {  	v3 =	vld [tilespmem:$0x10];
	_ =	sdelay $0x4  }
0x38: {  	v61 =	vshll.u32 v3, $0x3  }
0x39: {  	v3 =	vand.u32 $0x7, v3;
	v4 =	vand.u32 $0xFFFFFFC0, v61  }
0x3a: {  	v3 =	vor.u32 v3, v4  }
0x3b: {  	v4 =	vperm.xlane v3, v0;
	_ =	sdelay $0x1  }
0x3c: {  	v4 =	vadd.s32 v1, v4;
	_ =	sdelay $0x3  }
0x3d: {  	s0 =	rddreg [dreg:$0xd]  }
0x3e: {  	[hbm4b:s2+s3] =	stream.indirect_vreg.scatter [tilespmem:s0], [sflag:$0x1], $0x80, v4, vm0, $0xb8;
	[tilespmem:$0x10080] =	vst v63  }
0x3f: {  	s10 =	rddreg [dreg:$0xe];
	v3 =	vperm.xlane v3, v2  }
0x40: {  	[hbm4b:s4+s3] =	stream.indirect_vreg.scatter [tilespmem:s10], [sflag:$0x1], $0x80, v4, vm0, $0xb8;
	[tilespmem:$0x10080] =	vst v63  }
0x41: {  	v3 =	vadd.s32 v1, v3;
	s0 =	rddreg [dreg:$0xf]  }
0x42: {  	[hbm4b:s5+s3] =	stream.indirect_vreg.scatter [tilespmem:s0], [sflag:$0x1], $0x80, v4, vm0, $0xb8;
	[tilespmem:$0x10080] =	vst v63  }
0x43: {  	s10 =	simm.s32 $0x5880  }
0x44: {  	[hbm4b:s6+s3] =	stream.indirect_vreg.scatter [tilespmem:s10], [sflag:$0x1], $0x80, v4, vm0, $0xb8;
	[tilespmem:$0x10080] =	vst v63  }
0x45: {  	_ = 	snop  }
0x46: {  	[hbm4b:s2+s3] =	stream.indirect_vreg.scatter [tilespmem:s11], [sflag:$0x1], $0x80, v3, vm0, $0xb8;
	[tilespmem:$0x10080] =	vst v63  }
0x47: {  	_ = 	snop  }
0x48: {  	[hbm4b:s4+s3] =	stream.indirect_vreg.scatter [tilespmem:s12], [sflag:$0x1], $0x80, v3, vm0, $0xb8;
	[tilespmem:$0x10080] =	vst v63  }
0x49: {  	_ = 	snop  }
0x4a: {  	[hbm4b:s5+s3] =	stream.indirect_vreg.scatter [tilespmem:s13], [sflag:$0x1], $0x80, v3, vm0, $0xb8;
	[tilespmem:$0x10080] =	vst v63  }
0x4b: {  	_ = 	snop  }
0x4c: {  	[hbm4b:s6+s3] =	stream.indirect_vreg.scatter [tilespmem:s14], [sflag:$0x1], $0x80, v3, vm0, $0xb8;
	[tilespmem:$0x10080] =	vst v63  }
0x4d: {  	v3 =	vld [tilespmem:$0x20];
	_ =	sdelay $0x4  }
0x4e: {  	v62 =	vshll.u32 v3, $0x3  }
0x4f: {  	v3 =	vand.u32 $0x7, v3;
	v4 =	vand.u32 $0xFFFFFFC0, v62  }
0x50: {  	v3 =	vor.u32 v3, v4  }
0x51: {  	v4 =	vperm.xlane v3, v0;
	_ =	sdelay $0x1  }
0x52: {  	v4 =	vadd.s32 v1, v4;
	_ =	sdelay $0x4  }
0x53: {  	[hbm4b:s2+s3] =	stream.indirect_vreg.scatter [tilespmem:s15], [sflag:$0x1], $0x80, v4, vm0, $0xb8;
	[tilespmem:$0x10080] =	vst v63  }
0x54: {  	v3 =	vperm.xlane v3, v2  }
0x55: {  	[hbm4b:s4+s3] =	stream.indirect_vreg.scatter [tilespmem:s16], [sflag:$0x1], $0x80, v4, vm0, $0xb8;
	[tilespmem:$0x10080] =	vst v63  }
0x56: {  	v3 =	vadd.s32 v1, v3  }
0x57: {  	[hbm4b:s5+s3] =	stream.indirect_vreg.scatter [tilespmem:s17], [sflag:$0x1], $0x80, v4, vm0, $0xb8;
	[tilespmem:$0x10080] =	vst v63  }
0x58: {  	_ = 	snop  }
0x59: {  	[hbm4b:s6+s3] =	stream.indirect_vreg.scatter [tilespmem:s18], [sflag:$0x1], $0x80, v4, vm0, $0xb8;
	[tilespmem:$0x10080] =	vst v63  }
0x5a: {  	_ = 	snop  }
0x5b: {  	[hbm4b:s2+s3] =	stream.indirect_vreg.scatter [tilespmem:s19], [sflag:$0x1], $0x80, v3, vm0, $0xb8;
	[tilespmem:$0x10080] =	vst v63  }
0x5c: {  	_ = 	snop  }
0x5d: {  	[hbm4b:s4+s3] =	stream.indirect_vreg.scatter [tilespmem:s20], [sflag:$0x1], $0x80, v3, vm0, $0xb8;
	[tilespmem:$0x10080] =	vst v63  }
0x5e: {  	_ = 	snop  }
0x5f: {  	[hbm4b:s5+s3] =	stream.indirect_vreg.scatter [tilespmem:s21], [sflag:$0x1], $0x80, v3, vm0, $0xb8;
	[tilespmem:$0x10080] =	vst v63  }
0x60: {  	_ = 	snop  }
0x61: {  	[hbm4b:s6+s3] =	stream.indirect_vreg.scatter [tilespmem:s22], [sflag:$0x1], $0x80, v3, vm0, $0xb8;
	[tilespmem:$0x10080] =	vst v63  }
0x62: {  	v3 =	vld [tilespmem:$0x30];
	_ =	sdelay $0x4  }
0x63: {  	v63 =	vshll.u32 v3, $0x3  }
0x64: {  	v3 =	vand.u32 $0x7, v3;
	v4 =	vand.u32 $0xFFFFFFC0, v63  }
0x65: {  	v3 =	vor.u32 v3, v4  }
0x66: {  	v4 =	vperm.xlane v3, v0;
	_ =	sdelay $0x1  }
0x67: {  	v4 =	vadd.s32 v1, v4;
	_ =	sdelay $0x4  }
0x68: {  	[hbm4b:s2+s3] =	stream.indirect_vreg.scatter [tilespmem:s23], [sflag:$0x1], $0x80, v4, vm0, $0xb8;
	[tilespmem:$0x10080] =	vst v63  }
0x69: {  	v3 =	vperm.xlane v3, v2  }
0x6a: {  	[hbm4b:s4+s3] =	stream.indirect_vreg.scatter [tilespmem:s24], [sflag:$0x1], $0x80, v4, vm0, $0xb8;
	[tilespmem:$0x10080] =	vst v63  }
0x6b: {  	v3 =	vadd.s32 v1, v3  }
0x6c: {  	[hbm4b:s5+s3] =	stream.indirect_vreg.scatter [tilespmem:s25], [sflag:$0x1], $0x80, v4, vm0, $0xb8;
	[tilespmem:$0x10080] =	vst v63  }
0x6d: {  	_ = 	snop  }
0x6e: {  	[hbm4b:s6+s3] =	stream.indirect_vreg.scatter [tilespmem:s26], [sflag:$0x1], $0x80, v4, vm0, $0xb8;
	[tilespmem:$0x10080] =	vst v63  }
0x6f: {  	_ = 	snop  }
0x70: {  	[hbm4b:s2+s3] =	stream.indirect_vreg.scatter [tilespmem:s28], [sflag:$0x1], $0x80, v3, vm0, $0xb8;
	[tilespmem:$0x10080] =	vst v63  }
0x71: {  	_ = 	snop  }
0x72: {  	[hbm4b:s4+s3] =	stream.indirect_vreg.scatter [tilespmem:s29], [sflag:$0x1], $0x80, v3, vm0, $0xb8;
	[tilespmem:$0x10080] =	vst v63  }
0x73: {  	p0 =	sne.s32 s7, $0x1  }
0x74: {  	[hbm4b:s5+s3] =	stream.indirect_vreg.scatter [tilespmem:s30], [sflag:$0x1], $0x80, v3, vm0, $0xb8;
	[tilespmem:$0x10080] =	vst v63  }
.Ltmp0:
0x75: {  	_ = 	snop;
	(pc) =	sbr.rel @p0 .LBB2_1-.Ltmp0, $4  }
0x76: {  	[hbm4b:s6+s3] =	stream.indirect_vreg.scatter [tilespmem:s31], [sflag:$0x1], $0x80, v3, vm0, $0xb8;
	[tilespmem:$0x10080] =	vst v63  }
0x77: {  	_ =	swait.ge [sflag:s1], $0x10000  }
0x78: {  	[sflag:s1] =	ssyncset.done $0x0  }
0x79: {  	s7 =	sadd.s32 $0xFFFFFFFF, s7;
	[sflag:s1] =	ssyncadd.s32 $0xFFFF0000  }
0x7a: {  	_ =	sfence.sel $0x180000  }
0x7b: {  	[bflag:$0x0] =	sbarrier.arrive $0xFFFF  }
0x7c: {  	_ =	strace $0x90000047  }
0x7d: {  	s0 =	stileid.u32;
	[bflag:$0x2] =	sbarrier.arrive $0xFFFF  }
0x7e: {  	p0 =	sne.s32 s0, $0x0;
	s0 =	rddreg [dreg:$0x3]  }
0x7f: {  	s0 =	sadd.s32 @!p0 $0x100000, s0  }
0x80: {  	[sflag:s0] =	ssyncadd.tile.s32 @!p0 $0x1;
	_ =	shalt  }
.Lfunc_end2:
_tile_overlayer_lowered:
.L_overlay_start_2:
0x81: {  	(tag) =	ssettag $0x2  }
0x82: {  	s0 =	rddreg [dreg:$0x0];
	s2 =	stileid.u32  }
0x83: {  	s1 =	rddreg [dreg:$0x1];
	p0 =	sne.s32 s2, $0x0  }
0x84: {  	s3 =	rddreg [dreg:$0x2];
	[bflag:$0x3] =	sbarrier.arrive $0xFFFF;
	s2 =	simm.s32 @!p0 $0x1C02  }
0x85: {  	[timem:s3], [sflag:s2] =	dma.local @!p0 [hbm:s0], s1  }
0x86: {  	s0 =	simm.s32 @!p0 $0x2  }
0x87: {  	_ =	swait.ge @!p0 [sflag:s0], s1  }
0x88: {  	s1 =	ssub.s32 @!p0 $0x0, s1;
	[sflag:s0] =	ssyncset.done @!p0 $0x0  }
0x89: {  	[sflag:s0] =	ssyncadd.s32 @!p0 s1  }
0x8a: {  	[bflag:$0x3] =	sbarrier.arrive $0xFFFF  }
0x8b: {  	_ =	shalt  }

// kernel: kernel.9.cloned.1.call-start
scs
__scs_entry_jumppad:
0x0: {  	(pc) =	sbr.rel $0x88, $3  }
0x1: {  	(tag) =	ssettag $0x0;
	lr =	simm.s32 $0x1  }
0x2: {  	[smem:$0x3F9E] =	sst lr;
	_ =	strace $0xD0000000  }
0x3: {  	_ = 	snop  }
0x4: {  	_ = 	snop  }
0x5: {  	_ = 	snop  }
0x6: {  	_ = 	snop  }
0x7: {  	_ = 	snop  }
__scs_overlays_trampoline_lowered:
0x8: {  	[smem:$0x3FAD] =	sst s0  }
0x9: {  	[smem:$0x3FAE] =	sst s1  }
0xa: {  	[smem:$0x3FAF] =	sst s2  }
0xb: {  	[smem:$0x3FB0] =	sst s3  }
0xc: {  	[smem:$0x3FB1] =	sst s4  }
0xd: {  	[smem:$0x3FB2] =	sst s5  }
0xe: {  	[smem:$0x3FB3] =	sst s6  }
0xf: {  	[smem:$0x3FB4] =	sst s7  }
0x10: {  	[smem:$0x3FB5] =	sst s8  }
0x11: {  	[smem:$0x3FB6] =	sst s9;
	s0 =	simm.s32 @!p0 $0x0  }
0x12: {  	s1 =	sld [smem:$0x3F9C];
	s0 =	simm.s32 @p0 $0x1  }
0x13: {  	[smem:$0x3FB7] =	sst s0;
	s0 =	simm.s32 @!p1 $0x0  }
0x14: {  	s2 =	sld [smem:$0x3F9B];
	s0 =	simm.s32 @p1 $0x1  }
0x15: {  	[smem:$0x3FB8] =	sst s0;
	s0 =	simm.s32 @!p2 $0x0  }
0x16: {  	s3 =	sld [smem:$0x3FDB];
	s0 =	simm.s32 @p2 $0x1  }
0x17: {  	s4 =	simm.s32 $0x1BF5;
	[smem:$0x3FBA] =	sst s0  }
0x18: {  	s0 =	sld [smem:$0x3F9D];
	_ =	swait.ge [sflag:s4], $0x0  }
0x19: {  	s7 =	sld [smem:$0x3F9E]  }
0x1a: {  	s8 =	sadd.s32 $0xFFFFE003, lr  }
0x1b: {  	s9 =	sadd.s32 $0xFFFFFEF7, lr;
	s5 =	simm.s32 $0xFFFFFFFF;
	p2 =	slt.u32 s8, $0xFFFFF086  }
0x1c: {  	p1 =	slt.u32 s9, $0xF7A;
	s5 =	simm.s32 @!p2 $0x0  }
0x1d: {  	s5 =	simm.s32 @p1 $0x1;
	p0 =	seq.s32 s7, s2  }
0x1e: {  	s7 =	smul.u32 @!p0 $0xF7A, s2;
	p2 =	seq.s32 @!p0 s5, $0x0  }
0x1f: {  	s9 =	smul.u32 $0xF7A, s1;
	s8 =	simm.s32 @!p0 $0x1BF5;
	p2 =	por !p2, p0  }
0x20: {  	[sflag:s8] =	ssyncset.s32 @!p0 $0xFFFFF086;
	s6 =	sadd.s32 @!p0 s3, s7;
	s7 =	simm.s32 @!p0 $0x108  }
0x21: {  	s3 =	sadd.s32 s3, s9;
	s6 =	sadd.s32 @!p0 $0x88, s6;
	s7 =	simm.s32 @p2 $0x1082  }
0x22: {  	[simem:s7], [sflag:s8] =	dma.local @!p0 [hbm:s6], $0xF7A  }
0x23: {  	s9 =	sor.u32 $0xD0000000, s2;
	s6 =	simm.s32 $0x108;
	_ =	swait.ge @!p0 [sflag:s8], $0x0  }
0x24: {  	s3 =	sadd.s32 $0x88, s3;
	s6 =	simm.s32 @!p1 $0x1082;
	[sflag:s4] =	ssyncset.s32 $0xFFFFF086  }
0x25: {  	[simem:s6], [sflag:s4] =	dma.local [hbm:s3], $0xF7A  }
0x26: {  	[smem:$0x3F9E] =	sst s1;
	(tag) =	ssettag s2;
	_ =	strace s9  }
0x27: {  	s1 =	sld [smem:$0x3FAE]  }
0x28: {  	s2 =	sld [smem:$0x3FAF]  }
0x29: {  	s4 =	sld [smem:$0x3FB1]  }
0x2a: {  	p0 =	seq.s32 s5, $0x0;
	s5 =	sld [smem:$0x3FB2]  }
0x2b: {  	s6 =	sld [smem:$0x3FB3]  }
0x2c: {  	s7 =	sld [smem:$0x3FB4]  }
0x2d: {  	s3 =	simm.s32 $0x108;
	s8 =	sld [smem:$0x3FB5]  }
0x2e: {  	s3 =	simm.s32 @!p0 $0x1082;
	s9 =	sld [smem:$0x3FB6]  }
0x2f: {  	lr =	sadd.s32 s0, s3;
	s0 =	sld [smem:$0x3FAD]  }
0x30: {  	s3 =	sld [smem:$0x3FB0]  }
0x31: {  	[smem:$0x3FB9] =	sst s10  }
0x32: {  	s10 =	sld [smem:$0x3FB7];
	_ =	sdelay $0x3  }
0x33: {  	p0 =	seq.s32 s10, $0x1;
	s10 =	sld [smem:$0x3FB9];
	_ =	sdelay $0x3  }
0x34: {  	[smem:$0x3FB9] =	sst s10  }
0x35: {  	s10 =	sld [smem:$0x3FB8];
	_ =	sdelay $0x3  }
0x36: {  	p1 =	seq.s32 s10, $0x1;
	s10 =	sld [smem:$0x3FB9];
	_ =	sdelay $0x3  }
0x37: {  	[smem:$0x3FB9] =	sst s10  }
0x38: {  	s10 =	sld [smem:$0x3FBA]  }
0x39: {  	_ = 	snop;
	(pc) =	sbr.ind lr, $3  }
0x3a: {  	_ = 	snop  }
0x3b: {  	_ = 	snop  }
0x3c: {  	p2 =	seq.s32 s10, $0x1;
	s10 =	sld [smem:$0x3FB9]  }
0x3d: {  	_ =	shalt  }
0x3e: {  	_ =	shalt  }
0x3f: {  	_ =	shalt  }
0x40: {  	_ =	shalt  }
0x41: {  	_ =	shalt  }
0x42: {  	_ =	shalt  }
0x43: {  	_ =	shalt  }
0x44: {  	_ =	shalt  }
0x45: {  	_ =	shalt  }
0x46: {  	_ =	shalt  }
0x47: {  	_ =	shalt  }
0x48: {  	_ =	shalt  }
0x49: {  	_ =	shalt  }
0x4a: {  	_ =	shalt  }
0x4b: {  	_ =	shalt  }
0x4c: {  	_ =	shalt  }
0x4d: {  	_ =	shalt  }
0x4e: {  	_ =	shalt  }
0x4f: {  	_ =	shalt  }
0x50: {  	_ =	shalt  }
0x51: {  	_ =	shalt  }
0x52: {  	_ =	shalt  }
0x53: {  	_ =	shalt  }
0x54: {  	_ =	shalt  }
0x55: {  	_ =	shalt  }
0x56: {  	_ =	shalt  }
0x57: {  	_ =	shalt  }
0x58: {  	_ =	shalt  }
0x59: {  	_ =	shalt  }
0x5a: {  	_ =	shalt  }
0x5b: {  	_ =	shalt  }
0x5c: {  	_ =	shalt  }
0x5d: {  	_ =	shalt  }
0x5e: {  	_ =	shalt  }
0x5f: {  	_ =	shalt  }
0x60: {  	_ =	shalt  }
0x61: {  	_ =	shalt  }
0x62: {  	_ =	shalt  }
0x63: {  	_ =	shalt  }
0x64: {  	_ =	shalt  }
0x65: {  	_ =	shalt  }
0x66: {  	_ =	shalt  }
0x67: {  	_ =	shalt  }
0x68: {  	_ =	shalt  }
0x69: {  	_ =	shalt  }
0x6a: {  	_ =	shalt  }
0x6b: {  	_ =	shalt  }
0x6c: {  	_ =	shalt  }
0x6d: {  	_ =	shalt  }
0x6e: {  	_ =	shalt  }
0x6f: {  	_ =	shalt  }
0x70: {  	_ =	shalt  }
0x71: {  	_ =	shalt  }
0x72: {  	_ =	shalt  }
0x73: {  	_ =	shalt  }
0x74: {  	_ =	shalt  }
0x75: {  	_ =	shalt  }
0x76: {  	_ =	shalt  }
0x77: {  	_ =	shalt  }
0x78: {  	_ =	shalt  }
0x79: {  	_ =	shalt  }
0x7a: {  	_ =	shalt  }
0x7b: {  	_ =	shalt  }
0x7c: {  	_ =	shalt  }
0x7d: {  	_ =	shalt  }
0x7e: {  	_ =	shalt  }
0x7f: {  	_ =	shalt  }
0x80: {  	_ =	shalt  }
0x81: {  	_ =	shalt  }
0x82: {  	_ =	shalt  }
0x83: {  	_ =	shalt  }
0x84: {  	_ =	shalt  }
0x85: {  	_ =	shalt  }
0x86: {  	_ =	shalt  }
0x87: {  	_ =	shalt  }
.Lfunc_end0:
.L_simem_size_0:
called_computation.1_lowered:
.L_overlay_start_0:
0x88: {  	s2 =	sld [smem:$0x3FD9]  }
0x89: {  	s3 =	sld [smem:$0x3FFE];
	_ =	sdelay $0x1  }
0x8a: {  	s1 =	srdreg.scid  }
0x8b: {  	s0 =	sand.u32 $0x1, s1  }
0x8c: {  	s17 =	sshll.u32 s0, $0xA;
	s2 =	sadd.s32 s3, s2  }
0x8d: {  	s2 =	sadd.s32 s2, s17  }
0x8e: {  	[smem:$0x3FC5] =	sst s2  }
0x8f: {  	_ = 	snop  }
0x90: {  	s2 =	sld [smem:$0x3FD0];
	(tm) =	ssettm $0x1  }
0x91: {  	s18 =	sld [smem:$0x3FFB];
	_ =	sdelay $0x3  }
0x92: {  	_ =	strace s18  }
0x93: {  	s3 =	sld [smem:$0x3FFC];
	_ =	sdelay $0x3  }
0x94: {  	_ =	strace s3  }
0x95: {  	s3 =	sld [smem:$0x3FFD];
	_ =	sdelay $0x3  }
0x96: {  	_ =	strace s3  }
0x97: {  	_ =	strace $0x8FFFFFFF  }
0x98: {  	s19 =	sld [smem:$0x3FDB];
	_ =	sdelay $0x1  }
0x99: {  	s4 =	simm.s32 $_scs_section_size  }
0x9a: {  	s5 =	simm.s32 $_size__tile_overlayer_lowered;
	s6 =	simm.s32 $_tile_overlayer_lowered  }
0x9b: {  	s22 =	simm.s32 $0x1BFF;
	s21 =	sshll.u32 s6, $0x1;
	s3 =	sadd.s32 s4, s19  }
0x9c: {  	s7 =	simm.s32 $0x0;
	s20 =	sshll.u32 s5, $0x1;
	s5 =	sadd.s32 s21, s3  }
0x9d: {  	[timem:s7], [sflag:s22] =	dma.local [hbm:s5], s20  }
0x9e: {  	_ =	swait.ge [sflag:s22], s20  }
0x9f: {  	s4 =	ssub.s32 $0x0, s20;
	[sflag:s22] =	ssyncset.done $0x0  }
0xa0: {  	[sflag:s22] =	ssyncadd.s32 s4;
	_ =	sdelay $0x1  }
0xa1: {  	s23 =	simm.s32 $0x1B8B  }
0xa2: {  	_ =	swait.ge [sflag:s23], $0x1  }
0xa3: {  	[sflag:s23] =	ssyncset.done $0x0  }
0xa4: {  	s25 =	simm.s32 $0x1B8E;
	s24 =	sld [smem:$0x3FFE];
	[sflag:s23] =	ssyncadd.s32 $0xFFFFFFFF  }
0xa5: {  	s26 =	simm.s32 $execute0_lowered;
	[smem:$0x3FD2] =	sst s25  }
0xa6: {  	s5 =	sshll.u32 s26, $0x1;
	_ =	strace $0x80000049;
	[dreg:$0x1] =	wrdreg $0xFFFFFFFF  }
0xa7: {  	s28 =	simm.s32 $_size_execute0_lowered;
	s3 =	sadd.s32 s3, s5;
	[dreg:$0x0] =	wrdreg $0x0  }
0xa8: {  	s5 =	sshll.u32 s28, $0x1;
	[dreg:$0x2] =	wrdreg s3  }
0xa9: {  	[dreg:$0x3] =	wrdreg s5  }
0xaa: {  	[dreg:$0x4] =	wrdreg $0xC0  }
0xab: {  	_ =	task [dreg:s7], $0x5FFFF  }
0xac: {  	[dreg:$0x1] =	wrdreg $0xFFFFFFFF  }
0xad: {  	[dreg:$0x0] =	wrdreg $0x60  }
0xae: {  	[dreg:$0x2] =	wrdreg s24  }
0xaf: {  	[dreg:$0x3] =	wrdreg s2  }
0xb0: {  	[dreg:$0x4] =	wrdreg $0x9  }
0xb1: {  	_ =	task.clear_ibuf [dreg:s7], $0x5FFFF;
	_ =	strace $0x90000049  }
0xb2: {  	s29 =	simm.s32 $0x9;
	_ =	strace $0x8000004B  }
0xb3: {  	_ =	swait.ge [sflag:s29], $0x1  }
0xb4: {  	[sflag:s29] =	ssyncadd.s32 $0xFFFFFFFF  }
0xb5: {  	_ =	strace $0x9000004B  }
0xb6: {  	_ =	sfence  }
0xb7: {  	s30 =	sld [smem:$0x0];
	_ =	sdelay $0x2  }
0xb8: {  	s31 =	sshll.u32 s1, $0xD;
	s1 =	sshrl.u32 s1, $0x2  }
0xb9: {  	s3 =	sand.u32 $0x4000, s31;
	s1 =	sadd.s32 s1, s30  }
0xba: {  	s0 =	sor.u32 s3, s0;
	s1 =	sshll.u32 s1, $0x11  }
0xbb: {  	s0 =	sor.u32 s1, s0  }
0xbc: {  	s0 =	sadd.s32 $0x8F2B, s0  }
0xbd: {  	[sflag:s0] =	ssyncadd.remote.s32 $0x1  }
0xbe: {  	_ =	sfence.sel $0xFFFF  }
0xbf: {  	[dreg:$0x0] =	wrdreg $0xFFFFFFFF;
	(pc) =	sbr.abs _section_cstart, $3  }
0xc0: {  	[dreg:$0x1] =	wrdreg $0xFFFFFFFF  }
0xc1: {  	_ =	task.clear_ibuf [dreg:s7], $0x2FFFF;
	_ =	strace $0x9FFFFFFF  }
0xc2: {  	(tm) =	ssettm $0x7FFFFFFF  }
0xc3: {  	_ =	shalt  }
tec
execute0_lowered:
.L_overlay_start_1:
0x0: {  	(tag) =	ssettag $0x1  }
0x1: {  	s1 =	srdreg.scid  }
0x2: {  	s0 =	stileid.u32;
	s6 =	rddreg [dreg:$0x0]  }
0x3: {  	s4 =	rddreg [dreg:$0x1];
	s18 =	simm.s32 $0x880;
	s19 =	simm.s32 $0x1080  }
0x4: {  	s20 =	simm.s32 $0x1880;
	s22 =	simm.s32 $0x2080;
	s23 =	simm.s32 $0x2880  }
0x5: {  	s7 =	simm.s32 $0x3080;
	s24 =	simm.s32 $0x3880;
	s8 =	simm.s32 $0x4080  }
0x6: {  	s25 =	simm.s32 $0x4880;
	s26 =	simm.s32 $0x5080;
	s1 =	sand.u32 $0x1, s1  }
0x7: {  	s9 =	simm.s32 $0x80;
	s2 =	sshll.u32 s0, $0x7;
	s3 =	sshll.u32 s1, $0x6  }
0x8: {  	s11 =	simm.s32 $0x6080;
	s3 =	sor.u32 s3, s2;
	s2 =	simm.s32 $0x0  }
0x9: {  	s12 =	simm.s32 $0x6880;
	s13 =	simm.s32 $0x7080;
	[smem:$0x7FF] =	sst s2  }
0xa: {  	s14 =	simm.s32 $0x7880;
	_ =	strace $0x8000004A;
	[dreg:$0x5] =	wrdreg s18  }
0xb: {  	s15 =	simm.s32 $0x8080;
	s16 =	simm.s32 $0x8880;
	[dreg:$0x6] =	wrdreg s19  }
0xc: {  	s17 =	simm.s32 $0x9080;
	s28 =	simm.s32 $0xE080;
	[dreg:$0x7] =	wrdreg s20  }
0xd: {  	s29 =	simm.s32 $0xE880;
	s30 =	simm.s32 $0xF080;
	[dreg:$0x8] =	wrdreg s22  }
0xe: {  	s31 =	simm.s32 $0xF880;
	s1 =	ssub.s32 $0x2, s1;
	[dreg:$0x9] =	wrdreg s23  }
0xf: {  	s21 =	sshrl.u32 s1, $0x1;
	s5 =	sshrl.u32 s3, $0x3;
	[dreg:$0xa] =	wrdreg s7  }
0x10: {  	s3 =	sshll.u32 s3, $0x7;
	s1 =	ssub.s32 s1, s21;
	[dreg:$0xb] =	wrdreg s24  }
0x11: {  	s21 =	simm.s32 $0xB080;
	s5 =	sadd.s32 s5, s6;
	[dreg:$0xc] =	wrdreg s8  }
0x12: {  	s3 =	sadd.s32 s4, s3;
	s4 =	sadd.s32 $0x1500, s6;
	[dreg:$0xd] =	wrdreg s25  }
0x13: {  	s7 =	smax.u32 s1, $0x1;
	s8 =	simm.s32 $0x2;
	[dreg:$0xe] =	wrdreg s26  }
0x14: {  	s18 =	simm.s32 $0x9880;
	s19 =	simm.s32 $0xA080;
	s20 =	simm.s32 $0xA880  }
0x15: {  	s22 =	simm.s32 $0xB880;
	s23 =	simm.s32 $0xC080;
	s24 =	simm.s32 $0xC880  }
0x16: {  	v2 =	vlaneseq.u32;
	s25 =	simm.s32 $0xD080;
	s26 =	simm.s32 $0xD880;
	s1 =	simm.s32 $0x1  }
0x17: {  	vm0 =	vmmov $0xffff;
	v1 =	vshrl.u32 v2, $0x3;
	s5 =	sadd.s32 $0x1200, s5;
	[dreg:$0x4] =	wrdreg s3;
	s3 =	sadd.s32 $0x1400, s6  }
0x18: {  	v0 =	vand.u32 $0x7, v2;
	v2 =	vor.u32 $0x8, v2;
	v1 =	vmul.u32 $0x8, v1;
	[dreg:$0x3] =	wrdreg s5;
	s5 =	sadd.s32 $0x1600, s6;
	s6 =	sadd.s32 $0x1700, s6  }
.LBB2_1:
0x19: {  	s0 =	rddreg [dreg:$0x3]  }
0x1a: {  	[tilespmem:s2], [sflag:$0x2] =	stream.linear.gather [hbm4b:s0+s2], $0x40, $0x38;
	[tilespmem:$0x10080] =	vst v63  }
0x1b: {  	_ =	swait.ge [sflag:s8], $0x40  }
0x1c: {  	[sflag:s8] =	ssyncset.done $0x0  }
0x1d: {  	[sflag:s8] =	ssyncadd.s32 $0xFFFFFFC0  }
0x1e: {  	v3 =	vld [tilespmem:$0x0];
	_ =	sdelay $0x4  }
0x1f: {  	v4 =	vshll.u32 v3, $0x3  }
0x20: {  	v3 =	vand.u32 $0x7, v3;
	v4 =	vand.u32 $0xFFFFFFC0, v4  }
0x21: {  	v3 =	vor.u32 v3, v4  }
0x22: {  	v4 =	vperm.xlane v3, v0;
	_ =	sdelay $0x1  }
0x23: {  	v4 =	vadd.s32 v1, v4;
	_ =	sdelay $0x4  }
0x24: {  	[tilespmem:s9], [sflag:$0x1] =	stream.indirect_vreg.gather [hbm4b:s3+s2], $0x80, v4, vm0, $0xb8;
	[tilespmem:$0x10080] =	vst v63  }
0x25: {  	s0 =	rddreg [dreg:$0x5];
	v3 =	vperm.xlane v3, v2  }
0x26: {  	[tilespmem:s0], [sflag:$0x1] =	stream.indirect_vreg.gather [hbm4b:s4+s2], $0x80, v4, vm0, $0xb8;
	[tilespmem:$0x10080] =	vst v63  }
0x27: {  	s10 =	rddreg [dreg:$0x6];
	v3 =	vadd.s32 v1, v3  }
0x28: {  	[tilespmem:s10], [sflag:$0x1] =	stream.indirect_vreg.gather [hbm4b:s5+s2], $0x80, v4, vm0, $0xb8;
	[tilespmem:$0x10080] =	vst v63  }
0x29: {  	s0 =	rddreg [dreg:$0x7]  }
0x2a: {  	[tilespmem:s0], [sflag:$0x1] =	stream.indirect_vreg.gather [hbm4b:s6+s2], $0x80, v4, vm0, $0xb8;
	[tilespmem:$0x10080] =	vst v63  }
0x2b: {  	s10 =	rddreg [dreg:$0x8]  }
0x2c: {  	[tilespmem:s10], [sflag:$0x1] =	stream.indirect_vreg.gather [hbm4b:s3+s2], $0x80, v3, vm0, $0xb8;
	[tilespmem:$0x10080] =	vst v63  }
0x2d: {  	s0 =	rddreg [dreg:$0x9]  }
0x2e: {  	[tilespmem:s0], [sflag:$0x1] =	stream.indirect_vreg.gather [hbm4b:s4+s2], $0x80, v3, vm0, $0xb8;
	[tilespmem:$0x10080] =	vst v63  }
0x2f: {  	s10 =	rddreg [dreg:$0xa]  }
0x30: {  	[tilespmem:s10], [sflag:$0x1] =	stream.indirect_vreg.gather [hbm4b:s5+s2], $0x80, v3, vm0, $0xb8;
	[tilespmem:$0x10080] =	vst v63  }
0x31: {  	s0 =	rddreg [dreg:$0xb]  }
0x32: {  	[tilespmem:s0], [sflag:$0x1] =	stream.indirect_vreg.gather [hbm4b:s6+s2], $0x80, v3, vm0, $0xb8;
	[tilespmem:$0x10080] =	vst v63  }
0x33: {  	v3 =	vld [tilespmem:$0x10];
	_ =	sdelay $0x4  }
0x34: {  	v61 =	vshll.u32 v3, $0x3  }
0x35: {  	v3 =	vand.u32 $0x7, v3;
	v4 =	vand.u32 $0xFFFFFFC0, v61  }
0x36: {  	v3 =	vor.u32 v3, v4  }
0x37: {  	v4 =	vperm.xlane v3, v0;
	_ =	sdelay $0x1  }
0x38: {  	v4 =	vadd.s32 v1, v4;
	_ =	sdelay $0x3  }
0x39: {  	s0 =	rddreg [dreg:$0xc]  }
0x3a: {  	[tilespmem:s0], [sflag:$0x1] =	stream.indirect_vreg.gather [hbm4b:s3+s2], $0x80, v4, vm0, $0xb8;
	[tilespmem:$0x10080] =	vst v63  }
0x3b: {  	s10 =	rddreg [dreg:$0xd];
	v3 =	vperm.xlane v3, v2  }
0x3c: {  	[tilespmem:s10], [sflag:$0x1] =	stream.indirect_vreg.gather [hbm4b:s4+s2], $0x80, v4, vm0, $0xb8;
	[tilespmem:$0x10080] =	vst v63  }
0x3d: {  	v3 =	vadd.s32 v1, v3;
	s0 =	rddreg [dreg:$0xe]  }
0x3e: {  	[tilespmem:s0], [sflag:$0x1] =	stream.indirect_vreg.gather [hbm4b:s5+s2], $0x80, v4, vm0, $0xb8;
	[tilespmem:$0x10080] =	vst v63  }
0x3f: {  	s10 =	simm.s32 $0x5880  }
0x40: {  	[tilespmem:s10], [sflag:$0x1] =	stream.indirect_vreg.gather [hbm4b:s6+s2], $0x80, v4, vm0, $0xb8;
	[tilespmem:$0x10080] =	vst v63  }
0x41: {  	_ = 	snop  }
0x42: {  	[tilespmem:s11], [sflag:$0x1] =	stream.indirect_vreg.gather [hbm4b:s3+s2], $0x80, v3, vm0, $0xb8;
	[tilespmem:$0x10080] =	vst v63  }
0x43: {  	_ = 	snop  }
0x44: {  	[tilespmem:s12], [sflag:$0x1] =	stream.indirect_vreg.gather [hbm4b:s4+s2], $0x80, v3, vm0, $0xb8;
	[tilespmem:$0x10080] =	vst v63  }
0x45: {  	_ = 	snop  }
0x46: {  	[tilespmem:s13], [sflag:$0x1] =	stream.indirect_vreg.gather [hbm4b:s5+s2], $0x80, v3, vm0, $0xb8;
	[tilespmem:$0x10080] =	vst v63  }
0x47: {  	_ = 	snop  }
0x48: {  	[tilespmem:s14], [sflag:$0x1] =	stream.indirect_vreg.gather [hbm4b:s6+s2], $0x80, v3, vm0, $0xb8;
	[tilespmem:$0x10080] =	vst v63  }
0x49: {  	v3 =	vld [tilespmem:$0x20];
	_ =	sdelay $0x4  }
0x4a: {  	v62 =	vshll.u32 v3, $0x3  }
0x4b: {  	v3 =	vand.u32 $0x7, v3;
	v4 =	vand.u32 $0xFFFFFFC0, v62  }
0x4c: {  	v3 =	vor.u32 v3, v4  }
0x4d: {  	v4 =	vperm.xlane v3, v0;
	_ =	sdelay $0x1  }
0x4e: {  	v4 =	vadd.s32 v1, v4;
	_ =	sdelay $0x4  }
0x4f: {  	[tilespmem:s15], [sflag:$0x1] =	stream.indirect_vreg.gather [hbm4b:s3+s2], $0x80, v4, vm0, $0xb8;
	[tilespmem:$0x10080] =	vst v63  }
0x50: {  	v3 =	vperm.xlane v3, v2  }
0x51: {  	[tilespmem:s16], [sflag:$0x1] =	stream.indirect_vreg.gather [hbm4b:s4+s2], $0x80, v4, vm0, $0xb8;
	[tilespmem:$0x10080] =	vst v63  }
0x52: {  	v3 =	vadd.s32 v1, v3  }
0x53: {  	[tilespmem:s17], [sflag:$0x1] =	stream.indirect_vreg.gather [hbm4b:s5+s2], $0x80, v4, vm0, $0xb8;
	[tilespmem:$0x10080] =	vst v63  }
0x54: {  	_ = 	snop  }
0x55: {  	[tilespmem:s18], [sflag:$0x1] =	stream.indirect_vreg.gather [hbm4b:s6+s2], $0x80, v4, vm0, $0xb8;
	[tilespmem:$0x10080] =	vst v63  }
0x56: {  	_ = 	snop  }
0x57: {  	[tilespmem:s19], [sflag:$0x1] =	stream.indirect_vreg.gather [hbm4b:s3+s2], $0x80, v3, vm0, $0xb8;
	[tilespmem:$0x10080] =	vst v63  }
0x58: {  	_ = 	snop  }
0x59: {  	[tilespmem:s20], [sflag:$0x1] =	stream.indirect_vreg.gather [hbm4b:s4+s2], $0x80, v3, vm0, $0xb8;
	[tilespmem:$0x10080] =	vst v63  }
0x5a: {  	_ = 	snop  }
0x5b: {  	[tilespmem:s21], [sflag:$0x1] =	stream.indirect_vreg.gather [hbm4b:s5+s2], $0x80, v3, vm0, $0xb8;
	[tilespmem:$0x10080] =	vst v63  }
0x5c: {  	_ = 	snop  }
0x5d: {  	[tilespmem:s22], [sflag:$0x1] =	stream.indirect_vreg.gather [hbm4b:s6+s2], $0x80, v3, vm0, $0xb8;
	[tilespmem:$0x10080] =	vst v63  }
0x5e: {  	v3 =	vld [tilespmem:$0x30];
	_ =	sdelay $0x4  }
0x5f: {  	v63 =	vshll.u32 v3, $0x3  }
0x60: {  	v3 =	vand.u32 $0x7, v3;
	v4 =	vand.u32 $0xFFFFFFC0, v63  }
0x61: {  	v3 =	vor.u32 v3, v4  }
0x62: {  	v4 =	vperm.xlane v3, v0;
	_ =	sdelay $0x1  }
0x63: {  	v4 =	vadd.s32 v1, v4;
	_ =	sdelay $0x4  }
0x64: {  	[tilespmem:s23], [sflag:$0x1] =	stream.indirect_vreg.gather [hbm4b:s3+s2], $0x80, v4, vm0, $0xb8;
	[tilespmem:$0x10080] =	vst v63  }
0x65: {  	v3 =	vperm.xlane v3, v2  }
0x66: {  	[tilespmem:s24], [sflag:$0x1] =	stream.indirect_vreg.gather [hbm4b:s4+s2], $0x80, v4, vm0, $0xb8;
	[tilespmem:$0x10080] =	vst v63  }
0x67: {  	v3 =	vadd.s32 v1, v3  }
0x68: {  	[tilespmem:s25], [sflag:$0x1] =	stream.indirect_vreg.gather [hbm4b:s5+s2], $0x80, v4, vm0, $0xb8;
	[tilespmem:$0x10080] =	vst v63  }
0x69: {  	_ = 	snop  }
0x6a: {  	[tilespmem:s26], [sflag:$0x1] =	stream.indirect_vreg.gather [hbm4b:s6+s2], $0x80, v4, vm0, $0xb8;
	[tilespmem:$0x10080] =	vst v63  }
0x6b: {  	_ = 	snop  }
0x6c: {  	[tilespmem:s28], [sflag:$0x1] =	stream.indirect_vreg.gather [hbm4b:s3+s2], $0x80, v3, vm0, $0xb8;
	[tilespmem:$0x10080] =	vst v63  }
0x6d: {  	_ = 	snop  }
0x6e: {  	[tilespmem:s29], [sflag:$0x1] =	stream.indirect_vreg.gather [hbm4b:s4+s2], $0x80, v3, vm0, $0xb8;
	[tilespmem:$0x10080] =	vst v63  }
0x6f: {  	_ = 	snop  }
0x70: {  	[tilespmem:s30], [sflag:$0x1] =	stream.indirect_vreg.gather [hbm4b:s5+s2], $0x80, v3, vm0, $0xb8;
	[tilespmem:$0x10080] =	vst v63  }
0x71: {  	_ = 	snop  }
0x72: {  	[tilespmem:s31], [sflag:$0x1] =	stream.indirect_vreg.gather [hbm4b:s6+s2], $0x80, v3, vm0, $0xb8;
	[tilespmem:$0x10080] =	vst v63  }
0x73: {  	_ =	swait.ge [sflag:s1], $0x10000  }
0x74: {  	p0 =	sne.s32 s7, $0x1;
	[sflag:s1] =	ssyncset.done $0x0  }
.Ltmp0:
0x75: {  	s10 =	rddreg [dreg:$0x4];
	[sflag:s1] =	ssyncadd.s32 $0xFFFF0000;
	(pc) =	sbr.rel @p0 .LBB2_1-.Ltmp0, $4  }
0x76: {  	[hbm4b:s10+s2] =	stream.linear.scatter [tilespmem:s9], [sflag:$0x2], $0x10000, $0x38;
	[tilespmem:$0x10080] =	vst v63  }
0x77: {  	_ =	swait.ge [sflag:s8], $0x10000  }
0x78: {  	[sflag:s8] =	ssyncset.done $0x0  }
0x79: {  	s7 =	sadd.s32 $0xFFFFFFFF, s7;
	[sflag:s8] =	ssyncadd.s32 $0xFFFF0000  }
0x7a: {  	_ =	sfence.sel $0x180000  }
0x7b: {  	[bflag:$0x0] =	sbarrier.arrive $0xFFFF  }
0x7c: {  	_ =	strace $0x9000004A  }
0x7d: {  	s0 =	stileid.u32;
	[bflag:$0x2] =	sbarrier.arrive $0xFFFF  }
0x7e: {  	p0 =	sne.s32 s0, $0x0;
	s0 =	rddreg [dreg:$0x2]  }
0x7f: {  	s0 =	sadd.s32 @!p0 $0x100000, s0  }
0x80: {  	[sflag:s0] =	ssyncadd.tile.s32 @!p0 $0x1;
	_ =	shalt  }
.Lfunc_end2:
_tile_overlayer_lowered:
.L_overlay_start_2:
0x81: {  	(tag) =	ssettag $0x2  }
0x82: {  	s0 =	rddreg [dreg:$0x0];
	s2 =	stileid.u32  }
0x83: {  	s1 =	rddreg [dreg:$0x1];
	p0 =	sne.s32 s2, $0x0  }
0x84: {  	s3 =	rddreg [dreg:$0x2];
	[bflag:$0x3] =	sbarrier.arrive $0xFFFF;
	s2 =	simm.s32 @!p0 $0x1C02  }
0x85: {  	[timem:s3], [sflag:s2] =	dma.local @!p0 [hbm:s0], s1  }
0x86: {  	s0 =	simm.s32 @!p0 $0x2  }
0x87: {  	_ =	swait.ge @!p0 [sflag:s0], s1  }
0x88: {  	s1 =	ssub.s32 @!p0 $0x0, s1;
	[sflag:s0] =	ssyncset.done @!p0 $0x0  }
0x89: {  	[sflag:s0] =	ssyncadd.s32 @!p0 s1  }
0x8a: {  	[bflag:$0x3] =	sbarrier.arrive $0xFFFF  }
0x8b: {  	_ =	shalt  }

</sc_bundles>
